<compile_context>
chip_gen: v7x
topology: tpu7x:2x2x1
jax: 0.10.2.dev20260603
libtpu: 0.0.44.dev20260713+nightly
codegen_flags: <defaults>
</compile_context>

<pallas_src>
import jax
import jax.numpy as jnp
from jax import lax
from jax.experimental import pallas as pl
from jax.experimental.pallas import tpu as pltpu, tpu_sc as plsc

_D = 128
_SCALE = float(_D) ** 0.5
_NC = 2
_NS = 16
_NW = _NC * _NS

_B = 4096 * 200
_BPW = _B // _NW
_CHUNK = 80
_NCHUNK = _BPW // _CHUNK
_NBUF = 8
_PF = 6


def _gather_body(x_hbm, wte_hbm, out_hbm, idx_v, rows, gsems, ssems):
    wid = lax.axis_index("s") * _NC + lax.axis_index("c")
    base = wid * _BPW
    pltpu.sync_copy(x_hbm.at[pl.ds(base, _BPW)], idx_v)

    def start_gather(c, b):
        pltpu.async_copy(wte_hbm.at[idx_v.at[pl.ds(c * _CHUNK, _CHUNK)]],
                         rows[b], gsems[b])

    def wait_gather(b):
        pltpu.make_async_copy(wte_hbm.at[idx_v.at[pl.ds(0, _CHUNK)]],
                              rows[b], gsems[b]).wait()

    def start_store(c, b):
        pltpu.async_copy(rows[b], out_hbm.at[pl.ds(base + c * _CHUNK, _CHUNK)],
                         ssems[b])

    def wait_store(c, b):
        pltpu.make_async_copy(rows[b],
                              out_hbm.at[pl.ds(base + c * _CHUNK, _CHUNK)],
                              ssems[b]).wait()

    def scale(b):
        def srow(r, carry):
            for u in range(2):
                for j in range(_D // 16):
                    sl = (r * 2 + u, pl.ds(j * 16, 16))
                    rows[b][sl] = rows[b][sl] * _SCALE
            return carry
        lax.fori_loop(0, _CHUNK // 2, srow, 0)

    for c in range(_PF):
        start_gather(c, c)

    def step(s, carry):
        for i in range(_NBUF):
            c = s * _NBUF + i
            b = i
            bpf = (i + _PF) % _NBUF

            @pl.when(jnp.logical_and(c + _PF < _NCHUNK, c >= _NBUF - _PF))
            def _():
                wait_store(c + _PF - _NBUF, bpf)

            @pl.when(c + _PF < _NCHUNK)
            def _():
                start_gather(c + _PF, bpf)

            wait_gather(b)
            scale(b)
            start_store(c, b)
        return carry

    lax.fori_loop(0, _NCHUNK // _NBUF, step, 0)

    for i in range(_NBUF):
        c = _NCHUNK - _NBUF + i
        wait_store(c, c % _NBUF)


_sc_gather = pl.kernel(
    _gather_body,
    out_type=jax.ShapeDtypeStruct((_B, _D), jnp.float32),
    mesh=plsc.VectorSubcoreMesh(core_axis_name="c", subcore_axis_name="s"),
    scratch_types=[
        pltpu.VMEM((_BPW,), jnp.int32),
        [pltpu.VMEM((_CHUNK, _D), jnp.float32) for _ in range(_NBUF)],
        [pltpu.SemaphoreType.DMA for _ in range(_NBUF)],
        [pltpu.SemaphoreType.DMA for _ in range(_NBUF)],
    ],
)


def kernel(X, wte):
    n, t = X.shape
    x_flat = X.reshape(n * t).astype(jnp.int32)
    out = _sc_gather(x_flat, wte)
    return out.reshape(n, t, _D)

# --- scband reference (transcript-rebuilt; emitter-appended) ---
"""Pipeline reference for scband-embedding-7206955123489 (READ-ONLY COPY).

The authoritative reference and input builder live on the scoring server;
editing this copy changes nothing except your own understanding.
"""

import jax, jax.numpy as jnp
import numpy as np

D_MODEL = 128
VOCAB = 100000

def setup_inputs(seed: int = 0) -> dict:
    key = jax.random.key(seed)
    k1, k2 = jax.random.split(key)
    X = jax.random.randint(k1, (4096, 200), 0, VOCAB, dtype=jnp.int64 if jax.config.jax_enable_x64 else jnp.int32)
    wte = jax.random.normal(k2, (VOCAB, D_MODEL), dtype=jnp.float32)
    return {"X": X, "wte": wte}

def reference(X, wte):
    # Embedding lookup followed by sqrt(d_model) scaling, faithful to
    # self.wte(X) * self.d_model ** 0.5
    emb = jnp.take(wte, X, axis=0)
    return emb * (D_MODEL ** 0.5)

if __name__ == "__main__":
    import jax
    _d = setup_inputs()
    print(jax.jit(kernel)(*tuple(_d.values())))

</pallas_src>

<mosaic_0001>
#map = affine_map<(d0, d1) -> (0)>
#map1 = affine_map<(d0, d1) -> (0, 0)>
module attributes {stable_mosaic.version = 14 : i64} {
  func.func @_gather_body(%arg0: i32, %arg1: i32, %arg2: memref<819200xi32, #tpu.memory_space<hbm>>, %arg3: memref<100000x128xf32, #tpu.memory_space<hbm>>, %arg4: memref<819200x128xf32, #tpu.memory_space<hbm>>, %arg5: memref<25600xi32, #tpu.memory_space<vmem>>, %arg6: memref<80x128xf32, #tpu.memory_space<vmem>>, %arg7: memref<80x128xf32, #tpu.memory_space<vmem>>, %arg8: memref<80x128xf32, #tpu.memory_space<vmem>>, %arg9: memref<80x128xf32, #tpu.memory_space<vmem>>, %arg10: memref<80x128xf32, #tpu.memory_space<vmem>>, %arg11: memref<80x128xf32, #tpu.memory_space<vmem>>, %arg12: memref<80x128xf32, #tpu.memory_space<vmem>>, %arg13: memref<80x128xf32, #tpu.memory_space<vmem>>, %arg14: memref<!tpu.dma_semaphore, #tpu.memory_space<semaphore_mem>>, %arg15: memref<!tpu.dma_semaphore, #tpu.memory_space<semaphore_mem>>, %arg16: memref<!tpu.dma_semaphore, #tpu.memory_space<semaphore_mem>>, %arg17: memref<!tpu.dma_semaphore, #tpu.memory_space<semaphore_mem>>, %arg18: memref<!tpu.dma_semaphore, #tpu.memory_space<semaphore_mem>>, %arg19: memref<!tpu.dma_semaphore, #tpu.memory_space<semaphore_mem>>, %arg20: memref<!tpu.dma_semaphore, #tpu.memory_space<semaphore_mem>>, %arg21: memref<!tpu.dma_semaphore, #tpu.memory_space<semaphore_mem>>, %arg22: memref<!tpu.dma_semaphore, #tpu.memory_space<semaphore_mem>>, %arg23: memref<!tpu.dma_semaphore, #tpu.memory_space<semaphore_mem>>, %arg24: memref<!tpu.dma_semaphore, #tpu.memory_space<semaphore_mem>>, %arg25: memref<!tpu.dma_semaphore, #tpu.memory_space<semaphore_mem>>, %arg26: memref<!tpu.dma_semaphore, #tpu.memory_space<semaphore_mem>>, %arg27: memref<!tpu.dma_semaphore, #tpu.memory_space<semaphore_mem>>, %arg28: memref<!tpu.dma_semaphore, #tpu.memory_space<semaphore_mem>>, %arg29: memref<!tpu.dma_semaphore, #tpu.memory_space<semaphore_mem>>) attributes {dimension_semantics = [#tpu.dimension_semantics<core_parallel>, #tpu.dimension_semantics<subcore_parallel>], iteration_bounds = array<i64: 2, 16>, scalar_prefetch = 0 : i64, scratch_operands = 25 : i64, tpu.core_type = #tpu.core_type<sc_vector_subcore>, window_params = [{transform_indices = #map}, {transform_indices = #map1}, {transform_indices = #map1}]} {
    %mul3A = arith.constant 2 : i32
    %mul3A_0 = arith.muli %arg1, %mul3A : i32
    %add3A = arith.addi %mul3A_0, %arg0 : i32
    %mul3A_1 = arith.constant 25600 : i32
    %mul3A_2 = arith.muli %add3A, %mul3A_1 : i32
    "tpu.region"() ({
      %run_scoped3A = tpu.sem_alloc : memref<!tpu.dma_semaphore, #tpu.memory_space<semaphore_mem>>
      %dma_start3A_84 = tpu.memref_slice %arg2[%mul3A_2] : memref<819200xi32, #tpu.memory_space<hbm>> -> memref<25600xi32, #tpu.memory_space<hbm>>
      %dma_start3A_85 = tpu.memref_slice %arg2[%mul3A_2] : memref<819200xi32, #tpu.memory_space<hbm>> -> memref<25600xi32, #tpu.memory_space<hbm>>
      tpu.enqueue_dma source(%dma_start3A_85 : memref<25600xi32, #tpu.memory_space<hbm>>) target(%arg5 : memref<25600xi32, #tpu.memory_space<vmem>>) target_semaphore(%run_scoped3A : memref<!tpu.dma_semaphore, #tpu.memory_space<semaphore_mem>>)
      %dma_wait3A_86 = tpu.memref_slice %arg2[%mul3A_2] : memref<819200xi32, #tpu.memory_space<hbm>> -> memref<25600xi32, #tpu.memory_space<hbm>>
      %dma_wait3A_87 = tpu.memref_slice %arg2[%mul3A_2] : memref<819200xi32, #tpu.memory_space<hbm>> -> memref<25600xi32, #tpu.memory_space<hbm>>
      tpu.wait_dma2 semaphore(%run_scoped3A : memref<!tpu.dma_semaphore, #tpu.memory_space<semaphore_mem>>) src(%dma_wait3A_87 : memref<25600xi32, #tpu.memory_space<hbm>>) dst(%arg5 : memref<25600xi32, #tpu.memory_space<vmem>>)
      tpu.yield
    }) : () -> ()
    %dma_start3A = arith.constant 0 : i32
    %dma_start3A_3 = tpu.memref_slice %arg5[%dma_start3A] : memref<25600xi32, #tpu.memory_space<vmem>> -> memref<80xi32, #tpu.memory_space<vmem>>
    %dma_start3A_4 = arith.constant 0 : i32
    %dma_start3A_5 = arith.constant 0 : i32
    %dma_start3A_6 = tpu.memref_slice %arg3[%dma_start3A_4, %dma_start3A_5] : memref<100000x128xf32, #tpu.memory_space<hbm>> -> memref<100000x128xf32, #tpu.memory_space<hbm>>
    tpu.enqueue_indirect_dma source(%dma_start3A_6 : memref<100000x128xf32, #tpu.memory_space<hbm>>) target(%arg6 : memref<80x128xf32, #tpu.memory_space<vmem>>) offsets(%dma_start3A_3 : memref<80xi32, #tpu.memory_space<vmem>>) semaphore(%arg14 : memref<!tpu.dma_semaphore, #tpu.memory_space<semaphore_mem>>)
    %dma_start3A_7 = arith.constant 80 : i32
    %dma_start3A_8 = tpu.memref_slice %arg5[%dma_start3A_7] : memref<25600xi32, #tpu.memory_space<vmem>> -> memref<80xi32, #tpu.memory_space<vmem>>
    %dma_start3A_9 = arith.constant 0 : i32
    %dma_start3A_10 = arith.constant 0 : i32
    %dma_start3A_11 = tpu.memref_slice %arg3[%dma_start3A_9, %dma_start3A_10] : memref<100000x128xf32, #tpu.memory_space<hbm>> -> memref<100000x128xf32, #tpu.memory_space<hbm>>
    tpu.enqueue_indirect_dma source(%dma_start3A_11 : memref<100000x128xf32, #tpu.memory_space<hbm>>) target(%arg7 : memref<80x128xf32, #tpu.memory_space<vmem>>) offsets(%dma_start3A_8 : memref<80xi32, #tpu.memory_space<vmem>>) semaphore(%arg15 : memref<!tpu.dma_semaphore, #tpu.memory_space<semaphore_mem>>)
    %dma_start3A_12 = arith.constant 160 : i32
    %dma_start3A_13 = tpu.memref_slice %arg5[%dma_start3A_12] : memref<25600xi32, #tpu.memory_space<vmem>> -> memref<80xi32, #tpu.memory_space<vmem>>
    %dma_start3A_14 = arith.constant 0 : i32
    %dma_start3A_15 = arith.constant 0 : i32
    %dma_start3A_16 = tpu.memref_slice %arg3[%dma_start3A_14, %dma_start3A_15] : memref<100000x128xf32, #tpu.memory_space<hbm>> -> memref<100000x128xf32, #tpu.memory_space<hbm>>
    tpu.enqueue_indirect_dma source(%dma_start3A_16 : memref<100000x128xf32, #tpu.memory_space<hbm>>) target(%arg8 : memref<80x128xf32, #tpu.memory_space<vmem>>) offsets(%dma_start3A_13 : memref<80xi32, #tpu.memory_space<vmem>>) semaphore(%arg16 : memref<!tpu.dma_semaphore, #tpu.memory_space<semaphore_mem>>)
    %dma_start3A_17 = arith.constant 240 : i32
    %dma_start3A_18 = tpu.memref_slice %arg5[%dma_start3A_17] : memref<25600xi32, #tpu.memory_space<vmem>> -> memref<80xi32, #tpu.memory_space<vmem>>
    %dma_start3A_19 = arith.constant 0 : i32
    %dma_start3A_20 = arith.constant 0 : i32
    %dma_start3A_21 = tpu.memref_slice %arg3[%dma_start3A_19, %dma_start3A_20] : memref<100000x128xf32, #tpu.memory_space<hbm>> -> memref<100000x128xf32, #tpu.memory_space<hbm>>
    tpu.enqueue_indirect_dma source(%dma_start3A_21 : memref<100000x128xf32, #tpu.memory_space<hbm>>) target(%arg9 : memref<80x128xf32, #tpu.memory_space<vmem>>) offsets(%dma_start3A_18 : memref<80xi32, #tpu.memory_space<vmem>>) semaphore(%arg17 : memref<!tpu.dma_semaphore, #tpu.memory_space<semaphore_mem>>)
    %dma_start3A_22 = arith.constant 320 : i32
    %dma_start3A_23 = tpu.memref_slice %arg5[%dma_start3A_22] : memref<25600xi32, #tpu.memory_space<vmem>> -> memref<80xi32, #tpu.memory_space<vmem>>
    %dma_start3A_24 = arith.constant 0 : i32
    %dma_start3A_25 = arith.constant 0 : i32
    %dma_start3A_26 = tpu.memref_slice %arg3[%dma_start3A_24, %dma_start3A_25] : memref<100000x128xf32, #tpu.memory_space<hbm>> -> memref<100000x128xf32, #tpu.memory_space<hbm>>
    tpu.enqueue_indirect_dma source(%dma_start3A_26 : memref<100000x128xf32, #tpu.memory_space<hbm>>) target(%arg10 : memref<80x128xf32, #tpu.memory_space<vmem>>) offsets(%dma_start3A_23 : memref<80xi32, #tpu.memory_space<vmem>>) semaphore(%arg18 : memref<!tpu.dma_semaphore, #tpu.memory_space<semaphore_mem>>)
    %dma_start3A_27 = arith.constant 400 : i32
    %dma_start3A_28 = tpu.memref_slice %arg5[%dma_start3A_27] : memref<25600xi32, #tpu.memory_space<vmem>> -> memref<80xi32, #tpu.memory_space<vmem>>
    %dma_start3A_29 = arith.constant 0 : i32
    %dma_start3A_30 = arith.constant 0 : i32
    %dma_start3A_31 = tpu.memref_slice %arg3[%dma_start3A_29, %dma_start3A_30] : memref<100000x128xf32, #tpu.memory_space<hbm>> -> memref<100000x128xf32, #tpu.memory_space<hbm>>
    tpu.enqueue_indirect_dma source(%dma_start3A_31 : memref<100000x128xf32, #tpu.memory_space<hbm>>) target(%arg11 : memref<80x128xf32, #tpu.memory_space<vmem>>) offsets(%dma_start3A_28 : memref<80xi32, #tpu.memory_space<vmem>>) semaphore(%arg19 : memref<!tpu.dma_semaphore, #tpu.memory_space<semaphore_mem>>)
    %scan3A = arith.constant 0 : i32
    %scan3A_32 = arith.constant 0 : i32
    %scan3A_33 = arith.constant 40 : i32
    %scan3A_34 = arith.addi %scan3A_32, %scan3A_33 : i32
    %scan3A_35 = arith.constant 1 : i32
    scf.for %scan3A_84 = %scan3A_32 to %scan3A_34 step %scan3A_35  : i32 {
      %mul3A_85 = arith.constant 8 : i32
      %mul3A_86 = arith.muli %scan3A_84, %mul3A_85 : i32
      %add3A_87 = arith.constant 0 : i32
      %add3A_88 = arith.addi %mul3A_86, %add3A_87 : i32
      %add3A_89 = arith.constant 6 : i32
      %add3A_90 = arith.addi %add3A_88, %add3A_89 : i32
      %lt3A = arith.constant 320 : i32
      %lt3A_91 = arith.cmpi slt, %add3A_90, %lt3A : i32
      %ge3A = arith.constant 2 : i32
      %ge3A_92 = arith.cmpi sge, %add3A_88, %ge3A : i32
      %and3A = arith.andi %lt3A_91, %ge3A_92 : i1
      %convert_element_type3A = arith.extui %and3A : i1 to i32
      %cond3A = arith.constant 0 : i32
      %cond3A_93 = arith.cmpi ne, %convert_element_type3A, %cond3A : i32
      scf.if %cond3A_93 {
        %add3A_392 = arith.constant 6 : i32
        %add3A_393 = arith.addi %add3A_88, %add3A_392 : i32
        %sub3A = arith.constant 8 : i32
        %sub3A_394 = arith.subi %add3A_393, %sub3A : i32
        %mul3A_395 = arith.constant 80 : i32
        %mul3A_396 = arith.muli %sub3A_394, %mul3A_395 : i32
        %add3A_397 = arith.addi %mul3A_2, %mul3A_396 : i32
        %dma_wait3A_398 = arith.constant 0 : i32
        %dma_wait3A_399 = tpu.memref_slice %arg4[%add3A_397, %dma_wait3A_398] : memref<819200x128xf32, #tpu.memory_space<hbm>> -> memref<80x128xf32, #tpu.memory_space<hbm>>
        %dma_wait3A_400 = arith.constant 0 : i32
        %dma_wait3A_401 = tpu.memref_slice %arg4[%add3A_397, %dma_wait3A_400] : memref<819200x128xf32, #tpu.memory_space<hbm>> -> memref<80x128xf32, #tpu.memory_space<hbm>>
        tpu.wait_dma2 semaphore(%arg28 : memref<!tpu.dma_semaphore, #tpu.memory_space<semaphore_mem>>) src(%arg12 : memref<80x128xf32, #tpu.memory_space<vmem>>) dst(%dma_wait3A_401 : memref<80x128xf32, #tpu.memory_space<hbm>>)
      } else {
      }
      %add3A_94 = arith.constant 6 : i32
      %add3A_95 = arith.addi %add3A_88, %add3A_94 : i32
      %lt3A_96 = arith.constant 320 : i32
      %lt3A_97 = arith.cmpi slt, %add3A_95, %lt3A_96 : i32
      %convert_element_type3A_98 = arith.extui %lt3A_97 : i1 to i32
      %cond3A_99 = arith.constant 0 : i32
      %cond3A_100 = arith.cmpi ne, %convert_element_type3A_98, %cond3A_99 : i32
      scf.if %cond3A_100 {
        %add3A_392 = arith.constant 6 : i32
        %add3A_393 = arith.addi %add3A_88, %add3A_392 : i32
        %mul3A_394 = arith.constant 80 : i32
        %mul3A_395 = arith.muli %add3A_393, %mul3A_394 : i32
        %dma_start3A_396 = tpu.memref_slice %arg5[%mul3A_395] : memref<25600xi32, #tpu.memory_space<vmem>> -> memref<80xi32, #tpu.memory_space<vmem>>
        %dma_start3A_397 = arith.constant 0 : i32
        %dma_start3A_398 = arith.constant 0 : i32
        %dma_start3A_399 = tpu.memref_slice %arg3[%dma_start3A_397, %dma_start3A_398] : memref<100000x128xf32, #tpu.memory_space<hbm>> -> memref<100000x128xf32, #tpu.memory_space<hbm>>
        tpu.enqueue_indirect_dma source(%dma_start3A_399 : memref<100000x128xf32, #tpu.memory_space<hbm>>) target(%arg12 : memref<80x128xf32, #tpu.memory_space<vmem>>) offsets(%dma_start3A_396 : memref<80xi32, #tpu.memory_space<vmem>>) semaphore(%arg20 : memref<!tpu.dma_semaphore, #tpu.memory_space<semaphore_mem>>)
      } else {
      }
      %dma_wait3A_101 = arith.constant 0 : i32
      %dma_wait3A_102 = tpu.memref_slice %arg5[%dma_wait3A_101] : memref<25600xi32, #tpu.memory_space<vmem>> -> memref<80xi32, #tpu.memory_space<vmem>>
      %dma_wait3A_103 = arith.constant 0 : i32
      %dma_wait3A_104 = arith.constant 0 : i32
      %dma_wait3A_105 = tpu.memref_slice %arg3[%dma_wait3A_103, %dma_wait3A_104] : memref<100000x128xf32, #tpu.memory_space<hbm>> -> memref<100000x128xf32, #tpu.memory_space<hbm>>
      tpu.wait_indirect_dma semaphore(%arg14 : memref<!tpu.dma_semaphore, #tpu.memory_space<semaphore_mem>>) src(%dma_wait3A_105 : memref<100000x128xf32, #tpu.memory_space<hbm>>) dst(%arg6 : memref<80x128xf32, #tpu.memory_space<vmem>>)
      %scan3A_106 = arith.constant 0 : i32
      %scan3A_107 = arith.constant 0 : i32
      %scan3A_108 = arith.constant 40 : i32
      %scan3A_109 = arith.addi %scan3A_107, %scan3A_108 : i32
      %scan3A_110 = arith.constant 1 : i32
      scf.for %scan3A_392 = %scan3A_107 to %scan3A_109 step %scan3A_110  : i32 {
        %mul3A_393 = arith.constant 2 : i32
        %mul3A_394 = arith.muli %scan3A_392, %mul3A_393 : i32
        %add3A_395 = arith.constant 0 : i32
        %add3A_396 = arith.addi %mul3A_394, %add3A_395 : i32
        %get3A = arith.index_cast %add3A_396 : i32 to index
        %get3A_397 = arith.constant 0 : index
        %get3A_398 = tpu.vector_load %arg6[%get3A, %get3A_397] {strides = array<i32>} : memref<80x128xf32, #tpu.memory_space<vmem>>, vector<1x16xf32>,
        %get3A_399 = vector.shape_cast %get3A_398 : vector<1x16xf32> to vector<16xf32>
        %mul3A_400 = arith.constant 11.3137083 : f32
        %mul3A_401 = vector.broadcast %mul3A_400 : f32 to vector<16xf32>
        %mul3A_402 = arith.mulf %get3A_399, %mul3A_401 : vector<16xf32>
        %swap3A = arith.index_cast %add3A_396 : i32 to index
        %swap3A_403 = arith.constant 0 : index
        %swap3A_404 = tpu.vector_load %arg6[%swap3A, %swap3A_403] {strides = array<i32>} : memref<80x128xf32, #tpu.memory_space<vmem>>, vector<1x16xf32>,
        %swap3A_405 = vector.shape_cast %swap3A_404 : vector<1x16xf32> to vector<16xf32>
        %swap3A_406 = vector.shape_cast %mul3A_402 : vector<16xf32> to vector<1x16xf32>
        tpu.vector_store %arg6[%swap3A, %swap3A_403], %swap3A_406 {strides = array<i32>} : memref<80x128xf32, #tpu.memory_space<vmem>>, vector<1x16xf32>,
        %mul3A_407 = arith.constant 2 : i32
        %mul3A_408 = arith.muli %scan3A_392, %mul3A_407 : i32
        %add3A_409 = arith.constant 0 : i32
        %add3A_410 = arith.addi %mul3A_408, %add3A_409 : i32
        %get3A_411 = arith.index_cast %add3A_410 : i32 to index
        %get3A_412 = arith.constant 16 : index
        %get3A_413 = tpu.vector_load %arg6[%get3A_411, %get3A_412] {strides = array<i32>} : memref<80x128xf32, #tpu.memory_space<vmem>>, vector<1x16xf32>,
        %get3A_414 = vector.shape_cast %get3A_413 : vector<1x16xf32> to vector<16xf32>
        %mul3A_415 = arith.constant 11.3137083 : f32
        %mul3A_416 = vector.broadcast %mul3A_415 : f32 to vector<16xf32>
        %mul3A_417 = arith.mulf %get3A_414, %mul3A_416 : vector<16xf32>
        %swap3A_418 = arith.index_cast %add3A_410 : i32 to index
        %swap3A_419 = arith.constant 16 : index
        %swap3A_420 = tpu.vector_load %arg6[%swap3A_418, %swap3A_419] {strides = array<i32>} : memref<80x128xf32, #tpu.memory_space<vmem>>, vector<1x16xf32>,
        %swap3A_421 = vector.shape_cast %swap3A_420 : vector<1x16xf32> to vector<16xf32>
        %swap3A_422 = vector.shape_cast %mul3A_417 : vector<16xf32> to vector<1x16xf32>
        tpu.vector_store %arg6[%swap3A_418, %swap3A_419], %swap3A_422 {strides = array<i32>} : memref<80x128xf32, #tpu.memory_space<vmem>>, vector<1x16xf32>,
        %mul3A_423 = arith.constant 2 : i32
        %mul3A_424 = arith.muli %scan3A_392, %mul3A_423 : i32
        %add3A_425 = arith.constant 0 : i32
        %add3A_426 = arith.addi %mul3A_424, %add3A_425 : i32
        %get3A_427 = arith.index_cast %add3A_426 : i32 to index
        %get3A_428 = arith.constant 32 : index
        %get3A_429 = tpu.vector_load %arg6[%get3A_427, %get3A_428] {strides = array<i32>} : memref<80x128xf32, #tpu.memory_space<vmem>>, vector<1x16xf32>,
        %get3A_430 = vector.shape_cast %get3A_429 : vector<1x16xf32> to vector<16xf32>
        %mul3A_431 = arith.constant 11.3137083 : f32
        %mul3A_432 = vector.broadcast %mul3A_431 : f32 to vector<16xf32>
        %mul3A_433 = arith.mulf %get3A_430, %mul3A_432 : vector<16xf32>
        %swap3A_434 = arith.index_cast %add3A_426 : i32 to index
        %swap3A_435 = arith.constant 32 : index
        %swap3A_436 = tpu.vector_load %arg6[%swap3A_434, %swap3A_435] {strides = array<i32>} : memref<80x128xf32, #tpu.memory_space<vmem>>, vector<1x16xf32>,
        %swap3A_437 = vector.shape_cast %swap3A_436 : vector<1x16xf32> to vector<16xf32>
        %swap3A_438 = vector.shape_cast %mul3A_433 : vector<16xf32> to vector<1x16xf32>
        tpu.vector_store %arg6[%swap3A_434, %swap3A_435], %swap3A_438 {strides = array<i32>} : memref<80x128xf32, #tpu.memory_space<vmem>>, vector<1x16xf32>,
        %mul3A_439 = arith.constant 2 : i32
        %mul3A_440 = arith.muli %scan3A_392, %mul3A_439 : i32
        %add3A_441 = arith.constant 0 : i32
        %add3A_442 = arith.addi %mul3A_440, %add3A_441 : i32
        %get3A_443 = arith.index_cast %add3A_442 : i32 to index
        %get3A_444 = arith.constant 48 : index
        %get3A_445 = tpu.vector_load %arg6[%get3A_443, %get3A_444] {strides = array<i32>} : memref<80x128xf32, #tpu.memory_space<vmem>>, vector<1x16xf32>,
        %get3A_446 = vector.shape_cast %get3A_445 : vector<1x16xf32> to vector<16xf32>
        %mul3A_447 = arith.constant 11.3137083 : f32
        %mul3A_448 = vector.broadcast %mul3A_447 : f32 to vector<16xf32>
        %mul3A_449 = arith.mulf %get3A_446, %mul3A_448 : vector<16xf32>
        %swap3A_450 = arith.index_cast %add3A_442 : i32 to index
        %swap3A_451 = arith.constant 48 : index
        %swap3A_452 = tpu.vector_load %arg6[%swap3A_450, %swap3A_451] {strides = array<i32>} : memref<80x128xf32, #tpu.memory_space<vmem>>, vector<1x16xf32>,
        %swap3A_453 = vector.shape_cast %swap3A_452 : vector<1x16xf32> to vector<16xf32>
        %swap3A_454 = vector.shape_cast %mul3A_449 : vector<16xf32> to vector<1x16xf32>
        tpu.vector_store %arg6[%swap3A_450, %swap3A_451], %swap3A_454 {strides = array<i32>} : memref<80x128xf32, #tpu.memory_space<vmem>>, vector<1x16xf32>,
        %mul3A_455 = arith.constant 2 : i32
        %mul3A_456 = arith.muli %scan3A_392, %mul3A_455 : i32
        %add3A_457 = arith.constant 0 : i32
        %add3A_458 = arith.addi %mul3A_456, %add3A_457 : i32
        %get3A_459 = arith.index_cast %add3A_458 : i32 to index
        %get3A_460 = arith.constant 64 : index
        %get3A_461 = tpu.vector_load %arg6[%get3A_459, %get3A_460] {strides = array<i32>} : memref<80x128xf32, #tpu.memory_space<vmem>>, vector<1x16xf32>,
        %get3A_462 = vector.shape_cast %get3A_461 : vector<1x16xf32> to vector<16xf32>
        %mul3A_463 = arith.constant 11.3137083 : f32
        %mul3A_464 = vector.broadcast %mul3A_463 : f32 to vector<16xf32>
        %mul3A_465 = arith.mulf %get3A_462, %mul3A_464 : vector<16xf32>
        %swap3A_466 = arith.index_cast %add3A_458 : i32 to index
        %swap3A_467 = arith.constant 64 : index
        %swap3A_468 = tpu.vector_load %arg6[%swap3A_466, %swap3A_467] {strides = array<i32>} : memref<80x128xf32, #tpu.memory_space<vmem>>, vector<1x16xf32>,
        %swap3A_469 = vector.shape_cast %swap3A_468 : vector<1x16xf32> to vector<16xf32>
        %swap3A_470 = vector.shape_cast %mul3A_465 : vector<16xf32> to vector<1x16xf32>
        tpu.vector_store %arg6[%swap3A_466, %swap3A_467], %swap3A_470 {strides = array<i32>} : memref<80x128xf32, #tpu.memory_space<vmem>>, vector<1x16xf32>,
        %mul3A_471 = arith.constant 2 : i32
        %mul3A_472 = arith.muli %scan3A_392, %mul3A_471 : i32
        %add3A_473 = arith.constant 0 : i32
        %add3A_474 = arith.addi %mul3A_472, %add3A_473 : i32
        %get3A_475 = arith.index_cast %add3A_474 : i32 to index
        %get3A_476 = arith.constant 80 : index
        %get3A_477 = tpu.vector_load %arg6[%get3A_475, %get3A_476] {strides = array<i32>} : memref<80x128xf32, #tpu.memory_space<vmem>>, vector<1x16xf32>,
        %get3A_478 = vector.shape_cast %get3A_477 : vector<1x16xf32> to vector<16xf32>
        %mul3A_479 = arith.constant 11.3137083 : f32
        %mul3A_480 = vector.broadcast %mul3A_479 : f32 to vector<16xf32>
        %mul3A_481 = arith.mulf %get3A_478, %mul3A_480 : vector<16xf32>
        %swap3A_482 = arith.index_cast %add3A_474 : i32 to index
        %swap3A_483 = arith.constant 80 : index
        %swap3A_484 = tpu.vector_load %arg6[%swap3A_482, %swap3A_483] {strides = array<i32>} : memref<80x128xf32, #tpu.memory_space<vmem>>, vector<1x16xf32>,
        %swap3A_485 = vector.shape_cast %swap3A_484 : vector<1x16xf32> to vector<16xf32>
        %swap3A_486 = vector.shape_cast %mul3A_481 : vector<16xf32> to vector<1x16xf32>
        tpu.vector_store %arg6[%swap3A_482, %swap3A_483], %swap3A_486 {strides = array<i32>} : memref<80x128xf32, #tpu.memory_space<vmem>>, vector<1x16xf32>,
        %mul3A_487 = arith.constant 2 : i32
        %mul3A_488 = arith.muli %scan3A_392, %mul3A_487 : i32
        %add3A_489 = arith.constant 0 : i32
        %add3A_490 = arith.addi %mul3A_488, %add3A_489 : i32
        %get3A_491 = arith.index_cast %add3A_490 : i32 to index
        %get3A_492 = arith.constant 96 : index
        %get3A_493 = tpu.vector_load %arg6[%get3A_491, %get3A_492] {strides = array<i32>} : memref<80x128xf32, #tpu.memory_space<vmem>>, vector<1x16xf32>,
        %get3A_494 = vector.shape_cast %get3A_493 : vector<1x16xf32> to vector<16xf32>
        %mul3A_495 = arith.constant 11.3137083 : f32
        %mul3A_496 = vector.broadcast %mul3A_495 : f32 to vector<16xf32>
        %mul3A_497 = arith.mulf %get3A_494, %mul3A_496 : vector<16xf32>
        %swap3A_498 = arith.index_cast %add3A_490 : i32 to index
        %swap3A_499 = arith.constant 96 : index
        %swap3A_500 = tpu.vector_load %arg6[%swap3A_498, %swap3A_499] {strides = array<i32>} : memref<80x128xf32, #tpu.memory_space<vmem>>, vector<1x16xf32>,
        %swap3A_501 = vector.shape_cast %swap3A_500 : vector<1x16xf32> to vector<16xf32>
        %swap3A_502 = vector.shape_cast %mul3A_497 : vector<16xf32> to vector<1x16xf32>
        tpu.vector_store %arg6[%swap3A_498, %swap3A_499], %swap3A_502 {strides = array<i32>} : memref<80x128xf32, #tpu.memory_space<vmem>>, vector<1x16xf32>,
        %mul3A_503 = arith.constant 2 : i32
        %mul3A_504 = arith.muli %scan3A_392, %mul3A_503 : i32
        %add3A_505 = arith.constant 0 : i32
        %add3A_506 = arith.addi %mul3A_504, %add3A_505 : i32
        %get3A_507 = arith.index_cast %add3A_506 : i32 to index
        %get3A_508 = arith.constant 112 : index
        %get3A_509 = tpu.vector_load %arg6[%get3A_507, %get3A_508] {strides = array<i32>} : memref<80x128xf32, #tpu.memory_space<vmem>>, vector<1x16xf32>,
        %get3A_510 = vector.shape_cast %get3A_509 : vector<1x16xf32> to vector<16xf32>
        %mul3A_511 = arith.constant 11.3137083 : f32
        %mul3A_512 = vector.broadcast %mul3A_511 : f32 to vector<16xf32>
        %mul3A_513 = arith.mulf %get3A_510, %mul3A_512 : vector<16xf32>
        %swap3A_514 = arith.index_cast %add3A_506 : i32 to index
        %swap3A_515 = arith.constant 112 : index
        %swap3A_516 = tpu.vector_load %arg6[%swap3A_514, %swap3A_515] {strides = array<i32>} : memref<80x128xf32, #tpu.memory_space<vmem>>, vector<1x16xf32>,
        %swap3A_517 = vector.shape_cast %swap3A_516 : vector<1x16xf32> to vector<16xf32>
        %swap3A_518 = vector.shape_cast %mul3A_513 : vector<16xf32> to vector<1x16xf32>
        tpu.vector_store %arg6[%swap3A_514, %swap3A_515], %swap3A_518 {strides = array<i32>} : memref<80x128xf32, #tpu.memory_space<vmem>>, vector<1x16xf32>,
        %mul3A_519 = arith.constant 2 : i32
        %mul3A_520 = arith.muli %scan3A_392, %mul3A_519 : i32
        %add3A_521 = arith.constant 1 : i32
        %add3A_522 = arith.addi %mul3A_520, %add3A_521 : i32
        %get3A_523 = arith.index_cast %add3A_522 : i32 to index
        %get3A_524 = arith.constant 0 : index
        %get3A_525 = tpu.vector_load %arg6[%get3A_523, %get3A_524] {strides = array<i32>} : memref<80x128xf32, #tpu.memory_space<vmem>>, vector<1x16xf32>,
        %get3A_526 = vector.shape_cast %get3A_525 : vector<1x16xf32> to vector<16xf32>
        %mul3A_527 = arith.constant 11.3137083 : f32
        %mul3A_528 = vector.broadcast %mul3A_527 : f32 to vector<16xf32>
        %mul3A_529 = arith.mulf %get3A_526, %mul3A_528 : vector<16xf32>
        %swap3A_530 = arith.index_cast %add3A_522 : i32 to index
        %swap3A_531 = arith.constant 0 : index
        %swap3A_532 = tpu.vector_load %arg6[%swap3A_530, %swap3A_531] {strides = array<i32>} : memref<80x128xf32, #tpu.memory_space<vmem>>, vector<1x16xf32>,
        %swap3A_533 = vector.shape_cast %swap3A_532 : vector<1x16xf32> to vector<16xf32>
        %swap3A_534 = vector.shape_cast %mul3A_529 : vector<16xf32> to vector<1x16xf32>
        tpu.vector_store %arg6[%swap3A_530, %swap3A_531], %swap3A_534 {strides = array<i32>} : memref<80x128xf32, #tpu.memory_space<vmem>>, vector<1x16xf32>,
        %mul3A_535 = arith.constant 2 : i32
        %mul3A_536 = arith.muli %scan3A_392, %mul3A_535 : i32
        %add3A_537 = arith.constant 1 : i32
        %add3A_538 = arith.addi %mul3A_536, %add3A_537 : i32
        %get3A_539 = arith.index_cast %add3A_538 : i32 to index
        %get3A_540 = arith.constant 16 : index
        %get3A_541 = tpu.vector_load %arg6[%get3A_539, %get3A_540] {strides = array<i32>} : memref<80x128xf32, #tpu.memory_space<vmem>>, vector<1x16xf32>,
        %get3A_542 = vector.shape_cast %get3A_541 : vector<1x16xf32> to vector<16xf32>
        %mul3A_543 = arith.constant 11.3137083 : f32
        %mul3A_544 = vector.broadcast %mul3A_543 : f32 to vector<16xf32>
        %mul3A_545 = arith.mulf %get3A_542, %mul3A_544 : vector<16xf32>
        %swap3A_546 = arith.index_cast %add3A_538 : i32 to index
        %swap3A_547 = arith.constant 16 : index
        %swap3A_548 = tpu.vector_load %arg6[%swap3A_546, %swap3A_547] {strides = array<i32>} : memref<80x128xf32, #tpu.memory_space<vmem>>, vector<1x16xf32>,
        %swap3A_549 = vector.shape_cast %swap3A_548 : vector<1x16xf32> to vector<16xf32>
        %swap3A_550 = vector.shape_cast %mul3A_545 : vector<16xf32> to vector<1x16xf32>
        tpu.vector_store %arg6[%swap3A_546, %swap3A_547], %swap3A_550 {strides = array<i32>} : memref<80x128xf32, #tpu.memory_space<vmem>>, vector<1x16xf32>,
        %mul3A_551 = arith.constant 2 : i32
        %mul3A_552 = arith.muli %scan3A_392, %mul3A_551 : i32
        %add3A_553 = arith.constant 1 : i32
        %add3A_554 = arith.addi %mul3A_552, %add3A_553 : i32
        %get3A_555 = arith.index_cast %add3A_554 : i32 to index
        %get3A_556 = arith.constant 32 : index
        %get3A_557 = tpu.vector_load %arg6[%get3A_555, %get3A_556] {strides = array<i32>} : memref<80x128xf32, #tpu.memory_space<vmem>>, vector<1x16xf32>,
        %get3A_558 = vector.shape_cast %get3A_557 : vector<1x16xf32> to vector<16xf32>
        %mul3A_559 = arith.constant 11.3137083 : f32
        %mul3A_560 = vector.broadcast %mul3A_559 : f32 to vector<16xf32>
        %mul3A_561 = arith.mulf %get3A_558, %mul3A_560 : vector<16xf32>
        %swap3A_562 = arith.index_cast %add3A_554 : i32 to index
        %swap3A_563 = arith.constant 32 : index
        %swap3A_564 = tpu.vector_load %arg6[%swap3A_562, %swap3A_563] {strides = array<i32>} : memref<80x128xf32, #tpu.memory_space<vmem>>, vector<1x16xf32>,
        %swap3A_565 = vector.shape_cast %swap3A_564 : vector<1x16xf32> to vector<16xf32>
        %swap3A_566 = vector.shape_cast %mul3A_561 : vector<16xf32> to vector<1x16xf32>
        tpu.vector_store %arg6[%swap3A_562, %swap3A_563], %swap3A_566 {strides = array<i32>} : memref<80x128xf32, #tpu.memory_space<vmem>>, vector<1x16xf32>,
        %mul3A_567 = arith.constant 2 : i32
        %mul3A_568 = arith.muli %scan3A_392, %mul3A_567 : i32
        %add3A_569 = arith.constant 1 : i32
        %add3A_570 = arith.addi %mul3A_568, %add3A_569 : i32
        %get3A_571 = arith.index_cast %add3A_570 : i32 to index
        %get3A_572 = arith.constant 48 : index
        %get3A_573 = tpu.vector_load %arg6[%get3A_571, %get3A_572] {strides = array<i32>} : memref<80x128xf32, #tpu.memory_space<vmem>>, vector<1x16xf32>,
        %get3A_574 = vector.shape_cast %get3A_573 : vector<1x16xf32> to vector<16xf32>
        %mul3A_575 = arith.constant 11.3137083 : f32
        %mul3A_576 = vector.broadcast %mul3A_575 : f32 to vector<16xf32>
        %mul3A_577 = arith.mulf %get3A_574, %mul3A_576 : vector<16xf32>
        %swap3A_578 = arith.index_cast %add3A_570 : i32 to index
        %swap3A_579 = arith.constant 48 : index
        %swap3A_580 = tpu.vector_load %arg6[%swap3A_578, %swap3A_579] {strides = array<i32>} : memref<80x128xf32, #tpu.memory_space<vmem>>, vector<1x16xf32>,
        %swap3A_581 = vector.shape_cast %swap3A_580 : vector<1x16xf32> to vector<16xf32>
        %swap3A_582 = vector.shape_cast %mul3A_577 : vector<16xf32> to vector<1x16xf32>
        tpu.vector_store %arg6[%swap3A_578, %swap3A_579], %swap3A_582 {strides = array<i32>} : memref<80x128xf32, #tpu.memory_space<vmem>>, vector<1x16xf32>,
        %mul3A_583 = arith.constant 2 : i32
        %mul3A_584 = arith.muli %scan3A_392, %mul3A_583 : i32
        %add3A_585 = arith.constant 1 : i32
        %add3A_586 = arith.addi %mul3A_584, %add3A_585 : i32
        %get3A_587 = arith.index_cast %add3A_586 : i32 to index
        %get3A_588 = arith.constant 64 : index
        %get3A_589 = tpu.vector_load %arg6[%get3A_587, %get3A_588] {strides = array<i32>} : memref<80x128xf32, #tpu.memory_space<vmem>>, vector<1x16xf32>,
        %get3A_590 = vector.shape_cast %get3A_589 : vector<1x16xf32> to vector<16xf32>
        %mul3A_591 = arith.constant 11.3137083 : f32
        %mul3A_592 = vector.broadcast %mul3A_591 : f32 to vector<16xf32>
        %mul3A_593 = arith.mulf %get3A_590, %mul3A_592 : vector<16xf32>
        %swap3A_594 = arith.index_cast %add3A_586 : i32 to index
        %swap3A_595 = arith.constant 64 : index
        %swap3A_596 = tpu.vector_load %arg6[%swap3A_594, %swap3A_595] {strides = array<i32>} : memref<80x128xf32, #tpu.memory_space<vmem>>, vector<1x16xf32>,
        %swap3A_597 = vector.shape_cast %swap3A_596 : vector<1x16xf32> to vector<16xf32>
        %swap3A_598 = vector.shape_cast %mul3A_593 : vector<16xf32> to vector<1x16xf32>
        tpu.vector_store %arg6[%swap3A_594, %swap3A_595], %swap3A_598 {strides = array<i32>} : memref<80x128xf32, #tpu.memory_space<vmem>>, vector<1x16xf32>,
        %mul3A_599 = arith.constant 2 : i32
        %mul3A_600 = arith.muli %scan3A_392, %mul3A_599 : i32
        %add3A_601 = arith.constant 1 : i32
        %add3A_602 = arith.addi %mul3A_600, %add3A_601 : i32
        %get3A_603 = arith.index_cast %add3A_602 : i32 to index
        %get3A_604 = arith.constant 80 : index
        %get3A_605 = tpu.vector_load %arg6[%get3A_603, %get3A_604] {strides = array<i32>} : memref<80x128xf32, #tpu.memory_space<vmem>>, vector<1x16xf32>,
        %get3A_606 = vector.shape_cast %get3A_605 : vector<1x16xf32> to vector<16xf32>
        %mul3A_607 = arith.constant 11.3137083 : f32
        %mul3A_608 = vector.broadcast %mul3A_607 : f32 to vector<16xf32>
        %mul3A_609 = arith.mulf %get3A_606, %mul3A_608 : vector<16xf32>
        %swap3A_610 = arith.index_cast %add3A_602 : i32 to index
        %swap3A_611 = arith.constant 80 : index
        %swap3A_612 = tpu.vector_load %arg6[%swap3A_610, %swap3A_611] {strides = array<i32>} : memref<80x128xf32, #tpu.memory_space<vmem>>, vector<1x16xf32>,
        %swap3A_613 = vector.shape_cast %swap3A_612 : vector<1x16xf32> to vector<16xf32>
        %swap3A_614 = vector.shape_cast %mul3A_609 : vector<16xf32> to vector<1x16xf32>
        tpu.vector_store %arg6[%swap3A_610, %swap3A_611], %swap3A_614 {strides = array<i32>} : memref<80x128xf32, #tpu.memory_space<vmem>>, vector<1x16xf32>,
        %mul3A_615 = arith.constant 2 : i32
        %mul3A_616 = arith.muli %scan3A_392, %mul3A_615 : i32
        %add3A_617 = arith.constant 1 : i32
        %add3A_618 = arith.addi %mul3A_616, %add3A_617 : i32
        %get3A_619 = arith.index_cast %add3A_618 : i32 to index
        %get3A_620 = arith.constant 96 : index
        %get3A_621 = tpu.vector_load %arg6[%get3A_619, %get3A_620] {strides = array<i32>} : memref<80x128xf32, #tpu.memory_space<vmem>>, vector<1x16xf32>,
        %get3A_622 = vector.shape_cast %get3A_621 : vector<1x16xf32> to vector<16xf32>
        %mul3A_623 = arith.constant 11.3137083 : f32
        %mul3A_624 = vector.broadcast %mul3A_623 : f32 to vector<16xf32>
        %mul3A_625 = arith.mulf %get3A_622, %mul3A_624 : vector<16xf32>
        %swap3A_626 = arith.index_cast %add3A_618 : i32 to index
        %swap3A_627 = arith.constant 96 : index
        %swap3A_628 = tpu.vector_load %arg6[%swap3A_626, %swap3A_627] {strides = array<i32>} : memref<80x128xf32, #tpu.memory_space<vmem>>, vector<1x16xf32>,
        %swap3A_629 = vector.shape_cast %swap3A_628 : vector<1x16xf32> to vector<16xf32>
        %swap3A_630 = vector.shape_cast %mul3A_625 : vector<16xf32> to vector<1x16xf32>
        tpu.vector_store %arg6[%swap3A_626, %swap3A_627], %swap3A_630 {strides = array<i32>} : memref<80x128xf32, #tpu.memory_space<vmem>>, vector<1x16xf32>,
        %mul3A_631 = arith.constant 2 : i32
        %mul3A_632 = arith.muli %scan3A_392, %mul3A_631 : i32
        %add3A_633 = arith.constant 1 : i32
        %add3A_634 = arith.addi %mul3A_632, %add3A_633 : i32
        %get3A_635 = arith.index_cast %add3A_634 : i32 to index
        %get3A_636 = arith.constant 112 : index
        %get3A_637 = tpu.vector_load %arg6[%get3A_635, %get3A_636] {strides = array<i32>} : memref<80x128xf32, #tpu.memory_space<vmem>>, vector<1x16xf32>,
        %get3A_638 = vector.shape_cast %get3A_637 : vector<1x16xf32> to vector<16xf32>
        %mul3A_639 = arith.constant 11.3137083 : f32
        %mul3A_640 = vector.broadcast %mul3A_639 : f32 to vector<16xf32>
        %mul3A_641 = arith.mulf %get3A_638, %mul3A_640 : vector<16xf32>
        %swap3A_642 = arith.index_cast %add3A_634 : i32 to index
        %swap3A_643 = arith.constant 112 : index
        %swap3A_644 = tpu.vector_load %arg6[%swap3A_642, %swap3A_643] {strides = array<i32>} : memref<80x128xf32, #tpu.memory_space<vmem>>, vector<1x16xf32>,
        %swap3A_645 = vector.shape_cast %swap3A_644 : vector<1x16xf32> to vector<16xf32>
        %swap3A_646 = vector.shape_cast %mul3A_641 : vector<16xf32> to vector<1x16xf32>
        tpu.vector_store %arg6[%swap3A_642, %swap3A_643], %swap3A_646 {strides = array<i32>} : memref<80x128xf32, #tpu.memory_space<vmem>>, vector<1x16xf32>,
      }
      %scan3A_111 = arith.constant 40 : i32
      %mul3A_112 = arith.constant 80 : i32
      %mul3A_113 = arith.muli %add3A_88, %mul3A_112 : i32
      %add3A_114 = arith.addi %mul3A_2, %mul3A_113 : i32
      %dma_start3A_115 = arith.constant 0 : i32
      %dma_start3A_116 = tpu.memref_slice %arg4[%add3A_114, %dma_start3A_115] : memref<819200x128xf32, #tpu.memory_space<hbm>> -> memref<80x128xf32, #tpu.memory_space<hbm>>
      %dma_start3A_117 = arith.constant 0 : i32
      %dma_start3A_118 = tpu.memref_slice %arg4[%add3A_114, %dma_start3A_117] : memref<819200x128xf32, #tpu.memory_space<hbm>> -> memref<80x128xf32, #tpu.memory_space<hbm>>
      tpu.enqueue_dma source(%arg6 : memref<80x128xf32, #tpu.memory_space<vmem>>) target(%dma_start3A_118 : memref<80x128xf32, #tpu.memory_space<hbm>>) target_semaphore(%arg22 : memref<!tpu.dma_semaphore, #tpu.memory_space<semaphore_mem>>)
      %mul3A_119 = arith.constant 8 : i32
      %mul3A_120 = arith.muli %scan3A_84, %mul3A_119 : i32
      %add3A_121 = arith.constant 1 : i32
      %add3A_122 = arith.addi %mul3A_120, %add3A_121 : i32
      %add3A_123 = arith.constant 6 : i32
      %add3A_124 = arith.addi %add3A_122, %add3A_123 : i32
      %lt3A_125 = arith.constant 320 : i32
      %lt3A_126 = arith.cmpi slt, %add3A_124, %lt3A_125 : i32
      %ge3A_127 = arith.constant 2 : i32
      %ge3A_128 = arith.cmpi sge, %add3A_122, %ge3A_127 : i32
      %and3A_129 = arith.andi %lt3A_126, %ge3A_128 : i1
      %convert_element_type3A_130 = arith.extui %and3A_129 : i1 to i32
      %cond3A_131 = arith.constant 0 : i32
      %cond3A_132 = arith.cmpi ne, %convert_element_type3A_130, %cond3A_131 : i32
      scf.if %cond3A_132 {
        %add3A_392 = arith.constant 6 : i32
        %add3A_393 = arith.addi %add3A_122, %add3A_392 : i32
        %sub3A = arith.constant 8 : i32
        %sub3A_394 = arith.subi %add3A_393, %sub3A : i32
        %mul3A_395 = arith.constant 80 : i32
        %mul3A_396 = arith.muli %sub3A_394, %mul3A_395 : i32
        %add3A_397 = arith.addi %mul3A_2, %mul3A_396 : i32
        %dma_wait3A_398 = arith.constant 0 : i32
        %dma_wait3A_399 = tpu.memref_slice %arg4[%add3A_397, %dma_wait3A_398] : memref<819200x128xf32, #tpu.memory_space<hbm>> -> memref<80x128xf32, #tpu.memory_space<hbm>>
        %dma_wait3A_400 = arith.constant 0 : i32
        %dma_wait3A_401 = tpu.memref_slice %arg4[%add3A_397, %dma_wait3A_400] : memref<819200x128xf32, #tpu.memory_space<hbm>> -> memref<80x128xf32, #tpu.memory_space<hbm>>
        tpu.wait_dma2 semaphore(%arg29 : memref<!tpu.dma_semaphore, #tpu.memory_space<semaphore_mem>>) src(%arg13 : memref<80x128xf32, #tpu.memory_space<vmem>>) dst(%dma_wait3A_401 : memref<80x128xf32, #tpu.memory_space<hbm>>)
      } else {
      }
      %add3A_133 = arith.constant 6 : i32
      %add3A_134 = arith.addi %add3A_122, %add3A_133 : i32
      %lt3A_135 = arith.constant 320 : i32
      %lt3A_136 = arith.cmpi slt, %add3A_134, %lt3A_135 : i32
      %convert_element_type3A_137 = arith.extui %lt3A_136 : i1 to i32
      %cond3A_138 = arith.constant 0 : i32
      %cond3A_139 = arith.cmpi ne, %convert_element_type3A_137, %cond3A_138 : i32
      scf.if %cond3A_139 {
        %add3A_392 = arith.constant 6 : i32
        %add3A_393 = arith.addi %add3A_122, %add3A_392 : i32
        %mul3A_394 = arith.constant 80 : i32
        %mul3A_395 = arith.muli %add3A_393, %mul3A_394 : i32
        %dma_start3A_396 = tpu.memref_slice %arg5[%mul3A_395] : memref<25600xi32, #tpu.memory_space<vmem>> -> memref<80xi32, #tpu.memory_space<vmem>>
        %dma_start3A_397 = arith.constant 0 : i32
        %dma_start3A_398 = arith.constant 0 : i32
        %dma_start3A_399 = tpu.memref_slice %arg3[%dma_start3A_397, %dma_start3A_398] : memref<100000x128xf32, #tpu.memory_space<hbm>> -> memref<100000x128xf32, #tpu.memory_space<hbm>>
        tpu.enqueue_indirect_dma source(%dma_start3A_399 : memref<100000x128xf32, #tpu.memory_space<hbm>>) target(%arg13 : memref<80x128xf32, #tpu.memory_space<vmem>>) offsets(%dma_start3A_396 : memref<80xi32, #tpu.memory_space<vmem>>) semaphore(%arg21 : memref<!tpu.dma_semaphore, #tpu.memory_space<semaphore_mem>>)
      } else {
      }
      %dma_wait3A_140 = arith.constant 0 : i32
      %dma_wait3A_141 = tpu.memref_slice %arg5[%dma_wait3A_140] : memref<25600xi32, #tpu.memory_space<vmem>> -> memref<80xi32, #tpu.memory_space<vmem>>
      %dma_wait3A_142 = arith.constant 0 : i32
      %dma_wait3A_143 = arith.constant 0 : i32
      %dma_wait3A_144 = tpu.memref_slice %arg3[%dma_wait3A_142, %dma_wait3A_143] : memref<100000x128xf32, #tpu.memory_space<hbm>> -> memref<100000x128xf32, #tpu.memory_space<hbm>>
      tpu.wait_indirect_dma semaphore(%arg15 : memref<!tpu.dma_semaphore, #tpu.memory_space<semaphore_mem>>) src(%dma_wait3A_144 : memref<100000x128xf32, #tpu.memory_space<hbm>>) dst(%arg7 : memref<80x128xf32, #tpu.memory_space<vmem>>)
      %scan3A_145 = arith.constant 0 : i32
      %scan3A_146 = arith.constant 0 : i32
      %scan3A_147 = arith.constant 40 : i32
      %scan3A_148 = arith.addi %scan3A_146, %scan3A_147 : i32
      %scan3A_149 = arith.constant 1 : i32
      scf.for %scan3A_392 = %scan3A_146 to %scan3A_148 step %scan3A_149  : i32 {
        %mul3A_393 = arith.constant 2 : i32
        %mul3A_394 = arith.muli %scan3A_392, %mul3A_393 : i32
        %add3A_395 = arith.constant 0 : i32
        %add3A_396 = arith.addi %mul3A_394, %add3A_395 : i32
        %get3A = arith.index_cast %add3A_396 : i32 to index
        %get3A_397 = arith.constant 0 : index
        %get3A_398 = tpu.vector_load %arg7[%get3A, %get3A_397] {strides = array<i32>} : memref<80x128xf32, #tpu.memory_space<vmem>>, vector<1x16xf32>,
        %get3A_399 = vector.shape_cast %get3A_398 : vector<1x16xf32> to vector<16xf32>
        %mul3A_400 = arith.constant 11.3137083 : f32
        %mul3A_401 = vector.broadcast %mul3A_400 : f32 to vector<16xf32>
        %mul3A_402 = arith.mulf %get3A_399, %mul3A_401 : vector<16xf32>
        %swap3A = arith.index_cast %add3A_396 : i32 to index
        %swap3A_403 = arith.constant 0 : index
        %swap3A_404 = tpu.vector_load %arg7[%swap3A, %swap3A_403] {strides = array<i32>} : memref<80x128xf32, #tpu.memory_space<vmem>>, vector<1x16xf32>,
        %swap3A_405 = vector.shape_cast %swap3A_404 : vector<1x16xf32> to vector<16xf32>
        %swap3A_406 = vector.shape_cast %mul3A_402 : vector<16xf32> to vector<1x16xf32>
        tpu.vector_store %arg7[%swap3A, %swap3A_403], %swap3A_406 {strides = array<i32>} : memref<80x128xf32, #tpu.memory_space<vmem>>, vector<1x16xf32>,
        %mul3A_407 = arith.constant 2 : i32
        %mul3A_408 = arith.muli %scan3A_392, %mul3A_407 : i32
        %add3A_409 = arith.constant 0 : i32
        %add3A_410 = arith.addi %mul3A_408, %add3A_409 : i32
        %get3A_411 = arith.index_cast %add3A_410 : i32 to index
        %get3A_412 = arith.constant 16 : index
        %get3A_413 = tpu.vector_load %arg7[%get3A_411, %get3A_412] {strides = array<i32>} : memref<80x128xf32, #tpu.memory_space<vmem>>, vector<1x16xf32>,
        %get3A_414 = vector.shape_cast %get3A_413 : vector<1x16xf32> to vector<16xf32>
        %mul3A_415 = arith.constant 11.3137083 : f32
        %mul3A_416 = vector.broadcast %mul3A_415 : f32 to vector<16xf32>
        %mul3A_417 = arith.mulf %get3A_414, %mul3A_416 : vector<16xf32>
        %swap3A_418 = arith.index_cast %add3A_410 : i32 to index
        %swap3A_419 = arith.constant 16 : index
        %swap3A_420 = tpu.vector_load %arg7[%swap3A_418, %swap3A_419] {strides = array<i32>} : memref<80x128xf32, #tpu.memory_space<vmem>>, vector<1x16xf32>,
        %swap3A_421 = vector.shape_cast %swap3A_420 : vector<1x16xf32> to vector<16xf32>
        %swap3A_422 = vector.shape_cast %mul3A_417 : vector<16xf32> to vector<1x16xf32>
        tpu.vector_store %arg7[%swap3A_418, %swap3A_419], %swap3A_422 {strides = array<i32>} : memref<80x128xf32, #tpu.memory_space<vmem>>, vector<1x16xf32>,
        %mul3A_423 = arith.constant 2 : i32
        %mul3A_424 = arith.muli %scan3A_392, %mul3A_423 : i32
        %add3A_425 = arith.constant 0 : i32
        %add3A_426 = arith.addi %mul3A_424, %add3A_425 : i32
        %get3A_427 = arith.index_cast %add3A_426 : i32 to index
        %get3A_428 = arith.constant 32 : index
        %get3A_429 = tpu.vector_load %arg7[%get3A_427, %get3A_428] {strides = array<i32>} : memref<80x128xf32, #tpu.memory_space<vmem>>, vector<1x16xf32>,
        %get3A_430 = vector.shape_cast %get3A_429 : vector<1x16xf32> to vector<16xf32>
        %mul3A_431 = arith.constant 11.3137083 : f32
        %mul3A_432 = vector.broadcast %mul3A_431 : f32 to vector<16xf32>
        %mul3A_433 = arith.mulf %get3A_430, %mul3A_432 : vector<16xf32>
        %swap3A_434 = arith.index_cast %add3A_426 : i32 to index
        %swap3A_435 = arith.constant 32 : index
        %swap3A_436 = tpu.vector_load %arg7[%swap3A_434, %swap3A_435] {strides = array<i32>} : memref<80x128xf32, #tpu.memory_space<vmem>>, vector<1x16xf32>,
        %swap3A_437 = vector.shape_cast %swap3A_436 : vector<1x16xf32> to vector<16xf32>
        %swap3A_438 = vector.shape_cast %mul3A_433 : vector<16xf32> to vector<1x16xf32>
        tpu.vector_store %arg7[%swap3A_434, %swap3A_435], %swap3A_438 {strides = array<i32>} : memref<80x128xf32, #tpu.memory_space<vmem>>, vector<1x16xf32>,
        %mul3A_439 = arith.constant 2 : i32
        %mul3A_440 = arith.muli %scan3A_392, %mul3A_439 : i32
        %add3A_441 = arith.constant 0 : i32
        %add3A_442 = arith.addi %mul3A_440, %add3A_441 : i32
        %get3A_443 = arith.index_cast %add3A_442 : i32 to index
        %get3A_444 = arith.constant 48 : index
        %get3A_445 = tpu.vector_load %arg7[%get3A_443, %get3A_444] {strides = array<i32>} : memref<80x128xf32, #tpu.memory_space<vmem>>, vector<1x16xf32>,
        %get3A_446 = vector.shape_cast %get3A_445 : vector<1x16xf32> to vector<16xf32>
        %mul3A_447 = arith.constant 11.3137083 : f32
        %mul3A_448 = vector.broadcast %mul3A_447 : f32 to vector<16xf32>
        %mul3A_449 = arith.mulf %get3A_446, %mul3A_448 : vector<16xf32>
        %swap3A_450 = arith.index_cast %add3A_442 : i32 to index
        %swap3A_451 = arith.constant 48 : index
        %swap3A_452 = tpu.vector_load %arg7[%swap3A_450, %swap3A_451] {strides = array<i32>} : memref<80x128xf32, #tpu.memory_space<vmem>>, vector<1x16xf32>,
        %swap3A_453 = vector.shape_cast %swap3A_452 : vector<1x16xf32> to vector<16xf32>
        %swap3A_454 = vector.shape_cast %mul3A_449 : vector<16xf32> to vector<1x16xf32>
        tpu.vector_store %arg7[%swap3A_450, %swap3A_451], %swap3A_454 {strides = array<i32>} : memref<80x128xf32, #tpu.memory_space<vmem>>, vector<1x16xf32>,
        %mul3A_455 = arith.constant 2 : i32
        %mul3A_456 = arith.muli %scan3A_392, %mul3A_455 : i32
        %add3A_457 = arith.constant 0 : i32
        %add3A_458 = arith.addi %mul3A_456, %add3A_457 : i32
        %get3A_459 = arith.index_cast %add3A_458 : i32 to index
        %get3A_460 = arith.constant 64 : index
        %get3A_461 = tpu.vector_load %arg7[%get3A_459, %get3A_460] {strides = array<i32>} : memref<80x128xf32, #tpu.memory_space<vmem>>, vector<1x16xf32>,
        %get3A_462 = vector.shape_cast %get3A_461 : vector<1x16xf32> to vector<16xf32>
        %mul3A_463 = arith.constant 11.3137083 : f32
        %mul3A_464 = vector.broadcast %mul3A_463 : f32 to vector<16xf32>
        %mul3A_465 = arith.mulf %get3A_462, %mul3A_464 : vector<16xf32>
        %swap3A_466 = arith.index_cast %add3A_458 : i32 to index
        %swap3A_467 = arith.constant 64 : index
        %swap3A_468 = tpu.vector_load %arg7[%swap3A_466, %swap3A_467] {strides = array<i32>} : memref<80x128xf32, #tpu.memory_space<vmem>>, vector<1x16xf32>,
        %swap3A_469 = vector.shape_cast %swap3A_468 : vector<1x16xf32> to vector<16xf32>
        %swap3A_470 = vector.shape_cast %mul3A_465 : vector<16xf32> to vector<1x16xf32>
        tpu.vector_store %arg7[%swap3A_466, %swap3A_467], %swap3A_470 {strides = array<i32>} : memref<80x128xf32, #tpu.memory_space<vmem>>, vector<1x16xf32>,
        %mul3A_471 = arith.constant 2 : i32
        %mul3A_472 = arith.muli %scan3A_392, %mul3A_471 : i32
        %add3A_473 = arith.constant 0 : i32
        %add3A_474 = arith.addi %mul3A_472, %add3A_473 : i32
        %get3A_475 = arith.index_cast %add3A_474 : i32 to index
        %get3A_476 = arith.constant 80 : index
        %get3A_477 = tpu.vector_load %arg7[%get3A_475, %get3A_476] {strides = array<i32>} : memref<80x128xf32, #tpu.memory_space<vmem>>, vector<1x16xf32>,
        %get3A_478 = vector.shape_cast %get3A_477 : vector<1x16xf32> to vector<16xf32>
        %mul3A_479 = arith.constant 11.3137083 : f32
        %mul3A_480 = vector.broadcast %mul3A_479 : f32 to vector<16xf32>
        %mul3A_481 = arith.mulf %get3A_478, %mul3A_480 : vector<16xf32>
        %swap3A_482 = arith.index_cast %add3A_474 : i32 to index
        %swap3A_483 = arith.constant 80 : index
        %swap3A_484 = tpu.vector_load %arg7[%swap3A_482, %swap3A_483] {strides = array<i32>} : memref<80x128xf32, #tpu.memory_space<vmem>>, vector<1x16xf32>,
        %swap3A_485 = vector.shape_cast %swap3A_484 : vector<1x16xf32> to vector<16xf32>
        %swap3A_486 = vector.shape_cast %mul3A_481 : vector<16xf32> to vector<1x16xf32>
        tpu.vector_store %arg7[%swap3A_482, %swap3A_483], %swap3A_486 {strides = array<i32>} : memref<80x128xf32, #tpu.memory_space<vmem>>, vector<1x16xf32>,
        %mul3A_487 = arith.constant 2 : i32
        %mul3A_488 = arith.muli %scan3A_392, %mul3A_487 : i32
        %add3A_489 = arith.constant 0 : i32
        %add3A_490 = arith.addi %mul3A_488, %add3A_489 : i32
        %get3A_491 = arith.index_cast %add3A_490 : i32 to index
        %get3A_492 = arith.constant 96 : index
        %get3A_493 = tpu.vector_load %arg7[%get3A_491, %get3A_492] {strides = array<i32>} : memref<80x128xf32, #tpu.memory_space<vmem>>, vector<1x16xf32>,
        %get3A_494 = vector.shape_cast %get3A_493 : vector<1x16xf32> to vector<16xf32>
        %mul3A_495 = arith.constant 11.3137083 : f32
        %mul3A_496 = vector.broadcast %mul3A_495 : f32 to vector<16xf32>
        %mul3A_497 = arith.mulf %get3A_494, %mul3A_496 : vector<16xf32>
        %swap3A_498 = arith.index_cast %add3A_490 : i32 to index
        %swap3A_499 = arith.constant 96 : index
        %swap3A_500 = tpu.vector_load %arg7[%swap3A_498, %swap3A_499] {strides = array<i32>} : memref<80x128xf32, #tpu.memory_space<vmem>>, vector<1x16xf32>,
        %swap3A_501 = vector.shape_cast %swap3A_500 : vector<1x16xf32> to vector<16xf32>
        %swap3A_502 = vector.shape_cast %mul3A_497 : vector<16xf32> to vector<1x16xf32>
        tpu.vector_store %arg7[%swap3A_498, %swap3A_499], %swap3A_502 {strides = array<i32>} : memref<80x128xf32, #tpu.memory_space<vmem>>, vector<1x16xf32>,
        %mul3A_503 = arith.constant 2 : i32
        %mul3A_504 = arith.muli %scan3A_392, %mul3A_503 : i32
        %add3A_505 = arith.constant 0 : i32
        %add3A_506 = arith.addi %mul3A_504, %add3A_505 : i32
        %get3A_507 = arith.index_cast %add3A_506 : i32 to index
        %get3A_508 = arith.constant 112 : index
        %get3A_509 = tpu.vector_load %arg7[%get3A_507, %get3A_508] {strides = array<i32>} : memref<80x128xf32, #tpu.memory_space<vmem>>, vector<1x16xf32>,
        %get3A_510 = vector.shape_cast %get3A_509 : vector<1x16xf32> to vector<16xf32>
        %mul3A_511 = arith.constant 11.3137083 : f32
        %mul3A_512 = vector.broadcast %mul3A_511 : f32 to vector<16xf32>
        %mul3A_513 = arith.mulf %get3A_510, %mul3A_512 : vector<16xf32>
        %swap3A_514 = arith.index_cast %add3A_506 : i32 to index
        %swap3A_515 = arith.constant 112 : index
        %swap3A_516 = tpu.vector_load %arg7[%swap3A_514, %swap3A_515] {strides = array<i32>} : memref<80x128xf32, #tpu.memory_space<vmem>>, vector<1x16xf32>,
        %swap3A_517 = vector.shape_cast %swap3A_516 : vector<1x16xf32> to vector<16xf32>
        %swap3A_518 = vector.shape_cast %mul3A_513 : vector<16xf32> to vector<1x16xf32>
        tpu.vector_store %arg7[%swap3A_514, %swap3A_515], %swap3A_518 {strides = array<i32>} : memref<80x128xf32, #tpu.memory_space<vmem>>, vector<1x16xf32>,
        %mul3A_519 = arith.constant 2 : i32
        %mul3A_520 = arith.muli %scan3A_392, %mul3A_519 : i32
        %add3A_521 = arith.constant 1 : i32
        %add3A_522 = arith.addi %mul3A_520, %add3A_521 : i32
        %get3A_523 = arith.index_cast %add3A_522 : i32 to index
        %get3A_524 = arith.constant 0 : index
        %get3A_525 = tpu.vector_load %arg7[%get3A_523, %get3A_524] {strides = array<i32>} : memref<80x128xf32, #tpu.memory_space<vmem>>, vector<1x16xf32>,
        %get3A_526 = vector.shape_cast %get3A_525 : vector<1x16xf32> to vector<16xf32>
        %mul3A_527 = arith.constant 11.3137083 : f32
        %mul3A_528 = vector.broadcast %mul3A_527 : f32 to vector<16xf32>
        %mul3A_529 = arith.mulf %get3A_526, %mul3A_528 : vector<16xf32>
        %swap3A_530 = arith.index_cast %add3A_522 : i32 to index
        %swap3A_531 = arith.constant 0 : index
        %swap3A_532 = tpu.vector_load %arg7[%swap3A_530, %swap3A_531] {strides = array<i32>} : memref<80x128xf32, #tpu.memory_space<vmem>>, vector<1x16xf32>,
        %swap3A_533 = vector.shape_cast %swap3A_532 : vector<1x16xf32> to vector<16xf32>
        %swap3A_534 = vector.shape_cast %mul3A_529 : vector<16xf32> to vector<1x16xf32>
        tpu.vector_store %arg7[%swap3A_530, %swap3A_531], %swap3A_534 {strides = array<i32>} : memref<80x128xf32, #tpu.memory_space<vmem>>, vector<1x16xf32>,
        %mul3A_535 = arith.constant 2 : i32
        %mul3A_536 = arith.muli %scan3A_392, %mul3A_535 : i32
        %add3A_537 = arith.constant 1 : i32
        %add3A_538 = arith.addi %mul3A_536, %add3A_537 : i32
        %get3A_539 = arith.index_cast %add3A_538 : i32 to index
        %get3A_540 = arith.constant 16 : index
        %get3A_541 = tpu.vector_load %arg7[%get3A_539, %get3A_540] {strides = array<i32>} : memref<80x128xf32, #tpu.memory_space<vmem>>, vector<1x16xf32>,
        %get3A_542 = vector.shape_cast %get3A_541 : vector<1x16xf32> to vector<16xf32>
        %mul3A_543 = arith.constant 11.3137083 : f32
        %mul3A_544 = vector.broadcast %mul3A_543 : f32 to vector<16xf32>
        %mul3A_545 = arith.mulf %get3A_542, %mul3A_544 : vector<16xf32>
        %swap3A_546 = arith.index_cast %add3A_538 : i32 to index
        %swap3A_547 = arith.constant 16 : index
        %swap3A_548 = tpu.vector_load %arg7[%swap3A_546, %swap3A_547] {strides = array<i32>} : memref<80x128xf32, #tpu.memory_space<vmem>>, vector<1x16xf32>,
        %swap3A_549 = vector.shape_cast %swap3A_548 : vector<1x16xf32> to vector<16xf32>
        %swap3A_550 = vector.shape_cast %mul3A_545 : vector<16xf32> to vector<1x16xf32>
        tpu.vector_store %arg7[%swap3A_546, %swap3A_547], %swap3A_550 {strides = array<i32>} : memref<80x128xf32, #tpu.memory_space<vmem>>, vector<1x16xf32>,
        %mul3A_551 = arith.constant 2 : i32
        %mul3A_552 = arith.muli %scan3A_392, %mul3A_551 : i32
        %add3A_553 = arith.constant 1 : i32
        %add3A_554 = arith.addi %mul3A_552, %add3A_553 : i32
        %get3A_555 = arith.index_cast %add3A_554 : i32 to index
        %get3A_556 = arith.constant 32 : index
        %get3A_557 = tpu.vector_load %arg7[%get3A_555, %get3A_556] {strides = array<i32>} : memref<80x128xf32, #tpu.memory_space<vmem>>, vector<1x16xf32>,
        %get3A_558 = vector.shape_cast %get3A_557 : vector<1x16xf32> to vector<16xf32>
        %mul3A_559 = arith.constant 11.3137083 : f32
        %mul3A_560 = vector.broadcast %mul3A_559 : f32 to vector<16xf32>
        %mul3A_561 = arith.mulf %get3A_558, %mul3A_560 : vector<16xf32>
        %swap3A_562 = arith.index_cast %add3A_554 : i32 to index
        %swap3A_563 = arith.constant 32 : index
        %swap3A_564 = tpu.vector_load %arg7[%swap3A_562, %swap3A_563] {strides = array<i32>} : memref<80x128xf32, #tpu.memory_space<vmem>>, vector<1x16xf32>,
        %swap3A_565 = vector.shape_cast %swap3A_564 : vector<1x16xf32> to vector<16xf32>
        %swap3A_566 = vector.shape_cast %mul3A_561 : vector<16xf32> to vector<1x16xf32>
        tpu.vector_store %arg7[%swap3A_562, %swap3A_563], %swap3A_566 {strides = array<i32>} : memref<80x128xf32, #tpu.memory_space<vmem>>, vector<1x16xf32>,
        %mul3A_567 = arith.constant 2 : i32
        %mul3A_568 = arith.muli %scan3A_392, %mul3A_567 : i32
        %add3A_569 = arith.constant 1 : i32
        %add3A_570 = arith.addi %mul3A_568, %add3A_569 : i32
        %get3A_571 = arith.index_cast %add3A_570 : i32 to index
        %get3A_572 = arith.constant 48 : index
        %get3A_573 = tpu.vector_load %arg7[%get3A_571, %get3A_572] {strides = array<i32>} : memref<80x128xf32, #tpu.memory_space<vmem>>, vector<1x16xf32>,
        %get3A_574 = vector.shape_cast %get3A_573 : vector<1x16xf32> to vector<16xf32>
        %mul3A_575 = arith.constant 11.3137083 : f32
        %mul3A_576 = vector.broadcast %mul3A_575 : f32 to vector<16xf32>
        %mul3A_577 = arith.mulf %get3A_574, %mul3A_576 : vector<16xf32>
        %swap3A_578 = arith.index_cast %add3A_570 : i32 to index
        %swap3A_579 = arith.constant 48 : index
        %swap3A_580 = tpu.vector_load %arg7[%swap3A_578, %swap3A_579] {strides = array<i32>} : memref<80x128xf32, #tpu.memory_space<vmem>>, vector<1x16xf32>,
        %swap3A_581 = vector.shape_cast %swap3A_580 : vector<1x16xf32> to vector<16xf32>
        %swap3A_582 = vector.shape_cast %mul3A_577 : vector<16xf32> to vector<1x16xf32>
        tpu.vector_store %arg7[%swap3A_578, %swap3A_579], %swap3A_582 {strides = array<i32>} : memref<80x128xf32, #tpu.memory_space<vmem>>, vector<1x16xf32>,
        %mul3A_583 = arith.constant 2 : i32
        %mul3A_584 = arith.muli %scan3A_392, %mul3A_583 : i32
        %add3A_585 = arith.constant 1 : i32
        %add3A_586 = arith.addi %mul3A_584, %add3A_585 : i32
        %get3A_587 = arith.index_cast %add3A_586 : i32 to index
        %get3A_588 = arith.constant 64 : index
        %get3A_589 = tpu.vector_load %arg7[%get3A_587, %get3A_588] {strides = array<i32>} : memref<80x128xf32, #tpu.memory_space<vmem>>, vector<1x16xf32>,
        %get3A_590 = vector.shape_cast %get3A_589 : vector<1x16xf32> to vector<16xf32>
        %mul3A_591 = arith.constant 11.3137083 : f32
        %mul3A_592 = vector.broadcast %mul3A_591 : f32 to vector<16xf32>
        %mul3A_593 = arith.mulf %get3A_590, %mul3A_592 : vector<16xf32>
        %swap3A_594 = arith.index_cast %add3A_586 : i32 to index
        %swap3A_595 = arith.constant 64 : index
        %swap3A_596 = tpu.vector_load %arg7[%swap3A_594, %swap3A_595] {strides = array<i32>} : memref<80x128xf32, #tpu.memory_space<vmem>>, vector<1x16xf32>,
        %swap3A_597 = vector.shape_cast %swap3A_596 : vector<1x16xf32> to vector<16xf32>
        %swap3A_598 = vector.shape_cast %mul3A_593 : vector<16xf32> to vector<1x16xf32>
        tpu.vector_store %arg7[%swap3A_594, %swap3A_595], %swap3A_598 {strides = array<i32>} : memref<80x128xf32, #tpu.memory_space<vmem>>, vector<1x16xf32>,
        %mul3A_599 = arith.constant 2 : i32
        %mul3A_600 = arith.muli %scan3A_392, %mul3A_599 : i32
        %add3A_601 = arith.constant 1 : i32
        %add3A_602 = arith.addi %mul3A_600, %add3A_601 : i32
        %get3A_603 = arith.index_cast %add3A_602 : i32 to index
        %get3A_604 = arith.constant 80 : index
        %get3A_605 = tpu.vector_load %arg7[%get3A_603, %get3A_604] {strides = array<i32>} : memref<80x128xf32, #tpu.memory_space<vmem>>, vector<1x16xf32>,
        %get3A_606 = vector.shape_cast %get3A_605 : vector<1x16xf32> to vector<16xf32>
        %mul3A_607 = arith.constant 11.3137083 : f32
        %mul3A_608 = vector.broadcast %mul3A_607 : f32 to vector<16xf32>
        %mul3A_609 = arith.mulf %get3A_606, %mul3A_608 : vector<16xf32>
        %swap3A_610 = arith.index_cast %add3A_602 : i32 to index
        %swap3A_611 = arith.constant 80 : index
        %swap3A_612 = tpu.vector_load %arg7[%swap3A_610, %swap3A_611] {strides = array<i32>} : memref<80x128xf32, #tpu.memory_space<vmem>>, vector<1x16xf32>,
        %swap3A_613 = vector.shape_cast %swap3A_612 : vector<1x16xf32> to vector<16xf32>
        %swap3A_614 = vector.shape_cast %mul3A_609 : vector<16xf32> to vector<1x16xf32>
        tpu.vector_store %arg7[%swap3A_610, %swap3A_611], %swap3A_614 {strides = array<i32>} : memref<80x128xf32, #tpu.memory_space<vmem>>, vector<1x16xf32>,
        %mul3A_615 = arith.constant 2 : i32
        %mul3A_616 = arith.muli %scan3A_392, %mul3A_615 : i32
        %add3A_617 = arith.constant 1 : i32
        %add3A_618 = arith.addi %mul3A_616, %add3A_617 : i32
        %get3A_619 = arith.index_cast %add3A_618 : i32 to index
        %get3A_620 = arith.constant 96 : index
        %get3A_621 = tpu.vector_load %arg7[%get3A_619, %get3A_620] {strides = array<i32>} : memref<80x128xf32, #tpu.memory_space<vmem>>, vector<1x16xf32>,
        %get3A_622 = vector.shape_cast %get3A_621 : vector<1x16xf32> to vector<16xf32>
        %mul3A_623 = arith.constant 11.3137083 : f32
        %mul3A_624 = vector.broadcast %mul3A_623 : f32 to vector<16xf32>
        %mul3A_625 = arith.mulf %get3A_622, %mul3A_624 : vector<16xf32>
        %swap3A_626 = arith.index_cast %add3A_618 : i32 to index
        %swap3A_627 = arith.constant 96 : index
        %swap3A_628 = tpu.vector_load %arg7[%swap3A_626, %swap3A_627] {strides = array<i32>} : memref<80x128xf32, #tpu.memory_space<vmem>>, vector<1x16xf32>,
        %swap3A_629 = vector.shape_cast %swap3A_628 : vector<1x16xf32> to vector<16xf32>
        %swap3A_630 = vector.shape_cast %mul3A_625 : vector<16xf32> to vector<1x16xf32>
        tpu.vector_store %arg7[%swap3A_626, %swap3A_627], %swap3A_630 {strides = array<i32>} : memref<80x128xf32, #tpu.memory_space<vmem>>, vector<1x16xf32>,
        %mul3A_631 = arith.constant 2 : i32
        %mul3A_632 = arith.muli %scan3A_392, %mul3A_631 : i32
        %add3A_633 = arith.constant 1 : i32
        %add3A_634 = arith.addi %mul3A_632, %add3A_633 : i32
        %get3A_635 = arith.index_cast %add3A_634 : i32 to index
        %get3A_636 = arith.constant 112 : index
        %get3A_637 = tpu.vector_load %arg7[%get3A_635, %get3A_636] {strides = array<i32>} : memref<80x128xf32, #tpu.memory_space<vmem>>, vector<1x16xf32>,
        %get3A_638 = vector.shape_cast %get3A_637 : vector<1x16xf32> to vector<16xf32>
        %mul3A_639 = arith.constant 11.3137083 : f32
        %mul3A_640 = vector.broadcast %mul3A_639 : f32 to vector<16xf32>
        %mul3A_641 = arith.mulf %get3A_638, %mul3A_640 : vector<16xf32>
        %swap3A_642 = arith.index_cast %add3A_634 : i32 to index
        %swap3A_643 = arith.constant 112 : index
        %swap3A_644 = tpu.vector_load %arg7[%swap3A_642, %swap3A_643] {strides = array<i32>} : memref<80x128xf32, #tpu.memory_space<vmem>>, vector<1x16xf32>,
        %swap3A_645 = vector.shape_cast %swap3A_644 : vector<1x16xf32> to vector<16xf32>
        %swap3A_646 = vector.shape_cast %mul3A_641 : vector<16xf32> to vector<1x16xf32>
        tpu.vector_store %arg7[%swap3A_642, %swap3A_643], %swap3A_646 {strides = array<i32>} : memref<80x128xf32, #tpu.memory_space<vmem>>, vector<1x16xf32>,
      }
      %scan3A_150 = arith.constant 40 : i32
      %mul3A_151 = arith.constant 80 : i32
      %mul3A_152 = arith.muli %add3A_122, %mul3A_151 : i32
      %add3A_153 = arith.addi %mul3A_2, %mul3A_152 : i32
      %dma_start3A_154 = arith.constant 0 : i32
      %dma_start3A_155 = tpu.memref_slice %arg4[%add3A_153, %dma_start3A_154] : memref<819200x128xf32, #tpu.memory_space<hbm>> -> memref<80x128xf32, #tpu.memory_space<hbm>>
      %dma_start3A_156 = arith.constant 0 : i32
      %dma_start3A_157 = tpu.memref_slice %arg4[%add3A_153, %dma_start3A_156] : memref<819200x128xf32, #tpu.memory_space<hbm>> -> memref<80x128xf32, #tpu.memory_space<hbm>>
      tpu.enqueue_dma source(%arg7 : memref<80x128xf32, #tpu.memory_space<vmem>>) target(%dma_start3A_157 : memref<80x128xf32, #tpu.memory_space<hbm>>) target_semaphore(%arg23 : memref<!tpu.dma_semaphore, #tpu.memory_space<semaphore_mem>>)
      %mul3A_158 = arith.constant 8 : i32
      %mul3A_159 = arith.muli %scan3A_84, %mul3A_158 : i32
      %add3A_160 = arith.constant 2 : i32
      %add3A_161 = arith.addi %mul3A_159, %add3A_160 : i32
      %add3A_162 = arith.constant 6 : i32
      %add3A_163 = arith.addi %add3A_161, %add3A_162 : i32
      %lt3A_164 = arith.constant 320 : i32
      %lt3A_165 = arith.cmpi slt, %add3A_163, %lt3A_164 : i32
      %ge3A_166 = arith.constant 2 : i32
      %ge3A_167 = arith.cmpi sge, %add3A_161, %ge3A_166 : i32
      %and3A_168 = arith.andi %lt3A_165, %ge3A_167 : i1
      %convert_element_type3A_169 = arith.extui %and3A_168 : i1 to i32
      %cond3A_170 = arith.constant 0 : i32
      %cond3A_171 = arith.cmpi ne, %convert_element_type3A_169, %cond3A_170 : i32
      scf.if %cond3A_171 {
        %add3A_392 = arith.constant 6 : i32
        %add3A_393 = arith.addi %add3A_161, %add3A_392 : i32
        %sub3A = arith.constant 8 : i32
        %sub3A_394 = arith.subi %add3A_393, %sub3A : i32
        %mul3A_395 = arith.constant 80 : i32
        %mul3A_396 = arith.muli %sub3A_394, %mul3A_395 : i32
        %add3A_397 = arith.addi %mul3A_2, %mul3A_396 : i32
        %dma_wait3A_398 = arith.constant 0 : i32
        %dma_wait3A_399 = tpu.memref_slice %arg4[%add3A_397, %dma_wait3A_398] : memref<819200x128xf32, #tpu.memory_space<hbm>> -> memref<80x128xf32, #tpu.memory_space<hbm>>
        %dma_wait3A_400 = arith.constant 0 : i32
        %dma_wait3A_401 = tpu.memref_slice %arg4[%add3A_397, %dma_wait3A_400] : memref<819200x128xf32, #tpu.memory_space<hbm>> -> memref<80x128xf32, #tpu.memory_space<hbm>>
        tpu.wait_dma2 semaphore(%arg22 : memref<!tpu.dma_semaphore, #tpu.memory_space<semaphore_mem>>) src(%arg6 : memref<80x128xf32, #tpu.memory_space<vmem>>) dst(%dma_wait3A_401 : memref<80x128xf32, #tpu.memory_space<hbm>>)
      } else {
      }
      %add3A_172 = arith.constant 6 : i32
      %add3A_173 = arith.addi %add3A_161, %add3A_172 : i32
      %lt3A_174 = arith.constant 320 : i32
      %lt3A_175 = arith.cmpi slt, %add3A_173, %lt3A_174 : i32
      %convert_element_type3A_176 = arith.extui %lt3A_175 : i1 to i32
      %cond3A_177 = arith.constant 0 : i32
      %cond3A_178 = arith.cmpi ne, %convert_element_type3A_176, %cond3A_177 : i32
      scf.if %cond3A_178 {
        %add3A_392 = arith.constant 6 : i32
        %add3A_393 = arith.addi %add3A_161, %add3A_392 : i32
        %mul3A_394 = arith.constant 80 : i32
        %mul3A_395 = arith.muli %add3A_393, %mul3A_394 : i32
        %dma_start3A_396 = tpu.memref_slice %arg5[%mul3A_395] : memref<25600xi32, #tpu.memory_space<vmem>> -> memref<80xi32, #tpu.memory_space<vmem>>
        %dma_start3A_397 = arith.constant 0 : i32
        %dma_start3A_398 = arith.constant 0 : i32
        %dma_start3A_399 = tpu.memref_slice %arg3[%dma_start3A_397, %dma_start3A_398] : memref<100000x128xf32, #tpu.memory_space<hbm>> -> memref<100000x128xf32, #tpu.memory_space<hbm>>
        tpu.enqueue_indirect_dma source(%dma_start3A_399 : memref<100000x128xf32, #tpu.memory_space<hbm>>) target(%arg6 : memref<80x128xf32, #tpu.memory_space<vmem>>) offsets(%dma_start3A_396 : memref<80xi32, #tpu.memory_space<vmem>>) semaphore(%arg14 : memref<!tpu.dma_semaphore, #tpu.memory_space<semaphore_mem>>)
      } else {
      }
      %dma_wait3A_179 = arith.constant 0 : i32
      %dma_wait3A_180 = tpu.memref_slice %arg5[%dma_wait3A_179] : memref<25600xi32, #tpu.memory_space<vmem>> -> memref<80xi32, #tpu.memory_space<vmem>>
      %dma_wait3A_181 = arith.constant 0 : i32
      %dma_wait3A_182 = arith.constant 0 : i32
      %dma_wait3A_183 = tpu.memref_slice %arg3[%dma_wait3A_181, %dma_wait3A_182] : memref<100000x128xf32, #tpu.memory_space<hbm>> -> memref<100000x128xf32, #tpu.memory_space<hbm>>
      tpu.wait_indirect_dma semaphore(%arg16 : memref<!tpu.dma_semaphore, #tpu.memory_space<semaphore_mem>>) src(%dma_wait3A_183 : memref<100000x128xf32, #tpu.memory_space<hbm>>) dst(%arg8 : memref<80x128xf32, #tpu.memory_space<vmem>>)
      %scan3A_184 = arith.constant 0 : i32
      %scan3A_185 = arith.constant 0 : i32
      %scan3A_186 = arith.constant 40 : i32
      %scan3A_187 = arith.addi %scan3A_185, %scan3A_186 : i32
      %scan3A_188 = arith.constant 1 : i32
      scf.for %scan3A_392 = %scan3A_185 to %scan3A_187 step %scan3A_188  : i32 {
        %mul3A_393 = arith.constant 2 : i32
        %mul3A_394 = arith.muli %scan3A_392, %mul3A_393 : i32
        %add3A_395 = arith.constant 0 : i32
        %add3A_396 = arith.addi %mul3A_394, %add3A_395 : i32
        %get3A = arith.index_cast %add3A_396 : i32 to index
        %get3A_397 = arith.constant 0 : index
        %get3A_398 = tpu.vector_load %arg8[%get3A, %get3A_397] {strides = array<i32>} : memref<80x128xf32, #tpu.memory_space<vmem>>, vector<1x16xf32>,
        %get3A_399 = vector.shape_cast %get3A_398 : vector<1x16xf32> to vector<16xf32>
        %mul3A_400 = arith.constant 11.3137083 : f32
        %mul3A_401 = vector.broadcast %mul3A_400 : f32 to vector<16xf32>
        %mul3A_402 = arith.mulf %get3A_399, %mul3A_401 : vector<16xf32>
        %swap3A = arith.index_cast %add3A_396 : i32 to index
        %swap3A_403 = arith.constant 0 : index
        %swap3A_404 = tpu.vector_load %arg8[%swap3A, %swap3A_403] {strides = array<i32>} : memref<80x128xf32, #tpu.memory_space<vmem>>, vector<1x16xf32>,
        %swap3A_405 = vector.shape_cast %swap3A_404 : vector<1x16xf32> to vector<16xf32>
        %swap3A_406 = vector.shape_cast %mul3A_402 : vector<16xf32> to vector<1x16xf32>
        tpu.vector_store %arg8[%swap3A, %swap3A_403], %swap3A_406 {strides = array<i32>} : memref<80x128xf32, #tpu.memory_space<vmem>>, vector<1x16xf32>,
        %mul3A_407 = arith.constant 2 : i32
        %mul3A_408 = arith.muli %scan3A_392, %mul3A_407 : i32
        %add3A_409 = arith.constant 0 : i32
        %add3A_410 = arith.addi %mul3A_408, %add3A_409 : i32
        %get3A_411 = arith.index_cast %add3A_410 : i32 to index
        %get3A_412 = arith.constant 16 : index
        %get3A_413 = tpu.vector_load %arg8[%get3A_411, %get3A_412] {strides = array<i32>} : memref<80x128xf32, #tpu.memory_space<vmem>>, vector<1x16xf32>,
        %get3A_414 = vector.shape_cast %get3A_413 : vector<1x16xf32> to vector<16xf32>
        %mul3A_415 = arith.constant 11.3137083 : f32
        %mul3A_416 = vector.broadcast %mul3A_415 : f32 to vector<16xf32>
        %mul3A_417 = arith.mulf %get3A_414, %mul3A_416 : vector<16xf32>
        %swap3A_418 = arith.index_cast %add3A_410 : i32 to index
        %swap3A_419 = arith.constant 16 : index
        %swap3A_420 = tpu.vector_load %arg8[%swap3A_418, %swap3A_419] {strides = array<i32>} : memref<80x128xf32, #tpu.memory_space<vmem>>, vector<1x16xf32>,
        %swap3A_421 = vector.shape_cast %swap3A_420 : vector<1x16xf32> to vector<16xf32>
        %swap3A_422 = vector.shape_cast %mul3A_417 : vector<16xf32> to vector<1x16xf32>
        tpu.vector_store %arg8[%swap3A_418, %swap3A_419], %swap3A_422 {strides = array<i32>} : memref<80x128xf32, #tpu.memory_space<vmem>>, vector<1x16xf32>,
        %mul3A_423 = arith.constant 2 : i32
        %mul3A_424 = arith.muli %scan3A_392, %mul3A_423 : i32
        %add3A_425 = arith.constant 0 : i32
        %add3A_426 = arith.addi %mul3A_424, %add3A_425 : i32
        %get3A_427 = arith.index_cast %add3A_426 : i32 to index
        %get3A_428 = arith.constant 32 : index
        %get3A_429 = tpu.vector_load %arg8[%get3A_427, %get3A_428] {strides = array<i32>} : memref<80x128xf32, #tpu.memory_space<vmem>>, vector<1x16xf32>,
        %get3A_430 = vector.shape_cast %get3A_429 : vector<1x16xf32> to vector<16xf32>
        %mul3A_431 = arith.constant 11.3137083 : f32
        %mul3A_432 = vector.broadcast %mul3A_431 : f32 to vector<16xf32>
        %mul3A_433 = arith.mulf %get3A_430, %mul3A_432 : vector<16xf32>
        %swap3A_434 = arith.index_cast %add3A_426 : i32 to index
        %swap3A_435 = arith.constant 32 : index
        %swap3A_436 = tpu.vector_load %arg8[%swap3A_434, %swap3A_435] {strides = array<i32>} : memref<80x128xf32, #tpu.memory_space<vmem>>, vector<1x16xf32>,
        %swap3A_437 = vector.shape_cast %swap3A_436 : vector<1x16xf32> to vector<16xf32>
        %swap3A_438 = vector.shape_cast %mul3A_433 : vector<16xf32> to vector<1x16xf32>
        tpu.vector_store %arg8[%swap3A_434, %swap3A_435], %swap3A_438 {strides = array<i32>} : memref<80x128xf32, #tpu.memory_space<vmem>>, vector<1x16xf32>,
        %mul3A_439 = arith.constant 2 : i32
        %mul3A_440 = arith.muli %scan3A_392, %mul3A_439 : i32
        %add3A_441 = arith.constant 0 : i32
        %add3A_442 = arith.addi %mul3A_440, %add3A_441 : i32
        %get3A_443 = arith.index_cast %add3A_442 : i32 to index
        %get3A_444 = arith.constant 48 : index
        %get3A_445 = tpu.vector_load %arg8[%get3A_443, %get3A_444] {strides = array<i32>} : memref<80x128xf32, #tpu.memory_space<vmem>>, vector<1x16xf32>,
        %get3A_446 = vector.shape_cast %get3A_445 : vector<1x16xf32> to vector<16xf32>
        %mul3A_447 = arith.constant 11.3137083 : f32
        %mul3A_448 = vector.broadcast %mul3A_447 : f32 to vector<16xf32>
        %mul3A_449 = arith.mulf %get3A_446, %mul3A_448 : vector<16xf32>
        %swap3A_450 = arith.index_cast %add3A_442 : i32 to index
        %swap3A_451 = arith.constant 48 : index
        %swap3A_452 = tpu.vector_load %arg8[%swap3A_450, %swap3A_451] {strides = array<i32>} : memref<80x128xf32, #tpu.memory_space<vmem>>, vector<1x16xf32>,
        %swap3A_453 = vector.shape_cast %swap3A_452 : vector<1x16xf32> to vector<16xf32>
        %swap3A_454 = vector.shape_cast %mul3A_449 : vector<16xf32> to vector<1x16xf32>
        tpu.vector_store %arg8[%swap3A_450, %swap3A_451], %swap3A_454 {strides = array<i32>} : memref<80x128xf32, #tpu.memory_space<vmem>>, vector<1x16xf32>,
        %mul3A_455 = arith.constant 2 : i32
        %mul3A_456 = arith.muli %scan3A_392, %mul3A_455 : i32
        %add3A_457 = arith.constant 0 : i32
        %add3A_458 = arith.addi %mul3A_456, %add3A_457 : i32
        %get3A_459 = arith.index_cast %add3A_458 : i32 to index
        %get3A_460 = arith.constant 64 : index
        %get3A_461 = tpu.vector_load %arg8[%get3A_459, %get3A_460] {strides = array<i32>} : memref<80x128xf32, #tpu.memory_space<vmem>>, vector<1x16xf32>,
        %get3A_462 = vector.shape_cast %get3A_461 : vector<1x16xf32> to vector<16xf32>
        %mul3A_463 = arith.constant 11.3137083 : f32
        %mul3A_464 = vector.broadcast %mul3A_463 : f32 to vector<16xf32>
        %mul3A_465 = arith.mulf %get3A_462, %mul3A_464 : vector<16xf32>
        %swap3A_466 = arith.index_cast %add3A_458 : i32 to index
        %swap3A_467 = arith.constant 64 : index
        %swap3A_468 = tpu.vector_load %arg8[%swap3A_466, %swap3A_467] {strides = array<i32>} : memref<80x128xf32, #tpu.memory_space<vmem>>, vector<1x16xf32>,
        %swap3A_469 = vector.shape_cast %swap3A_468 : vector<1x16xf32> to vector<16xf32>
        %swap3A_470 = vector.shape_cast %mul3A_465 : vector<16xf32> to vector<1x16xf32>
        tpu.vector_store %arg8[%swap3A_466, %swap3A_467], %swap3A_470 {strides = array<i32>} : memref<80x128xf32, #tpu.memory_space<vmem>>, vector<1x16xf32>,
        %mul3A_471 = arith.constant 2 : i32
        %mul3A_472 = arith.muli %scan3A_392, %mul3A_471 : i32
        %add3A_473 = arith.constant 0 : i32
        %add3A_474 = arith.addi %mul3A_472, %add3A_473 : i32
        %get3A_475 = arith.index_cast %add3A_474 : i32 to index
        %get3A_476 = arith.constant 80 : index
        %get3A_477 = tpu.vector_load %arg8[%get3A_475, %get3A_476] {strides = array<i32>} : memref<80x128xf32, #tpu.memory_space<vmem>>, vector<1x16xf32>,
        %get3A_478 = vector.shape_cast %get3A_477 : vector<1x16xf32> to vector<16xf32>
        %mul3A_479 = arith.constant 11.3137083 : f32
        %mul3A_480 = vector.broadcast %mul3A_479 : f32 to vector<16xf32>
        %mul3A_481 = arith.mulf %get3A_478, %mul3A_480 : vector<16xf32>
        %swap3A_482 = arith.index_cast %add3A_474 : i32 to index
        %swap3A_483 = arith.constant 80 : index
        %swap3A_484 = tpu.vector_load %arg8[%swap3A_482, %swap3A_483] {strides = array<i32>} : memref<80x128xf32, #tpu.memory_space<vmem>>, vector<1x16xf32>,
        %swap3A_485 = vector.shape_cast %swap3A_484 : vector<1x16xf32> to vector<16xf32>
        %swap3A_486 = vector.shape_cast %mul3A_481 : vector<16xf32> to vector<1x16xf32>
        tpu.vector_store %arg8[%swap3A_482, %swap3A_483], %swap3A_486 {strides = array<i32>} : memref<80x128xf32, #tpu.memory_space<vmem>>, vector<1x16xf32>,
        %mul3A_487 = arith.constant 2 : i32
        %mul3A_488 = arith.muli %scan3A_392, %mul3A_487 : i32
        %add3A_489 = arith.constant 0 : i32
        %add3A_490 = arith.addi %mul3A_488, %add3A_489 : i32
        %get3A_491 = arith.index_cast %add3A_490 : i32 to index
        %get3A_492 = arith.constant 96 : index
        %get3A_493 = tpu.vector_load %arg8[%get3A_491, %get3A_492] {strides = array<i32>} : memref<80x128xf32, #tpu.memory_space<vmem>>, vector<1x16xf32>,
        %get3A_494 = vector.shape_cast %get3A_493 : vector<1x16xf32> to vector<16xf32>
        %mul3A_495 = arith.constant 11.3137083 : f32
        %mul3A_496 = vector.broadcast %mul3A_495 : f32 to vector<16xf32>
        %mul3A_497 = arith.mulf %get3A_494, %mul3A_496 : vector<16xf32>
        %swap3A_498 = arith.index_cast %add3A_490 : i32 to index
        %swap3A_499 = arith.constant 96 : index
        %swap3A_500 = tpu.vector_load %arg8[%swap3A_498, %swap3A_499] {strides = array<i32>} : memref<80x128xf32, #tpu.memory_space<vmem>>, vector<1x16xf32>,
        %swap3A_501 = vector.shape_cast %swap3A_500 : vector<1x16xf32> to vector<16xf32>
        %swap3A_502 = vector.shape_cast %mul3A_497 : vector<16xf32> to vector<1x16xf32>
        tpu.vector_store %arg8[%swap3A_498, %swap3A_499], %swap3A_502 {strides = array<i32>} : memref<80x128xf32, #tpu.memory_space<vmem>>, vector<1x16xf32>,
        %mul3A_503 = arith.constant 2 : i32
        %mul3A_504 = arith.muli %scan3A_392, %mul3A_503 : i32
        %add3A_505 = arith.constant 0 : i32
        %add3A_506 = arith.addi %mul3A_504, %add3A_505 : i32
        %get3A_507 = arith.index_cast %add3A_506 : i32 to index
        %get3A_508 = arith.constant 112 : index
        %get3A_509 = tpu.vector_load %arg8[%get3A_507, %get3A_508] {strides = array<i32>} : memref<80x128xf32, #tpu.memory_space<vmem>>, vector<1x16xf32>,
        %get3A_510 = vector.shape_cast %get3A_509 : vector<1x16xf32> to vector<16xf32>
        %mul3A_511 = arith.constant 11.3137083 : f32
        %mul3A_512 = vector.broadcast %mul3A_511 : f32 to vector<16xf32>
        %mul3A_513 = arith.mulf %get3A_510, %mul3A_512 : vector<16xf32>
        %swap3A_514 = arith.index_cast %add3A_506 : i32 to index
        %swap3A_515 = arith.constant 112 : index
        %swap3A_516 = tpu.vector_load %arg8[%swap3A_514, %swap3A_515] {strides = array<i32>} : memref<80x128xf32, #tpu.memory_space<vmem>>, vector<1x16xf32>,
        %swap3A_517 = vector.shape_cast %swap3A_516 : vector<1x16xf32> to vector<16xf32>
        %swap3A_518 = vector.shape_cast %mul3A_513 : vector<16xf32> to vector<1x16xf32>
        tpu.vector_store %arg8[%swap3A_514, %swap3A_515], %swap3A_518 {strides = array<i32>} : memref<80x128xf32, #tpu.memory_space<vmem>>, vector<1x16xf32>,
        %mul3A_519 = arith.constant 2 : i32
        %mul3A_520 = arith.muli %scan3A_392, %mul3A_519 : i32
        %add3A_521 = arith.constant 1 : i32
        %add3A_522 = arith.addi %mul3A_520, %add3A_521 : i32
        %get3A_523 = arith.index_cast %add3A_522 : i32 to index
        %get3A_524 = arith.constant 0 : index
        %get3A_525 = tpu.vector_load %arg8[%get3A_523, %get3A_524] {strides = array<i32>} : memref<80x128xf32, #tpu.memory_space<vmem>>, vector<1x16xf32>,
        %get3A_526 = vector.shape_cast %get3A_525 : vector<1x16xf32> to vector<16xf32>
        %mul3A_527 = arith.constant 11.3137083 : f32
        %mul3A_528 = vector.broadcast %mul3A_527 : f32 to vector<16xf32>
        %mul3A_529 = arith.mulf %get3A_526, %mul3A_528 : vector<16xf32>
        %swap3A_530 = arith.index_cast %add3A_522 : i32 to index
        %swap3A_531 = arith.constant 0 : index
        %swap3A_532 = tpu.vector_load %arg8[%swap3A_530, %swap3A_531] {strides = array<i32>} : memref<80x128xf32, #tpu.memory_space<vmem>>, vector<1x16xf32>,
        %swap3A_533 = vector.shape_cast %swap3A_532 : vector<1x16xf32> to vector<16xf32>
        %swap3A_534 = vector.shape_cast %mul3A_529 : vector<16xf32> to vector<1x16xf32>
        tpu.vector_store %arg8[%swap3A_530, %swap3A_531], %swap3A_534 {strides = array<i32>} : memref<80x128xf32, #tpu.memory_space<vmem>>, vector<1x16xf32>,
        %mul3A_535 = arith.constant 2 : i32
        %mul3A_536 = arith.muli %scan3A_392, %mul3A_535 : i32
        %add3A_537 = arith.constant 1 : i32
        %add3A_538 = arith.addi %mul3A_536, %add3A_537 : i32
        %get3A_539 = arith.index_cast %add3A_538 : i32 to index
        %get3A_540 = arith.constant 16 : index
        %get3A_541 = tpu.vector_load %arg8[%get3A_539, %get3A_540] {strides = array<i32>} : memref<80x128xf32, #tpu.memory_space<vmem>>, vector<1x16xf32>,
        %get3A_542 = vector.shape_cast %get3A_541 : vector<1x16xf32> to vector<16xf32>
        %mul3A_543 = arith.constant 11.3137083 : f32
        %mul3A_544 = vector.broadcast %mul3A_543 : f32 to vector<16xf32>
        %mul3A_545 = arith.mulf %get3A_542, %mul3A_544 : vector<16xf32>
        %swap3A_546 = arith.index_cast %add3A_538 : i32 to index
        %swap3A_547 = arith.constant 16 : index
        %swap3A_548 = tpu.vector_load %arg8[%swap3A_546, %swap3A_547] {strides = array<i32>} : memref<80x128xf32, #tpu.memory_space<vmem>>, vector<1x16xf32>,
        %swap3A_549 = vector.shape_cast %swap3A_548 : vector<1x16xf32> to vector<16xf32>
        %swap3A_550 = vector.shape_cast %mul3A_545 : vector<16xf32> to vector<1x16xf32>
        tpu.vector_store %arg8[%swap3A_546, %swap3A_547], %swap3A_550 {strides = array<i32>} : memref<80x128xf32, #tpu.memory_space<vmem>>, vector<1x16xf32>,
        %mul3A_551 = arith.constant 2 : i32
        %mul3A_552 = arith.muli %scan3A_392, %mul3A_551 : i32
        %add3A_553 = arith.constant 1 : i32
        %add3A_554 = arith.addi %mul3A_552, %add3A_553 : i32
        %get3A_555 = arith.index_cast %add3A_554 : i32 to index
        %get3A_556 = arith.constant 32 : index
        %get3A_557 = tpu.vector_load %arg8[%get3A_555, %get3A_556] {strides = array<i32>} : memref<80x128xf32, #tpu.memory_space<vmem>>, vector<1x16xf32>,
        %get3A_558 = vector.shape_cast %get3A_557 : vector<1x16xf32> to vector<16xf32>
        %mul3A_559 = arith.constant 11.3137083 : f32
        %mul3A_560 = vector.broadcast %mul3A_559 : f32 to vector<16xf32>
        %mul3A_561 = arith.mulf %get3A_558, %mul3A_560 : vector<16xf32>
        %swap3A_562 = arith.index_cast %add3A_554 : i32 to index
        %swap3A_563 = arith.constant 32 : index
        %swap3A_564 = tpu.vector_load %arg8[%swap3A_562, %swap3A_563] {strides = array<i32>} : memref<80x128xf32, #tpu.memory_space<vmem>>, vector<1x16xf32>,
        %swap3A_565 = vector.shape_cast %swap3A_564 : vector<1x16xf32> to vector<16xf32>
        %swap3A_566 = vector.shape_cast %mul3A_561 : vector<16xf32> to vector<1x16xf32>
        tpu.vector_store %arg8[%swap3A_562, %swap3A_563], %swap3A_566 {strides = array<i32>} : memref<80x128xf32, #tpu.memory_space<vmem>>, vector<1x16xf32>,
        %mul3A_567 = arith.constant 2 : i32
        %mul3A_568 = arith.muli %scan3A_392, %mul3A_567 : i32
        %add3A_569 = arith.constant 1 : i32
        %add3A_570 = arith.addi %mul3A_568, %add3A_569 : i32
        %get3A_571 = arith.index_cast %add3A_570 : i32 to index
        %get3A_572 = arith.constant 48 : index
        %get3A_573 = tpu.vector_load %arg8[%get3A_571, %get3A_572] {strides = array<i32>} : memref<80x128xf32, #tpu.memory_space<vmem>>, vector<1x16xf32>,
        %get3A_574 = vector.shape_cast %get3A_573 : vector<1x16xf32> to vector<16xf32>
        %mul3A_575 = arith.constant 11.3137083 : f32
        %mul3A_576 = vector.broadcast %mul3A_575 : f32 to vector<16xf32>
        %mul3A_577 = arith.mulf %get3A_574, %mul3A_576 : vector<16xf32>
        %swap3A_578 = arith.index_cast %add3A_570 : i32 to index
        %swap3A_579 = arith.constant 48 : index
        %swap3A_580 = tpu.vector_load %arg8[%swap3A_578, %swap3A_579] {strides = array<i32>} : memref<80x128xf32, #tpu.memory_space<vmem>>, vector<1x16xf32>,
        %swap3A_581 = vector.shape_cast %swap3A_580 : vector<1x16xf32> to vector<16xf32>
        %swap3A_582 = vector.shape_cast %mul3A_577 : vector<16xf32> to vector<1x16xf32>
        tpu.vector_store %arg8[%swap3A_578, %swap3A_579], %swap3A_582 {strides = array<i32>} : memref<80x128xf32, #tpu.memory_space<vmem>>, vector<1x16xf32>,
        %mul3A_583 = arith.constant 2 : i32
        %mul3A_584 = arith.muli %scan3A_392, %mul3A_583 : i32
        %add3A_585 = arith.constant 1 : i32
        %add3A_586 = arith.addi %mul3A_584, %add3A_585 : i32
        %get3A_587 = arith.index_cast %add3A_586 : i32 to index
        %get3A_588 = arith.constant 64 : index
        %get3A_589 = tpu.vector_load %arg8[%get3A_587, %get3A_588] {strides = array<i32>} : memref<80x128xf32, #tpu.memory_space<vmem>>, vector<1x16xf32>,
        %get3A_590 = vector.shape_cast %get3A_589 : vector<1x16xf32> to vector<16xf32>
        %mul3A_591 = arith.constant 11.3137083 : f32
        %mul3A_592 = vector.broadcast %mul3A_591 : f32 to vector<16xf32>
        %mul3A_593 = arith.mulf %get3A_590, %mul3A_592 : vector<16xf32>
        %swap3A_594 = arith.index_cast %add3A_586 : i32 to index
        %swap3A_595 = arith.constant 64 : index
        %swap3A_596 = tpu.vector_load %arg8[%swap3A_594, %swap3A_595] {strides = array<i32>} : memref<80x128xf32, #tpu.memory_space<vmem>>, vector<1x16xf32>,
        %swap3A_597 = vector.shape_cast %swap3A_596 : vector<1x16xf32> to vector<16xf32>
        %swap3A_598 = vector.shape_cast %mul3A_593 : vector<16xf32> to vector<1x16xf32>
        tpu.vector_store %arg8[%swap3A_594, %swap3A_595], %swap3A_598 {strides = array<i32>} : memref<80x128xf32, #tpu.memory_space<vmem>>, vector<1x16xf32>,
        %mul3A_599 = arith.constant 2 : i32
        %mul3A_600 = arith.muli %scan3A_392, %mul3A_599 : i32
        %add3A_601 = arith.constant 1 : i32
        %add3A_602 = arith.addi %mul3A_600, %add3A_601 : i32
        %get3A_603 = arith.index_cast %add3A_602 : i32 to index
        %get3A_604 = arith.constant 80 : index
        %get3A_605 = tpu.vector_load %arg8[%get3A_603, %get3A_604] {strides = array<i32>} : memref<80x128xf32, #tpu.memory_space<vmem>>, vector<1x16xf32>,
        %get3A_606 = vector.shape_cast %get3A_605 : vector<1x16xf32> to vector<16xf32>
        %mul3A_607 = arith.constant 11.3137083 : f32
        %mul3A_608 = vector.broadcast %mul3A_607 : f32 to vector<16xf32>
        %mul3A_609 = arith.mulf %get3A_606, %mul3A_608 : vector<16xf32>
        %swap3A_610 = arith.index_cast %add3A_602 : i32 to index
        %swap3A_611 = arith.constant 80 : index
        %swap3A_612 = tpu.vector_load %arg8[%swap3A_610, %swap3A_611] {strides = array<i32>} : memref<80x128xf32, #tpu.memory_space<vmem>>, vector<1x16xf32>,
        %swap3A_613 = vector.shape_cast %swap3A_612 : vector<1x16xf32> to vector<16xf32>
        %swap3A_614 = vector.shape_cast %mul3A_609 : vector<16xf32> to vector<1x16xf32>
        tpu.vector_store %arg8[%swap3A_610, %swap3A_611], %swap3A_614 {strides = array<i32>} : memref<80x128xf32, #tpu.memory_space<vmem>>, vector<1x16xf32>,
        %mul3A_615 = arith.constant 2 : i32
        %mul3A_616 = arith.muli %scan3A_392, %mul3A_615 : i32
        %add3A_617 = arith.constant 1 : i32
        %add3A_618 = arith.addi %mul3A_616, %add3A_617 : i32
        %get3A_619 = arith.index_cast %add3A_618 : i32 to index
        %get3A_620 = arith.constant 96 : index
        %get3A_621 = tpu.vector_load %arg8[%get3A_619, %get3A_620] {strides = array<i32>} : memref<80x128xf32, #tpu.memory_space<vmem>>, vector<1x16xf32>,
        %get3A_622 = vector.shape_cast %get3A_621 : vector<1x16xf32> to vector<16xf32>
        %mul3A_623 = arith.constant 11.3137083 : f32
        %mul3A_624 = vector.broadcast %mul3A_623 : f32 to vector<16xf32>
        %mul3A_625 = arith.mulf %get3A_622, %mul3A_624 : vector<16xf32>
        %swap3A_626 = arith.index_cast %add3A_618 : i32 to index
        %swap3A_627 = arith.constant 96 : index
        %swap3A_628 = tpu.vector_load %arg8[%swap3A_626, %swap3A_627] {strides = array<i32>} : memref<80x128xf32, #tpu.memory_space<vmem>>, vector<1x16xf32>,
        %swap3A_629 = vector.shape_cast %swap3A_628 : vector<1x16xf32> to vector<16xf32>
        %swap3A_630 = vector.shape_cast %mul3A_625 : vector<16xf32> to vector<1x16xf32>
        tpu.vector_store %arg8[%swap3A_626, %swap3A_627], %swap3A_630 {strides = array<i32>} : memref<80x128xf32, #tpu.memory_space<vmem>>, vector<1x16xf32>,
        %mul3A_631 = arith.constant 2 : i32
        %mul3A_632 = arith.muli %scan3A_392, %mul3A_631 : i32
        %add3A_633 = arith.constant 1 : i32
        %add3A_634 = arith.addi %mul3A_632, %add3A_633 : i32
        %get3A_635 = arith.index_cast %add3A_634 : i32 to index
        %get3A_636 = arith.constant 112 : index
        %get3A_637 = tpu.vector_load %arg8[%get3A_635, %get3A_636] {strides = array<i32>} : memref<80x128xf32, #tpu.memory_space<vmem>>, vector<1x16xf32>,
        %get3A_638 = vector.shape_cast %get3A_637 : vector<1x16xf32> to vector<16xf32>
        %mul3A_639 = arith.constant 11.3137083 : f32
        %mul3A_640 = vector.broadcast %mul3A_639 : f32 to vector<16xf32>
        %mul3A_641 = arith.mulf %get3A_638, %mul3A_640 : vector<16xf32>
        %swap3A_642 = arith.index_cast %add3A_634 : i32 to index
        %swap3A_643 = arith.constant 112 : index
        %swap3A_644 = tpu.vector_load %arg8[%swap3A_642, %swap3A_643] {strides = array<i32>} : memref<80x128xf32, #tpu.memory_space<vmem>>, vector<1x16xf32>,
        %swap3A_645 = vector.shape_cast %swap3A_644 : vector<1x16xf32> to vector<16xf32>
        %swap3A_646 = vector.shape_cast %mul3A_641 : vector<16xf32> to vector<1x16xf32>
        tpu.vector_store %arg8[%swap3A_642, %swap3A_643], %swap3A_646 {strides = array<i32>} : memref<80x128xf32, #tpu.memory_space<vmem>>, vector<1x16xf32>,
      }
      %scan3A_189 = arith.constant 40 : i32
      %mul3A_190 = arith.constant 80 : i32
      %mul3A_191 = arith.muli %add3A_161, %mul3A_190 : i32
      %add3A_192 = arith.addi %mul3A_2, %mul3A_191 : i32
      %dma_start3A_193 = arith.constant 0 : i32
      %dma_start3A_194 = tpu.memref_slice %arg4[%add3A_192, %dma_start3A_193] : memref<819200x128xf32, #tpu.memory_space<hbm>> -> memref<80x128xf32, #tpu.memory_space<hbm>>
      %dma_start3A_195 = arith.constant 0 : i32
      %dma_start3A_196 = tpu.memref_slice %arg4[%add3A_192, %dma_start3A_195] : memref<819200x128xf32, #tpu.memory_space<hbm>> -> memref<80x128xf32, #tpu.memory_space<hbm>>
      tpu.enqueue_dma source(%arg8 : memref<80x128xf32, #tpu.memory_space<vmem>>) target(%dma_start3A_196 : memref<80x128xf32, #tpu.memory_space<hbm>>) target_semaphore(%arg24 : memref<!tpu.dma_semaphore, #tpu.memory_space<semaphore_mem>>)
      %mul3A_197 = arith.constant 8 : i32
      %mul3A_198 = arith.muli %scan3A_84, %mul3A_197 : i32
      %add3A_199 = arith.constant 3 : i32
      %add3A_200 = arith.addi %mul3A_198, %add3A_199 : i32
      %add3A_201 = arith.constant 6 : i32
      %add3A_202 = arith.addi %add3A_200, %add3A_201 : i32
      %lt3A_203 = arith.constant 320 : i32
      %lt3A_204 = arith.cmpi slt, %add3A_202, %lt3A_203 : i32
      %ge3A_205 = arith.constant 2 : i32
      %ge3A_206 = arith.cmpi sge, %add3A_200, %ge3A_205 : i32
      %and3A_207 = arith.andi %lt3A_204, %ge3A_206 : i1
      %convert_element_type3A_208 = arith.extui %and3A_207 : i1 to i32
      %cond3A_209 = arith.constant 0 : i32
      %cond3A_210 = arith.cmpi ne, %convert_element_type3A_208, %cond3A_209 : i32
      scf.if %cond3A_210 {
        %add3A_392 = arith.constant 6 : i32
        %add3A_393 = arith.addi %add3A_200, %add3A_392 : i32
        %sub3A = arith.constant 8 : i32
        %sub3A_394 = arith.subi %add3A_393, %sub3A : i32
        %mul3A_395 = arith.constant 80 : i32
        %mul3A_396 = arith.muli %sub3A_394, %mul3A_395 : i32
        %add3A_397 = arith.addi %mul3A_2, %mul3A_396 : i32
        %dma_wait3A_398 = arith.constant 0 : i32
        %dma_wait3A_399 = tpu.memref_slice %arg4[%add3A_397, %dma_wait3A_398] : memref<819200x128xf32, #tpu.memory_space<hbm>> -> memref<80x128xf32, #tpu.memory_space<hbm>>
        %dma_wait3A_400 = arith.constant 0 : i32
        %dma_wait3A_401 = tpu.memref_slice %arg4[%add3A_397, %dma_wait3A_400] : memref<819200x128xf32, #tpu.memory_space<hbm>> -> memref<80x128xf32, #tpu.memory_space<hbm>>
        tpu.wait_dma2 semaphore(%arg23 : memref<!tpu.dma_semaphore, #tpu.memory_space<semaphore_mem>>) src(%arg7 : memref<80x128xf32, #tpu.memory_space<vmem>>) dst(%dma_wait3A_401 : memref<80x128xf32, #tpu.memory_space<hbm>>)
      } else {
      }
      %add3A_211 = arith.constant 6 : i32
      %add3A_212 = arith.addi %add3A_200, %add3A_211 : i32
      %lt3A_213 = arith.constant 320 : i32
      %lt3A_214 = arith.cmpi slt, %add3A_212, %lt3A_213 : i32
      %convert_element_type3A_215 = arith.extui %lt3A_214 : i1 to i32
      %cond3A_216 = arith.constant 0 : i32
      %cond3A_217 = arith.cmpi ne, %convert_element_type3A_215, %cond3A_216 : i32
      scf.if %cond3A_217 {
        %add3A_392 = arith.constant 6 : i32
        %add3A_393 = arith.addi %add3A_200, %add3A_392 : i32
        %mul3A_394 = arith.constant 80 : i32
        %mul3A_395 = arith.muli %add3A_393, %mul3A_394 : i32
        %dma_start3A_396 = tpu.memref_slice %arg5[%mul3A_395] : memref<25600xi32, #tpu.memory_space<vmem>> -> memref<80xi32, #tpu.memory_space<vmem>>
        %dma_start3A_397 = arith.constant 0 : i32
        %dma_start3A_398 = arith.constant 0 : i32
        %dma_start3A_399 = tpu.memref_slice %arg3[%dma_start3A_397, %dma_start3A_398] : memref<100000x128xf32, #tpu.memory_space<hbm>> -> memref<100000x128xf32, #tpu.memory_space<hbm>>
        tpu.enqueue_indirect_dma source(%dma_start3A_399 : memref<100000x128xf32, #tpu.memory_space<hbm>>) target(%arg7 : memref<80x128xf32, #tpu.memory_space<vmem>>) offsets(%dma_start3A_396 : memref<80xi32, #tpu.memory_space<vmem>>) semaphore(%arg15 : memref<!tpu.dma_semaphore, #tpu.memory_space<semaphore_mem>>)
      } else {
      }
      %dma_wait3A_218 = arith.constant 0 : i32
      %dma_wait3A_219 = tpu.memref_slice %arg5[%dma_wait3A_218] : memref<25600xi32, #tpu.memory_space<vmem>> -> memref<80xi32, #tpu.memory_space<vmem>>
      %dma_wait3A_220 = arith.constant 0 : i32
      %dma_wait3A_221 = arith.constant 0 : i32
      %dma_wait3A_222 = tpu.memref_slice %arg3[%dma_wait3A_220, %dma_wait3A_221] : memref<100000x128xf32, #tpu.memory_space<hbm>> -> memref<100000x128xf32, #tpu.memory_space<hbm>>
      tpu.wait_indirect_dma semaphore(%arg17 : memref<!tpu.dma_semaphore, #tpu.memory_space<semaphore_mem>>) src(%dma_wait3A_222 : memref<100000x128xf32, #tpu.memory_space<hbm>>) dst(%arg9 : memref<80x128xf32, #tpu.memory_space<vmem>>)
      %scan3A_223 = arith.constant 0 : i32
      %scan3A_224 = arith.constant 0 : i32
      %scan3A_225 = arith.constant 40 : i32
      %scan3A_226 = arith.addi %scan3A_224, %scan3A_225 : i32
      %scan3A_227 = arith.constant 1 : i32
      scf.for %scan3A_392 = %scan3A_224 to %scan3A_226 step %scan3A_227  : i32 {
        %mul3A_393 = arith.constant 2 : i32
        %mul3A_394 = arith.muli %scan3A_392, %mul3A_393 : i32
        %add3A_395 = arith.constant 0 : i32
        %add3A_396 = arith.addi %mul3A_394, %add3A_395 : i32
        %get3A = arith.index_cast %add3A_396 : i32 to index
        %get3A_397 = arith.constant 0 : index
        %get3A_398 = tpu.vector_load %arg9[%get3A, %get3A_397] {strides = array<i32>} : memref<80x128xf32, #tpu.memory_space<vmem>>, vector<1x16xf32>,
        %get3A_399 = vector.shape_cast %get3A_398 : vector<1x16xf32> to vector<16xf32>
        %mul3A_400 = arith.constant 11.3137083 : f32
        %mul3A_401 = vector.broadcast %mul3A_400 : f32 to vector<16xf32>
        %mul3A_402 = arith.mulf %get3A_399, %mul3A_401 : vector<16xf32>
        %swap3A = arith.index_cast %add3A_396 : i32 to index
        %swap3A_403 = arith.constant 0 : index
        %swap3A_404 = tpu.vector_load %arg9[%swap3A, %swap3A_403] {strides = array<i32>} : memref<80x128xf32, #tpu.memory_space<vmem>>, vector<1x16xf32>,
        %swap3A_405 = vector.shape_cast %swap3A_404 : vector<1x16xf32> to vector<16xf32>
        %swap3A_406 = vector.shape_cast %mul3A_402 : vector<16xf32> to vector<1x16xf32>
        tpu.vector_store %arg9[%swap3A, %swap3A_403], %swap3A_406 {strides = array<i32>} : memref<80x128xf32, #tpu.memory_space<vmem>>, vector<1x16xf32>,
        %mul3A_407 = arith.constant 2 : i32
        %mul3A_408 = arith.muli %scan3A_392, %mul3A_407 : i32
        %add3A_409 = arith.constant 0 : i32
        %add3A_410 = arith.addi %mul3A_408, %add3A_409 : i32
        %get3A_411 = arith.index_cast %add3A_410 : i32 to index
        %get3A_412 = arith.constant 16 : index
        %get3A_413 = tpu.vector_load %arg9[%get3A_411, %get3A_412] {strides = array<i32>} : memref<80x128xf32, #tpu.memory_space<vmem>>, vector<1x16xf32>,
        %get3A_414 = vector.shape_cast %get3A_413 : vector<1x16xf32> to vector<16xf32>
        %mul3A_415 = arith.constant 11.3137083 : f32
        %mul3A_416 = vector.broadcast %mul3A_415 : f32 to vector<16xf32>
        %mul3A_417 = arith.mulf %get3A_414, %mul3A_416 : vector<16xf32>
        %swap3A_418 = arith.index_cast %add3A_410 : i32 to index
        %swap3A_419 = arith.constant 16 : index
        %swap3A_420 = tpu.vector_load %arg9[%swap3A_418, %swap3A_419] {strides = array<i32>} : memref<80x128xf32, #tpu.memory_space<vmem>>, vector<1x16xf32>,
        %swap3A_421 = vector.shape_cast %swap3A_420 : vector<1x16xf32> to vector<16xf32>
        %swap3A_422 = vector.shape_cast %mul3A_417 : vector<16xf32> to vector<1x16xf32>
        tpu.vector_store %arg9[%swap3A_418, %swap3A_419], %swap3A_422 {strides = array<i32>} : memref<80x128xf32, #tpu.memory_space<vmem>>, vector<1x16xf32>,
        %mul3A_423 = arith.constant 2 : i32
        %mul3A_424 = arith.muli %scan3A_392, %mul3A_423 : i32
        %add3A_425 = arith.constant 0 : i32
        %add3A_426 = arith.addi %mul3A_424, %add3A_425 : i32
        %get3A_427 = arith.index_cast %add3A_426 : i32 to index
        %get3A_428 = arith.constant 32 : index
        %get3A_429 = tpu.vector_load %arg9[%get3A_427, %get3A_428] {strides = array<i32>} : memref<80x128xf32, #tpu.memory_space<vmem>>, vector<1x16xf32>,
        %get3A_430 = vector.shape_cast %get3A_429 : vector<1x16xf32> to vector<16xf32>
        %mul3A_431 = arith.constant 11.3137083 : f32
        %mul3A_432 = vector.broadcast %mul3A_431 : f32 to vector<16xf32>
        %mul3A_433 = arith.mulf %get3A_430, %mul3A_432 : vector<16xf32>
        %swap3A_434 = arith.index_cast %add3A_426 : i32 to index
        %swap3A_435 = arith.constant 32 : index
        %swap3A_436 = tpu.vector_load %arg9[%swap3A_434, %swap3A_435] {strides = array<i32>} : memref<80x128xf32, #tpu.memory_space<vmem>>, vector<1x16xf32>,
        %swap3A_437 = vector.shape_cast %swap3A_436 : vector<1x16xf32> to vector<16xf32>
        %swap3A_438 = vector.shape_cast %mul3A_433 : vector<16xf32> to vector<1x16xf32>
        tpu.vector_store %arg9[%swap3A_434, %swap3A_435], %swap3A_438 {strides = array<i32>} : memref<80x128xf32, #tpu.memory_space<vmem>>, vector<1x16xf32>,
        %mul3A_439 = arith.constant 2 : i32
        %mul3A_440 = arith.muli %scan3A_392, %mul3A_439 : i32
        %add3A_441 = arith.constant 0 : i32
        %add3A_442 = arith.addi %mul3A_440, %add3A_441 : i32
        %get3A_443 = arith.index_cast %add3A_442 : i32 to index
        %get3A_444 = arith.constant 48 : index
        %get3A_445 = tpu.vector_load %arg9[%get3A_443, %get3A_444] {strides = array<i32>} : memref<80x128xf32, #tpu.memory_space<vmem>>, vector<1x16xf32>,
        %get3A_446 = vector.shape_cast %get3A_445 : vector<1x16xf32> to vector<16xf32>
        %mul3A_447 = arith.constant 11.3137083 : f32
        %mul3A_448 = vector.broadcast %mul3A_447 : f32 to vector<16xf32>
        %mul3A_449 = arith.mulf %get3A_446, %mul3A_448 : vector<16xf32>
        %swap3A_450 = arith.index_cast %add3A_442 : i32 to index
        %swap3A_451 = arith.constant 48 : index
        %swap3A_452 = tpu.vector_load %arg9[%swap3A_450, %swap3A_451] {strides = array<i32>} : memref<80x128xf32, #tpu.memory_space<vmem>>, vector<1x16xf32>,
        %swap3A_453 = vector.shape_cast %swap3A_452 : vector<1x16xf32> to vector<16xf32>
        %swap3A_454 = vector.shape_cast %mul3A_449 : vector<16xf32> to vector<1x16xf32>
        tpu.vector_store %arg9[%swap3A_450, %swap3A_451], %swap3A_454 {strides = array<i32>} : memref<80x128xf32, #tpu.memory_space<vmem>>, vector<1x16xf32>,
        %mul3A_455 = arith.constant 2 : i32
        %mul3A_456 = arith.muli %scan3A_392, %mul3A_455 : i32
        %add3A_457 = arith.constant 0 : i32
        %add3A_458 = arith.addi %mul3A_456, %add3A_457 : i32
        %get3A_459 = arith.index_cast %add3A_458 : i32 to index
        %get3A_460 = arith.constant 64 : index
        %get3A_461 = tpu.vector_load %arg9[%get3A_459, %get3A_460] {strides = array<i32>} : memref<80x128xf32, #tpu.memory_space<vmem>>, vector<1x16xf32>,
        %get3A_462 = vector.shape_cast %get3A_461 : vector<1x16xf32> to vector<16xf32>
        %mul3A_463 = arith.constant 11.3137083 : f32
        %mul3A_464 = vector.broadcast %mul3A_463 : f32 to vector<16xf32>
        %mul3A_465 = arith.mulf %get3A_462, %mul3A_464 : vector<16xf32>
        %swap3A_466 = arith.index_cast %add3A_458 : i32 to index
        %swap3A_467 = arith.constant 64 : index
        %swap3A_468 = tpu.vector_load %arg9[%swap3A_466, %swap3A_467] {strides = array<i32>} : memref<80x128xf32, #tpu.memory_space<vmem>>, vector<1x16xf32>,
        %swap3A_469 = vector.shape_cast %swap3A_468 : vector<1x16xf32> to vector<16xf32>
        %swap3A_470 = vector.shape_cast %mul3A_465 : vector<16xf32> to vector<1x16xf32>
        tpu.vector_store %arg9[%swap3A_466, %swap3A_467], %swap3A_470 {strides = array<i32>} : memref<80x128xf32, #tpu.memory_space<vmem>>, vector<1x16xf32>,
        %mul3A_471 = arith.constant 2 : i32
        %mul3A_472 = arith.muli %scan3A_392, %mul3A_471 : i32
        %add3A_473 = arith.constant 0 : i32
        %add3A_474 = arith.addi %mul3A_472, %add3A_473 : i32
        %get3A_475 = arith.index_cast %add3A_474 : i32 to index
        %get3A_476 = arith.constant 80 : index
        %get3A_477 = tpu.vector_load %arg9[%get3A_475, %get3A_476] {strides = array<i32>} : memref<80x128xf32, #tpu.memory_space<vmem>>, vector<1x16xf32>,
        %get3A_478 = vector.shape_cast %get3A_477 : vector<1x16xf32> to vector<16xf32>
        %mul3A_479 = arith.constant 11.3137083 : f32
        %mul3A_480 = vector.broadcast %mul3A_479 : f32 to vector<16xf32>
        %mul3A_481 = arith.mulf %get3A_478, %mul3A_480 : vector<16xf32>
        %swap3A_482 = arith.index_cast %add3A_474 : i32 to index
        %swap3A_483 = arith.constant 80 : index
        %swap3A_484 = tpu.vector_load %arg9[%swap3A_482, %swap3A_483] {strides = array<i32>} : memref<80x128xf32, #tpu.memory_space<vmem>>, vector<1x16xf32>,
        %swap3A_485 = vector.shape_cast %swap3A_484 : vector<1x16xf32> to vector<16xf32>
        %swap3A_486 = vector.shape_cast %mul3A_481 : vector<16xf32> to vector<1x16xf32>
        tpu.vector_store %arg9[%swap3A_482, %swap3A_483], %swap3A_486 {strides = array<i32>} : memref<80x128xf32, #tpu.memory_space<vmem>>, vector<1x16xf32>,
        %mul3A_487 = arith.constant 2 : i32
        %mul3A_488 = arith.muli %scan3A_392, %mul3A_487 : i32
        %add3A_489 = arith.constant 0 : i32
        %add3A_490 = arith.addi %mul3A_488, %add3A_489 : i32
        %get3A_491 = arith.index_cast %add3A_490 : i32 to index
        %get3A_492 = arith.constant 96 : index
        %get3A_493 = tpu.vector_load %arg9[%get3A_491, %get3A_492] {strides = array<i32>} : memref<80x128xf32, #tpu.memory_space<vmem>>, vector<1x16xf32>,
        %get3A_494 = vector.shape_cast %get3A_493 : vector<1x16xf32> to vector<16xf32>
        %mul3A_495 = arith.constant 11.3137083 : f32
        %mul3A_496 = vector.broadcast %mul3A_495 : f32 to vector<16xf32>
        %mul3A_497 = arith.mulf %get3A_494, %mul3A_496 : vector<16xf32>
        %swap3A_498 = arith.index_cast %add3A_490 : i32 to index
        %swap3A_499 = arith.constant 96 : index
        %swap3A_500 = tpu.vector_load %arg9[%swap3A_498, %swap3A_499] {strides = array<i32>} : memref<80x128xf32, #tpu.memory_space<vmem>>, vector<1x16xf32>,
        %swap3A_501 = vector.shape_cast %swap3A_500 : vector<1x16xf32> to vector<16xf32>
        %swap3A_502 = vector.shape_cast %mul3A_497 : vector<16xf32> to vector<1x16xf32>
        tpu.vector_store %arg9[%swap3A_498, %swap3A_499], %swap3A_502 {strides = array<i32>} : memref<80x128xf32, #tpu.memory_space<vmem>>, vector<1x16xf32>,
        %mul3A_503 = arith.constant 2 : i32
        %mul3A_504 = arith.muli %scan3A_392, %mul3A_503 : i32
        %add3A_505 = arith.constant 0 : i32
        %add3A_506 = arith.addi %mul3A_504, %add3A_505 : i32
        %get3A_507 = arith.index_cast %add3A_506 : i32 to index
        %get3A_508 = arith.constant 112 : index
        %get3A_509 = tpu.vector_load %arg9[%get3A_507, %get3A_508] {strides = array<i32>} : memref<80x128xf32, #tpu.memory_space<vmem>>, vector<1x16xf32>,
        %get3A_510 = vector.shape_cast %get3A_509 : vector<1x16xf32> to vector<16xf32>
        %mul3A_511 = arith.constant 11.3137083 : f32
        %mul3A_512 = vector.broadcast %mul3A_511 : f32 to vector<16xf32>
        %mul3A_513 = arith.mulf %get3A_510, %mul3A_512 : vector<16xf32>
        %swap3A_514 = arith.index_cast %add3A_506 : i32 to index
        %swap3A_515 = arith.constant 112 : index
        %swap3A_516 = tpu.vector_load %arg9[%swap3A_514, %swap3A_515] {strides = array<i32>} : memref<80x128xf32, #tpu.memory_space<vmem>>, vector<1x16xf32>,
        %swap3A_517 = vector.shape_cast %swap3A_516 : vector<1x16xf32> to vector<16xf32>
        %swap3A_518 = vector.shape_cast %mul3A_513 : vector<16xf32> to vector<1x16xf32>
        tpu.vector_store %arg9[%swap3A_514, %swap3A_515], %swap3A_518 {strides = array<i32>} : memref<80x128xf32, #tpu.memory_space<vmem>>, vector<1x16xf32>,
        %mul3A_519 = arith.constant 2 : i32
        %mul3A_520 = arith.muli %scan3A_392, %mul3A_519 : i32
        %add3A_521 = arith.constant 1 : i32
        %add3A_522 = arith.addi %mul3A_520, %add3A_521 : i32
        %get3A_523 = arith.index_cast %add3A_522 : i32 to index
        %get3A_524 = arith.constant 0 : index
        %get3A_525 = tpu.vector_load %arg9[%get3A_523, %get3A_524] {strides = array<i32>} : memref<80x128xf32, #tpu.memory_space<vmem>>, vector<1x16xf32>,
        %get3A_526 = vector.shape_cast %get3A_525 : vector<1x16xf32> to vector<16xf32>
        %mul3A_527 = arith.constant 11.3137083 : f32
        %mul3A_528 = vector.broadcast %mul3A_527 : f32 to vector<16xf32>
        %mul3A_529 = arith.mulf %get3A_526, %mul3A_528 : vector<16xf32>
        %swap3A_530 = arith.index_cast %add3A_522 : i32 to index
        %swap3A_531 = arith.constant 0 : index
        %swap3A_532 = tpu.vector_load %arg9[%swap3A_530, %swap3A_531] {strides = array<i32>} : memref<80x128xf32, #tpu.memory_space<vmem>>, vector<1x16xf32>,
        %swap3A_533 = vector.shape_cast %swap3A_532 : vector<1x16xf32> to vector<16xf32>
        %swap3A_534 = vector.shape_cast %mul3A_529 : vector<16xf32> to vector<1x16xf32>
        tpu.vector_store %arg9[%swap3A_530, %swap3A_531], %swap3A_534 {strides = array<i32>} : memref<80x128xf32, #tpu.memory_space<vmem>>, vector<1x16xf32>,
        %mul3A_535 = arith.constant 2 : i32
        %mul3A_536 = arith.muli %scan3A_392, %mul3A_535 : i32
        %add3A_537 = arith.constant 1 : i32
        %add3A_538 = arith.addi %mul3A_536, %add3A_537 : i32
        %get3A_539 = arith.index_cast %add3A_538 : i32 to index
        %get3A_540 = arith.constant 16 : index
        %get3A_541 = tpu.vector_load %arg9[%get3A_539, %get3A_540] {strides = array<i32>} : memref<80x128xf32, #tpu.memory_space<vmem>>, vector<1x16xf32>,
        %get3A_542 = vector.shape_cast %get3A_541 : vector<1x16xf32> to vector<16xf32>
        %mul3A_543 = arith.constant 11.3137083 : f32
        %mul3A_544 = vector.broadcast %mul3A_543 : f32 to vector<16xf32>
        %mul3A_545 = arith.mulf %get3A_542, %mul3A_544 : vector<16xf32>
        %swap3A_546 = arith.index_cast %add3A_538 : i32 to index
        %swap3A_547 = arith.constant 16 : index
        %swap3A_548 = tpu.vector_load %arg9[%swap3A_546, %swap3A_547] {strides = array<i32>} : memref<80x128xf32, #tpu.memory_space<vmem>>, vector<1x16xf32>,
        %swap3A_549 = vector.shape_cast %swap3A_548 : vector<1x16xf32> to vector<16xf32>
        %swap3A_550 = vector.shape_cast %mul3A_545 : vector<16xf32> to vector<1x16xf32>
        tpu.vector_store %arg9[%swap3A_546, %swap3A_547], %swap3A_550 {strides = array<i32>} : memref<80x128xf32, #tpu.memory_space<vmem>>, vector<1x16xf32>,
        %mul3A_551 = arith.constant 2 : i32
        %mul3A_552 = arith.muli %scan3A_392, %mul3A_551 : i32
        %add3A_553 = arith.constant 1 : i32
        %add3A_554 = arith.addi %mul3A_552, %add3A_553 : i32
        %get3A_555 = arith.index_cast %add3A_554 : i32 to index
        %get3A_556 = arith.constant 32 : index
        %get3A_557 = tpu.vector_load %arg9[%get3A_555, %get3A_556] {strides = array<i32>} : memref<80x128xf32, #tpu.memory_space<vmem>>, vector<1x16xf32>,
        %get3A_558 = vector.shape_cast %get3A_557 : vector<1x16xf32> to vector<16xf32>
        %mul3A_559 = arith.constant 11.3137083 : f32
        %mul3A_560 = vector.broadcast %mul3A_559 : f32 to vector<16xf32>
        %mul3A_561 = arith.mulf %get3A_558, %mul3A_560 : vector<16xf32>
        %swap3A_562 = arith.index_cast %add3A_554 : i32 to index
        %swap3A_563 = arith.constant 32 : index
        %swap3A_564 = tpu.vector_load %arg9[%swap3A_562, %swap3A_563] {strides = array<i32>} : memref<80x128xf32, #tpu.memory_space<vmem>>, vector<1x16xf32>,
        %swap3A_565 = vector.shape_cast %swap3A_564 : vector<1x16xf32> to vector<16xf32>
        %swap3A_566 = vector.shape_cast %mul3A_561 : vector<16xf32> to vector<1x16xf32>
        tpu.vector_store %arg9[%swap3A_562, %swap3A_563], %swap3A_566 {strides = array<i32>} : memref<80x128xf32, #tpu.memory_space<vmem>>, vector<1x16xf32>,
        %mul3A_567 = arith.constant 2 : i32
        %mul3A_568 = arith.muli %scan3A_392, %mul3A_567 : i32
        %add3A_569 = arith.constant 1 : i32
        %add3A_570 = arith.addi %mul3A_568, %add3A_569 : i32
        %get3A_571 = arith.index_cast %add3A_570 : i32 to index
        %get3A_572 = arith.constant 48 : index
        %get3A_573 = tpu.vector_load %arg9[%get3A_571, %get3A_572] {strides = array<i32>} : memref<80x128xf32, #tpu.memory_space<vmem>>, vector<1x16xf32>,
        %get3A_574 = vector.shape_cast %get3A_573 : vector<1x16xf32> to vector<16xf32>
        %mul3A_575 = arith.constant 11.3137083 : f32
        %mul3A_576 = vector.broadcast %mul3A_575 : f32 to vector<16xf32>
        %mul3A_577 = arith.mulf %get3A_574, %mul3A_576 : vector<16xf32>
        %swap3A_578 = arith.index_cast %add3A_570 : i32 to index
        %swap3A_579 = arith.constant 48 : index
        %swap3A_580 = tpu.vector_load %arg9[%swap3A_578, %swap3A_579] {strides = array<i32>} : memref<80x128xf32, #tpu.memory_space<vmem>>, vector<1x16xf32>,
        %swap3A_581 = vector.shape_cast %swap3A_580 : vector<1x16xf32> to vector<16xf32>
        %swap3A_582 = vector.shape_cast %mul3A_577 : vector<16xf32> to vector<1x16xf32>
        tpu.vector_store %arg9[%swap3A_578, %swap3A_579], %swap3A_582 {strides = array<i32>} : memref<80x128xf32, #tpu.memory_space<vmem>>, vector<1x16xf32>,
        %mul3A_583 = arith.constant 2 : i32
        %mul3A_584 = arith.muli %scan3A_392, %mul3A_583 : i32
        %add3A_585 = arith.constant 1 : i32
        %add3A_586 = arith.addi %mul3A_584, %add3A_585 : i32
        %get3A_587 = arith.index_cast %add3A_586 : i32 to index
        %get3A_588 = arith.constant 64 : index
        %get3A_589 = tpu.vector_load %arg9[%get3A_587, %get3A_588] {strides = array<i32>} : memref<80x128xf32, #tpu.memory_space<vmem>>, vector<1x16xf32>,
        %get3A_590 = vector.shape_cast %get3A_589 : vector<1x16xf32> to vector<16xf32>
        %mul3A_591 = arith.constant 11.3137083 : f32
        %mul3A_592 = vector.broadcast %mul3A_591 : f32 to vector<16xf32>
        %mul3A_593 = arith.mulf %get3A_590, %mul3A_592 : vector<16xf32>
        %swap3A_594 = arith.index_cast %add3A_586 : i32 to index
        %swap3A_595 = arith.constant 64 : index
        %swap3A_596 = tpu.vector_load %arg9[%swap3A_594, %swap3A_595] {strides = array<i32>} : memref<80x128xf32, #tpu.memory_space<vmem>>, vector<1x16xf32>,
        %swap3A_597 = vector.shape_cast %swap3A_596 : vector<1x16xf32> to vector<16xf32>
        %swap3A_598 = vector.shape_cast %mul3A_593 : vector<16xf32> to vector<1x16xf32>
        tpu.vector_store %arg9[%swap3A_594, %swap3A_595], %swap3A_598 {strides = array<i32>} : memref<80x128xf32, #tpu.memory_space<vmem>>, vector<1x16xf32>,
        %mul3A_599 = arith.constant 2 : i32
        %mul3A_600 = arith.muli %scan3A_392, %mul3A_599 : i32
        %add3A_601 = arith.constant 1 : i32
        %add3A_602 = arith.addi %mul3A_600, %add3A_601 : i32
        %get3A_603 = arith.index_cast %add3A_602 : i32 to index
        %get3A_604 = arith.constant 80 : index
        %get3A_605 = tpu.vector_load %arg9[%get3A_603, %get3A_604] {strides = array<i32>} : memref<80x128xf32, #tpu.memory_space<vmem>>, vector<1x16xf32>,
        %get3A_606 = vector.shape_cast %get3A_605 : vector<1x16xf32> to vector<16xf32>
        %mul3A_607 = arith.constant 11.3137083 : f32
        %mul3A_608 = vector.broadcast %mul3A_607 : f32 to vector<16xf32>
        %mul3A_609 = arith.mulf %get3A_606, %mul3A_608 : vector<16xf32>
        %swap3A_610 = arith.index_cast %add3A_602 : i32 to index
        %swap3A_611 = arith.constant 80 : index
        %swap3A_612 = tpu.vector_load %arg9[%swap3A_610, %swap3A_611] {strides = array<i32>} : memref<80x128xf32, #tpu.memory_space<vmem>>, vector<1x16xf32>,
        %swap3A_613 = vector.shape_cast %swap3A_612 : vector<1x16xf32> to vector<16xf32>
        %swap3A_614 = vector.shape_cast %mul3A_609 : vector<16xf32> to vector<1x16xf32>
        tpu.vector_store %arg9[%swap3A_610, %swap3A_611], %swap3A_614 {strides = array<i32>} : memref<80x128xf32, #tpu.memory_space<vmem>>, vector<1x16xf32>,
        %mul3A_615 = arith.constant 2 : i32
        %mul3A_616 = arith.muli %scan3A_392, %mul3A_615 : i32
        %add3A_617 = arith.constant 1 : i32
        %add3A_618 = arith.addi %mul3A_616, %add3A_617 : i32
        %get3A_619 = arith.index_cast %add3A_618 : i32 to index
        %get3A_620 = arith.constant 96 : index
        %get3A_621 = tpu.vector_load %arg9[%get3A_619, %get3A_620] {strides = array<i32>} : memref<80x128xf32, #tpu.memory_space<vmem>>, vector<1x16xf32>,
        %get3A_622 = vector.shape_cast %get3A_621 : vector<1x16xf32> to vector<16xf32>
        %mul3A_623 = arith.constant 11.3137083 : f32
        %mul3A_624 = vector.broadcast %mul3A_623 : f32 to vector<16xf32>
        %mul3A_625 = arith.mulf %get3A_622, %mul3A_624 : vector<16xf32>
        %swap3A_626 = arith.index_cast %add3A_618 : i32 to index
        %swap3A_627 = arith.constant 96 : index
        %swap3A_628 = tpu.vector_load %arg9[%swap3A_626, %swap3A_627] {strides = array<i32>} : memref<80x128xf32, #tpu.memory_space<vmem>>, vector<1x16xf32>,
        %swap3A_629 = vector.shape_cast %swap3A_628 : vector<1x16xf32> to vector<16xf32>
        %swap3A_630 = vector.shape_cast %mul3A_625 : vector<16xf32> to vector<1x16xf32>
        tpu.vector_store %arg9[%swap3A_626, %swap3A_627], %swap3A_630 {strides = array<i32>} : memref<80x128xf32, #tpu.memory_space<vmem>>, vector<1x16xf32>,
        %mul3A_631 = arith.constant 2 : i32
        %mul3A_632 = arith.muli %scan3A_392, %mul3A_631 : i32
        %add3A_633 = arith.constant 1 : i32
        %add3A_634 = arith.addi %mul3A_632, %add3A_633 : i32
        %get3A_635 = arith.index_cast %add3A_634 : i32 to index
        %get3A_636 = arith.constant 112 : index
        %get3A_637 = tpu.vector_load %arg9[%get3A_635, %get3A_636] {strides = array<i32>} : memref<80x128xf32, #tpu.memory_space<vmem>>, vector<1x16xf32>,
        %get3A_638 = vector.shape_cast %get3A_637 : vector<1x16xf32> to vector<16xf32>
        %mul3A_639 = arith.constant 11.3137083 : f32
        %mul3A_640 = vector.broadcast %mul3A_639 : f32 to vector<16xf32>
        %mul3A_641 = arith.mulf %get3A_638, %mul3A_640 : vector<16xf32>
        %swap3A_642 = arith.index_cast %add3A_634 : i32 to index
        %swap3A_643 = arith.constant 112 : index
        %swap3A_644 = tpu.vector_load %arg9[%swap3A_642, %swap3A_643] {strides = array<i32>} : memref<80x128xf32, #tpu.memory_space<vmem>>, vector<1x16xf32>,
        %swap3A_645 = vector.shape_cast %swap3A_644 : vector<1x16xf32> to vector<16xf32>
        %swap3A_646 = vector.shape_cast %mul3A_641 : vector<16xf32> to vector<1x16xf32>
        tpu.vector_store %arg9[%swap3A_642, %swap3A_643], %swap3A_646 {strides = array<i32>} : memref<80x128xf32, #tpu.memory_space<vmem>>, vector<1x16xf32>,
      }
      %scan3A_228 = arith.constant 40 : i32
      %mul3A_229 = arith.constant 80 : i32
      %mul3A_230 = arith.muli %add3A_200, %mul3A_229 : i32
      %add3A_231 = arith.addi %mul3A_2, %mul3A_230 : i32
      %dma_start3A_232 = arith.constant 0 : i32
      %dma_start3A_233 = tpu.memref_slice %arg4[%add3A_231, %dma_start3A_232] : memref<819200x128xf32, #tpu.memory_space<hbm>> -> memref<80x128xf32, #tpu.memory_space<hbm>>
      %dma_start3A_234 = arith.constant 0 : i32
      %dma_start3A_235 = tpu.memref_slice %arg4[%add3A_231, %dma_start3A_234] : memref<819200x128xf32, #tpu.memory_space<hbm>> -> memref<80x128xf32, #tpu.memory_space<hbm>>
      tpu.enqueue_dma source(%arg9 : memref<80x128xf32, #tpu.memory_space<vmem>>) target(%dma_start3A_235 : memref<80x128xf32, #tpu.memory_space<hbm>>) target_semaphore(%arg25 : memref<!tpu.dma_semaphore, #tpu.memory_space<semaphore_mem>>)
      %mul3A_236 = arith.constant 8 : i32
      %mul3A_237 = arith.muli %scan3A_84, %mul3A_236 : i32
      %add3A_238 = arith.constant 4 : i32
      %add3A_239 = arith.addi %mul3A_237, %add3A_238 : i32
      %add3A_240 = arith.constant 6 : i32
      %add3A_241 = arith.addi %add3A_239, %add3A_240 : i32
      %lt3A_242 = arith.constant 320 : i32
      %lt3A_243 = arith.cmpi slt, %add3A_241, %lt3A_242 : i32
      %ge3A_244 = arith.constant 2 : i32
      %ge3A_245 = arith.cmpi sge, %add3A_239, %ge3A_244 : i32
      %and3A_246 = arith.andi %lt3A_243, %ge3A_245 : i1
      %convert_element_type3A_247 = arith.extui %and3A_246 : i1 to i32
      %cond3A_248 = arith.constant 0 : i32
      %cond3A_249 = arith.cmpi ne, %convert_element_type3A_247, %cond3A_248 : i32
      scf.if %cond3A_249 {
        %add3A_392 = arith.constant 6 : i32
        %add3A_393 = arith.addi %add3A_239, %add3A_392 : i32
        %sub3A = arith.constant 8 : i32
        %sub3A_394 = arith.subi %add3A_393, %sub3A : i32
        %mul3A_395 = arith.constant 80 : i32
        %mul3A_396 = arith.muli %sub3A_394, %mul3A_395 : i32
        %add3A_397 = arith.addi %mul3A_2, %mul3A_396 : i32
        %dma_wait3A_398 = arith.constant 0 : i32
        %dma_wait3A_399 = tpu.memref_slice %arg4[%add3A_397, %dma_wait3A_398] : memref<819200x128xf32, #tpu.memory_space<hbm>> -> memref<80x128xf32, #tpu.memory_space<hbm>>
        %dma_wait3A_400 = arith.constant 0 : i32
        %dma_wait3A_401 = tpu.memref_slice %arg4[%add3A_397, %dma_wait3A_400] : memref<819200x128xf32, #tpu.memory_space<hbm>> -> memref<80x128xf32, #tpu.memory_space<hbm>>
        tpu.wait_dma2 semaphore(%arg24 : memref<!tpu.dma_semaphore, #tpu.memory_space<semaphore_mem>>) src(%arg8 : memref<80x128xf32, #tpu.memory_space<vmem>>) dst(%dma_wait3A_401 : memref<80x128xf32, #tpu.memory_space<hbm>>)
      } else {
      }
      %add3A_250 = arith.constant 6 : i32
      %add3A_251 = arith.addi %add3A_239, %add3A_250 : i32
      %lt3A_252 = arith.constant 320 : i32
      %lt3A_253 = arith.cmpi slt, %add3A_251, %lt3A_252 : i32
      %convert_element_type3A_254 = arith.extui %lt3A_253 : i1 to i32
      %cond3A_255 = arith.constant 0 : i32
      %cond3A_256 = arith.cmpi ne, %convert_element_type3A_254, %cond3A_255 : i32
      scf.if %cond3A_256 {
        %add3A_392 = arith.constant 6 : i32
        %add3A_393 = arith.addi %add3A_239, %add3A_392 : i32
        %mul3A_394 = arith.constant 80 : i32
        %mul3A_395 = arith.muli %add3A_393, %mul3A_394 : i32
        %dma_start3A_396 = tpu.memref_slice %arg5[%mul3A_395] : memref<25600xi32, #tpu.memory_space<vmem>> -> memref<80xi32, #tpu.memory_space<vmem>>
        %dma_start3A_397 = arith.constant 0 : i32
        %dma_start3A_398 = arith.constant 0 : i32
        %dma_start3A_399 = tpu.memref_slice %arg3[%dma_start3A_397, %dma_start3A_398] : memref<100000x128xf32, #tpu.memory_space<hbm>> -> memref<100000x128xf32, #tpu.memory_space<hbm>>
        tpu.enqueue_indirect_dma source(%dma_start3A_399 : memref<100000x128xf32, #tpu.memory_space<hbm>>) target(%arg8 : memref<80x128xf32, #tpu.memory_space<vmem>>) offsets(%dma_start3A_396 : memref<80xi32, #tpu.memory_space<vmem>>) semaphore(%arg16 : memref<!tpu.dma_semaphore, #tpu.memory_space<semaphore_mem>>)
      } else {
      }
      %dma_wait3A_257 = arith.constant 0 : i32
      %dma_wait3A_258 = tpu.memref_slice %arg5[%dma_wait3A_257] : memref<25600xi32, #tpu.memory_space<vmem>> -> memref<80xi32, #tpu.memory_space<vmem>>
      %dma_wait3A_259 = arith.constant 0 : i32
      %dma_wait3A_260 = arith.constant 0 : i32
      %dma_wait3A_261 = tpu.memref_slice %arg3[%dma_wait3A_259, %dma_wait3A_260] : memref<100000x128xf32, #tpu.memory_space<hbm>> -> memref<100000x128xf32, #tpu.memory_space<hbm>>
      tpu.wait_indirect_dma semaphore(%arg18 : memref<!tpu.dma_semaphore, #tpu.memory_space<semaphore_mem>>) src(%dma_wait3A_261 : memref<100000x128xf32, #tpu.memory_space<hbm>>) dst(%arg10 : memref<80x128xf32, #tpu.memory_space<vmem>>)
      %scan3A_262 = arith.constant 0 : i32
      %scan3A_263 = arith.constant 0 : i32
      %scan3A_264 = arith.constant 40 : i32
      %scan3A_265 = arith.addi %scan3A_263, %scan3A_264 : i32
      %scan3A_266 = arith.constant 1 : i32
      scf.for %scan3A_392 = %scan3A_263 to %scan3A_265 step %scan3A_266  : i32 {
        %mul3A_393 = arith.constant 2 : i32
        %mul3A_394 = arith.muli %scan3A_392, %mul3A_393 : i32
        %add3A_395 = arith.constant 0 : i32
        %add3A_396 = arith.addi %mul3A_394, %add3A_395 : i32
        %get3A = arith.index_cast %add3A_396 : i32 to index
        %get3A_397 = arith.constant 0 : index
        %get3A_398 = tpu.vector_load %arg10[%get3A, %get3A_397] {strides = array<i32>} : memref<80x128xf32, #tpu.memory_space<vmem>>, vector<1x16xf32>,
        %get3A_399 = vector.shape_cast %get3A_398 : vector<1x16xf32> to vector<16xf32>
        %mul3A_400 = arith.constant 11.3137083 : f32
        %mul3A_401 = vector.broadcast %mul3A_400 : f32 to vector<16xf32>
        %mul3A_402 = arith.mulf %get3A_399, %mul3A_401 : vector<16xf32>
        %swap3A = arith.index_cast %add3A_396 : i32 to index
        %swap3A_403 = arith.constant 0 : index
        %swap3A_404 = tpu.vector_load %arg10[%swap3A, %swap3A_403] {strides = array<i32>} : memref<80x128xf32, #tpu.memory_space<vmem>>, vector<1x16xf32>,
        %swap3A_405 = vector.shape_cast %swap3A_404 : vector<1x16xf32> to vector<16xf32>
        %swap3A_406 = vector.shape_cast %mul3A_402 : vector<16xf32> to vector<1x16xf32>
        tpu.vector_store %arg10[%swap3A, %swap3A_403], %swap3A_406 {strides = array<i32>} : memref<80x128xf32, #tpu.memory_space<vmem>>, vector<1x16xf32>,
        %mul3A_407 = arith.constant 2 : i32
        %mul3A_408 = arith.muli %scan3A_392, %mul3A_407 : i32
        %add3A_409 = arith.constant 0 : i32
        %add3A_410 = arith.addi %mul3A_408, %add3A_409 : i32
        %get3A_411 = arith.index_cast %add3A_410 : i32 to index
        %get3A_412 = arith.constant 16 : index
        %get3A_413 = tpu.vector_load %arg10[%get3A_411, %get3A_412] {strides = array<i32>} : memref<80x128xf32, #tpu.memory_space<vmem>>, vector<1x16xf32>,
        %get3A_414 = vector.shape_cast %get3A_413 : vector<1x16xf32> to vector<16xf32>
        %mul3A_415 = arith.constant 11.3137083 : f32
        %mul3A_416 = vector.broadcast %mul3A_415 : f32 to vector<16xf32>
        %mul3A_417 = arith.mulf %get3A_414, %mul3A_416 : vector<16xf32>
        %swap3A_418 = arith.index_cast %add3A_410 : i32 to index
        %swap3A_419 = arith.constant 16 : index
        %swap3A_420 = tpu.vector_load %arg10[%swap3A_418, %swap3A_419] {strides = array<i32>} : memref<80x128xf32, #tpu.memory_space<vmem>>, vector<1x16xf32>,
        %swap3A_421 = vector.shape_cast %swap3A_420 : vector<1x16xf32> to vector<16xf32>
        %swap3A_422 = vector.shape_cast %mul3A_417 : vector<16xf32> to vector<1x16xf32>
        tpu.vector_store %arg10[%swap3A_418, %swap3A_419], %swap3A_422 {strides = array<i32>} : memref<80x128xf32, #tpu.memory_space<vmem>>, vector<1x16xf32>,
        %mul3A_423 = arith.constant 2 : i32
        %mul3A_424 = arith.muli %scan3A_392, %mul3A_423 : i32
        %add3A_425 = arith.constant 0 : i32
        %add3A_426 = arith.addi %mul3A_424, %add3A_425 : i32
        %get3A_427 = arith.index_cast %add3A_426 : i32 to index
        %get3A_428 = arith.constant 32 : index
        %get3A_429 = tpu.vector_load %arg10[%get3A_427, %get3A_428] {strides = array<i32>} : memref<80x128xf32, #tpu.memory_space<vmem>>, vector<1x16xf32>,
        %get3A_430 = vector.shape_cast %get3A_429 : vector<1x16xf32> to vector<16xf32>
        %mul3A_431 = arith.constant 11.3137083 : f32
        %mul3A_432 = vector.broadcast %mul3A_431 : f32 to vector<16xf32>
        %mul3A_433 = arith.mulf %get3A_430, %mul3A_432 : vector<16xf32>
        %swap3A_434 = arith.index_cast %add3A_426 : i32 to index
        %swap3A_435 = arith.constant 32 : index
        %swap3A_436 = tpu.vector_load %arg10[%swap3A_434, %swap3A_435] {strides = array<i32>} : memref<80x128xf32, #tpu.memory_space<vmem>>, vector<1x16xf32>,
        %swap3A_437 = vector.shape_cast %swap3A_436 : vector<1x16xf32> to vector<16xf32>
        %swap3A_438 = vector.shape_cast %mul3A_433 : vector<16xf32> to vector<1x16xf32>
        tpu.vector_store %arg10[%swap3A_434, %swap3A_435], %swap3A_438 {strides = array<i32>} : memref<80x128xf32, #tpu.memory_space<vmem>>, vector<1x16xf32>,
        %mul3A_439 = arith.constant 2 : i32
        %mul3A_440 = arith.muli %scan3A_392, %mul3A_439 : i32
        %add3A_441 = arith.constant 0 : i32
        %add3A_442 = arith.addi %mul3A_440, %add3A_441 : i32
        %get3A_443 = arith.index_cast %add3A_442 : i32 to index
        %get3A_444 = arith.constant 48 : index
        %get3A_445 = tpu.vector_load %arg10[%get3A_443, %get3A_444] {strides = array<i32>} : memref<80x128xf32, #tpu.memory_space<vmem>>, vector<1x16xf32>,
        %get3A_446 = vector.shape_cast %get3A_445 : vector<1x16xf32> to vector<16xf32>
        %mul3A_447 = arith.constant 11.3137083 : f32
        %mul3A_448 = vector.broadcast %mul3A_447 : f32 to vector<16xf32>
        %mul3A_449 = arith.mulf %get3A_446, %mul3A_448 : vector<16xf32>
        %swap3A_450 = arith.index_cast %add3A_442 : i32 to index
        %swap3A_451 = arith.constant 48 : index
        %swap3A_452 = tpu.vector_load %arg10[%swap3A_450, %swap3A_451] {strides = array<i32>} : memref<80x128xf32, #tpu.memory_space<vmem>>, vector<1x16xf32>,
        %swap3A_453 = vector.shape_cast %swap3A_452 : vector<1x16xf32> to vector<16xf32>
        %swap3A_454 = vector.shape_cast %mul3A_449 : vector<16xf32> to vector<1x16xf32>
        tpu.vector_store %arg10[%swap3A_450, %swap3A_451], %swap3A_454 {strides = array<i32>} : memref<80x128xf32, #tpu.memory_space<vmem>>, vector<1x16xf32>,
        %mul3A_455 = arith.constant 2 : i32
        %mul3A_456 = arith.muli %scan3A_392, %mul3A_455 : i32
        %add3A_457 = arith.constant 0 : i32
        %add3A_458 = arith.addi %mul3A_456, %add3A_457 : i32
        %get3A_459 = arith.index_cast %add3A_458 : i32 to index
        %get3A_460 = arith.constant 64 : index
        %get3A_461 = tpu.vector_load %arg10[%get3A_459, %get3A_460] {strides = array<i32>} : memref<80x128xf32, #tpu.memory_space<vmem>>, vector<1x16xf32>,
        %get3A_462 = vector.shape_cast %get3A_461 : vector<1x16xf32> to vector<16xf32>
        %mul3A_463 = arith.constant 11.3137083 : f32
        %mul3A_464 = vector.broadcast %mul3A_463 : f32 to vector<16xf32>
        %mul3A_465 = arith.mulf %get3A_462, %mul3A_464 : vector<16xf32>
        %swap3A_466 = arith.index_cast %add3A_458 : i32 to index
        %swap3A_467 = arith.constant 64 : index
        %swap3A_468 = tpu.vector_load %arg10[%swap3A_466, %swap3A_467] {strides = array<i32>} : memref<80x128xf32, #tpu.memory_space<vmem>>, vector<1x16xf32>,
        %swap3A_469 = vector.shape_cast %swap3A_468 : vector<1x16xf32> to vector<16xf32>
        %swap3A_470 = vector.shape_cast %mul3A_465 : vector<16xf32> to vector<1x16xf32>
        tpu.vector_store %arg10[%swap3A_466, %swap3A_467], %swap3A_470 {strides = array<i32>} : memref<80x128xf32, #tpu.memory_space<vmem>>, vector<1x16xf32>,
        %mul3A_471 = arith.constant 2 : i32
        %mul3A_472 = arith.muli %scan3A_392, %mul3A_471 : i32
        %add3A_473 = arith.constant 0 : i32
        %add3A_474 = arith.addi %mul3A_472, %add3A_473 : i32
        %get3A_475 = arith.index_cast %add3A_474 : i32 to index
        %get3A_476 = arith.constant 80 : index
        %get3A_477 = tpu.vector_load %arg10[%get3A_475, %get3A_476] {strides = array<i32>} : memref<80x128xf32, #tpu.memory_space<vmem>>, vector<1x16xf32>,
        %get3A_478 = vector.shape_cast %get3A_477 : vector<1x16xf32> to vector<16xf32>
        %mul3A_479 = arith.constant 11.3137083 : f32
        %mul3A_480 = vector.broadcast %mul3A_479 : f32 to vector<16xf32>
        %mul3A_481 = arith.mulf %get3A_478, %mul3A_480 : vector<16xf32>
        %swap3A_482 = arith.index_cast %add3A_474 : i32 to index
        %swap3A_483 = arith.constant 80 : index
        %swap3A_484 = tpu.vector_load %arg10[%swap3A_482, %swap3A_483] {strides = array<i32>} : memref<80x128xf32, #tpu.memory_space<vmem>>, vector<1x16xf32>,
        %swap3A_485 = vector.shape_cast %swap3A_484 : vector<1x16xf32> to vector<16xf32>
        %swap3A_486 = vector.shape_cast %mul3A_481 : vector<16xf32> to vector<1x16xf32>
        tpu.vector_store %arg10[%swap3A_482, %swap3A_483], %swap3A_486 {strides = array<i32>} : memref<80x128xf32, #tpu.memory_space<vmem>>, vector<1x16xf32>,
        %mul3A_487 = arith.constant 2 : i32
        %mul3A_488 = arith.muli %scan3A_392, %mul3A_487 : i32
        %add3A_489 = arith.constant 0 : i32
        %add3A_490 = arith.addi %mul3A_488, %add3A_489 : i32
        %get3A_491 = arith.index_cast %add3A_490 : i32 to index
        %get3A_492 = arith.constant 96 : index
        %get3A_493 = tpu.vector_load %arg10[%get3A_491, %get3A_492] {strides = array<i32>} : memref<80x128xf32, #tpu.memory_space<vmem>>, vector<1x16xf32>,
        %get3A_494 = vector.shape_cast %get3A_493 : vector<1x16xf32> to vector<16xf32>
        %mul3A_495 = arith.constant 11.3137083 : f32
        %mul3A_496 = vector.broadcast %mul3A_495 : f32 to vector<16xf32>
        %mul3A_497 = arith.mulf %get3A_494, %mul3A_496 : vector<16xf32>
        %swap3A_498 = arith.index_cast %add3A_490 : i32 to index
        %swap3A_499 = arith.constant 96 : index
        %swap3A_500 = tpu.vector_load %arg10[%swap3A_498, %swap3A_499] {strides = array<i32>} : memref<80x128xf32, #tpu.memory_space<vmem>>, vector<1x16xf32>,
        %swap3A_501 = vector.shape_cast %swap3A_500 : vector<1x16xf32> to vector<16xf32>
        %swap3A_502 = vector.shape_cast %mul3A_497 : vector<16xf32> to vector<1x16xf32>
        tpu.vector_store %arg10[%swap3A_498, %swap3A_499], %swap3A_502 {strides = array<i32>} : memref<80x128xf32, #tpu.memory_space<vmem>>, vector<1x16xf32>,
        %mul3A_503 = arith.constant 2 : i32
        %mul3A_504 = arith.muli %scan3A_392, %mul3A_503 : i32
        %add3A_505 = arith.constant 0 : i32
        %add3A_506 = arith.addi %mul3A_504, %add3A_505 : i32
        %get3A_507 = arith.index_cast %add3A_506 : i32 to index
        %get3A_508 = arith.constant 112 : index
        %get3A_509 = tpu.vector_load %arg10[%get3A_507, %get3A_508] {strides = array<i32>} : memref<80x128xf32, #tpu.memory_space<vmem>>, vector<1x16xf32>,
        %get3A_510 = vector.shape_cast %get3A_509 : vector<1x16xf32> to vector<16xf32>
        %mul3A_511 = arith.constant 11.3137083 : f32
        %mul3A_512 = vector.broadcast %mul3A_511 : f32 to vector<16xf32>
        %mul3A_513 = arith.mulf %get3A_510, %mul3A_512 : vector<16xf32>
        %swap3A_514 = arith.index_cast %add3A_506 : i32 to index
        %swap3A_515 = arith.constant 112 : index
        %swap3A_516 = tpu.vector_load %arg10[%swap3A_514, %swap3A_515] {strides = array<i32>} : memref<80x128xf32, #tpu.memory_space<vmem>>, vector<1x16xf32>,
        %swap3A_517 = vector.shape_cast %swap3A_516 : vector<1x16xf32> to vector<16xf32>
        %swap3A_518 = vector.shape_cast %mul3A_513 : vector<16xf32> to vector<1x16xf32>
        tpu.vector_store %arg10[%swap3A_514, %swap3A_515], %swap3A_518 {strides = array<i32>} : memref<80x128xf32, #tpu.memory_space<vmem>>, vector<1x16xf32>,
        %mul3A_519 = arith.constant 2 : i32
        %mul3A_520 = arith.muli %scan3A_392, %mul3A_519 : i32
        %add3A_521 = arith.constant 1 : i32
        %add3A_522 = arith.addi %mul3A_520, %add3A_521 : i32
        %get3A_523 = arith.index_cast %add3A_522 : i32 to index
        %get3A_524 = arith.constant 0 : index
        %get3A_525 = tpu.vector_load %arg10[%get3A_523, %get3A_524] {strides = array<i32>} : memref<80x128xf32, #tpu.memory_space<vmem>>, vector<1x16xf32>,
        %get3A_526 = vector.shape_cast %get3A_525 : vector<1x16xf32> to vector<16xf32>
        %mul3A_527 = arith.constant 11.3137083 : f32
        %mul3A_528 = vector.broadcast %mul3A_527 : f32 to vector<16xf32>
        %mul3A_529 = arith.mulf %get3A_526, %mul3A_528 : vector<16xf32>
        %swap3A_530 = arith.index_cast %add3A_522 : i32 to index
        %swap3A_531 = arith.constant 0 : index
        %swap3A_532 = tpu.vector_load %arg10[%swap3A_530, %swap3A_531] {strides = array<i32>} : memref<80x128xf32, #tpu.memory_space<vmem>>, vector<1x16xf32>,
        %swap3A_533 = vector.shape_cast %swap3A_532 : vector<1x16xf32> to vector<16xf32>
        %swap3A_534 = vector.shape_cast %mul3A_529 : vector<16xf32> to vector<1x16xf32>
        tpu.vector_store %arg10[%swap3A_530, %swap3A_531], %swap3A_534 {strides = array<i32>} : memref<80x128xf32, #tpu.memory_space<vmem>>, vector<1x16xf32>,
        %mul3A_535 = arith.constant 2 : i32
        %mul3A_536 = arith.muli %scan3A_392, %mul3A_535 : i32
        %add3A_537 = arith.constant 1 : i32
        %add3A_538 = arith.addi %mul3A_536, %add3A_537 : i32
        %get3A_539 = arith.index_cast %add3A_538 : i32 to index
        %get3A_540 = arith.constant 16 : index
        %get3A_541 = tpu.vector_load %arg10[%get3A_539, %get3A_540] {strides = array<i32>} : memref<80x128xf32, #tpu.memory_space<vmem>>, vector<1x16xf32>,
        %get3A_542 = vector.shape_cast %get3A_541 : vector<1x16xf32> to vector<16xf32>
        %mul3A_543 = arith.constant 11.3137083 : f32
        %mul3A_544 = vector.broadcast %mul3A_543 : f32 to vector<16xf32>
        %mul3A_545 = arith.mulf %get3A_542, %mul3A_544 : vector<16xf32>
        %swap3A_546 = arith.index_cast %add3A_538 : i32 to index
        %swap3A_547 = arith.constant 16 : index
        %swap3A_548 = tpu.vector_load %arg10[%swap3A_546, %swap3A_547] {strides = array<i32>} : memref<80x128xf32, #tpu.memory_space<vmem>>, vector<1x16xf32>,
        %swap3A_549 = vector.shape_cast %swap3A_548 : vector<1x16xf32> to vector<16xf32>
        %swap3A_550 = vector.shape_cast %mul3A_545 : vector<16xf32> to vector<1x16xf32>
        tpu.vector_store %arg10[%swap3A_546, %swap3A_547], %swap3A_550 {strides = array<i32>} : memref<80x128xf32, #tpu.memory_space<vmem>>, vector<1x16xf32>,
        %mul3A_551 = arith.constant 2 : i32
        %mul3A_552 = arith.muli %scan3A_392, %mul3A_551 : i32
        %add3A_553 = arith.constant 1 : i32
        %add3A_554 = arith.addi %mul3A_552, %add3A_553 : i32
        %get3A_555 = arith.index_cast %add3A_554 : i32 to index
        %get3A_556 = arith.constant 32 : index
        %get3A_557 = tpu.vector_load %arg10[%get3A_555, %get3A_556] {strides = array<i32>} : memref<80x128xf32, #tpu.memory_space<vmem>>, vector<1x16xf32>,
        %get3A_558 = vector.shape_cast %get3A_557 : vector<1x16xf32> to vector<16xf32>
        %mul3A_559 = arith.constant 11.3137083 : f32
        %mul3A_560 = vector.broadcast %mul3A_559 : f32 to vector<16xf32>
        %mul3A_561 = arith.mulf %get3A_558, %mul3A_560 : vector<16xf32>
        %swap3A_562 = arith.index_cast %add3A_554 : i32 to index
        %swap3A_563 = arith.constant 32 : index
        %swap3A_564 = tpu.vector_load %arg10[%swap3A_562, %swap3A_563] {strides = array<i32>} : memref<80x128xf32, #tpu.memory_space<vmem>>, vector<1x16xf32>,
        %swap3A_565 = vector.shape_cast %swap3A_564 : vector<1x16xf32> to vector<16xf32>
        %swap3A_566 = vector.shape_cast %mul3A_561 : vector<16xf32> to vector<1x16xf32>
        tpu.vector_store %arg10[%swap3A_562, %swap3A_563], %swap3A_566 {strides = array<i32>} : memref<80x128xf32, #tpu.memory_space<vmem>>, vector<1x16xf32>,
        %mul3A_567 = arith.constant 2 : i32
        %mul3A_568 = arith.muli %scan3A_392, %mul3A_567 : i32
        %add3A_569 = arith.constant 1 : i32
        %add3A_570 = arith.addi %mul3A_568, %add3A_569 : i32
        %get3A_571 = arith.index_cast %add3A_570 : i32 to index
        %get3A_572 = arith.constant 48 : index
        %get3A_573 = tpu.vector_load %arg10[%get3A_571, %get3A_572] {strides = array<i32>} : memref<80x128xf32, #tpu.memory_space<vmem>>, vector<1x16xf32>,
        %get3A_574 = vector.shape_cast %get3A_573 : vector<1x16xf32> to vector<16xf32>
        %mul3A_575 = arith.constant 11.3137083 : f32
        %mul3A_576 = vector.broadcast %mul3A_575 : f32 to vector<16xf32>
        %mul3A_577 = arith.mulf %get3A_574, %mul3A_576 : vector<16xf32>
        %swap3A_578 = arith.index_cast %add3A_570 : i32 to index
        %swap3A_579 = arith.constant 48 : index
        %swap3A_580 = tpu.vector_load %arg10[%swap3A_578, %swap3A_579] {strides = array<i32>} : memref<80x128xf32, #tpu.memory_space<vmem>>, vector<1x16xf32>,
        %swap3A_581 = vector.shape_cast %swap3A_580 : vector<1x16xf32> to vector<16xf32>
        %swap3A_582 = vector.shape_cast %mul3A_577 : vector<16xf32> to vector<1x16xf32>
        tpu.vector_store %arg10[%swap3A_578, %swap3A_579], %swap3A_582 {strides = array<i32>} : memref<80x128xf32, #tpu.memory_space<vmem>>, vector<1x16xf32>,
        %mul3A_583 = arith.constant 2 : i32
        %mul3A_584 = arith.muli %scan3A_392, %mul3A_583 : i32
        %add3A_585 = arith.constant 1 : i32
        %add3A_586 = arith.addi %mul3A_584, %add3A_585 : i32
        %get3A_587 = arith.index_cast %add3A_586 : i32 to index
        %get3A_588 = arith.constant 64 : index
        %get3A_589 = tpu.vector_load %arg10[%get3A_587, %get3A_588] {strides = array<i32>} : memref<80x128xf32, #tpu.memory_space<vmem>>, vector<1x16xf32>,
        %get3A_590 = vector.shape_cast %get3A_589 : vector<1x16xf32> to vector<16xf32>
        %mul3A_591 = arith.constant 11.3137083 : f32
        %mul3A_592 = vector.broadcast %mul3A_591 : f32 to vector<16xf32>
        %mul3A_593 = arith.mulf %get3A_590, %mul3A_592 : vector<16xf32>
        %swap3A_594 = arith.index_cast %add3A_586 : i32 to index
        %swap3A_595 = arith.constant 64 : index
        %swap3A_596 = tpu.vector_load %arg10[%swap3A_594, %swap3A_595] {strides = array<i32>} : memref<80x128xf32, #tpu.memory_space<vmem>>, vector<1x16xf32>,
        %swap3A_597 = vector.shape_cast %swap3A_596 : vector<1x16xf32> to vector<16xf32>
        %swap3A_598 = vector.shape_cast %mul3A_593 : vector<16xf32> to vector<1x16xf32>
        tpu.vector_store %arg10[%swap3A_594, %swap3A_595], %swap3A_598 {strides = array<i32>} : memref<80x128xf32, #tpu.memory_space<vmem>>, vector<1x16xf32>,
        %mul3A_599 = arith.constant 2 : i32
        %mul3A_600 = arith.muli %scan3A_392, %mul3A_599 : i32
        %add3A_601 = arith.constant 1 : i32
        %add3A_602 = arith.addi %mul3A_600, %add3A_601 : i32
        %get3A_603 = arith.index_cast %add3A_602 : i32 to index
        %get3A_604 = arith.constant 80 : index
        %get3A_605 = tpu.vector_load %arg10[%get3A_603, %get3A_604] {strides = array<i32>} : memref<80x128xf32, #tpu.memory_space<vmem>>, vector<1x16xf32>,
        %get3A_606 = vector.shape_cast %get3A_605 : vector<1x16xf32> to vector<16xf32>
        %mul3A_607 = arith.constant 11.3137083 : f32
        %mul3A_608 = vector.broadcast %mul3A_607 : f32 to vector<16xf32>
        %mul3A_609 = arith.mulf %get3A_606, %mul3A_608 : vector<16xf32>
        %swap3A_610 = arith.index_cast %add3A_602 : i32 to index
        %swap3A_611 = arith.constant 80 : index
        %swap3A_612 = tpu.vector_load %arg10[%swap3A_610, %swap3A_611] {strides = array<i32>} : memref<80x128xf32, #tpu.memory_space<vmem>>, vector<1x16xf32>,
        %swap3A_613 = vector.shape_cast %swap3A_612 : vector<1x16xf32> to vector<16xf32>
        %swap3A_614 = vector.shape_cast %mul3A_609 : vector<16xf32> to vector<1x16xf32>
        tpu.vector_store %arg10[%swap3A_610, %swap3A_611], %swap3A_614 {strides = array<i32>} : memref<80x128xf32, #tpu.memory_space<vmem>>, vector<1x16xf32>,
        %mul3A_615 = arith.constant 2 : i32
        %mul3A_616 = arith.muli %scan3A_392, %mul3A_615 : i32
        %add3A_617 = arith.constant 1 : i32
        %add3A_618 = arith.addi %mul3A_616, %add3A_617 : i32
        %get3A_619 = arith.index_cast %add3A_618 : i32 to index
        %get3A_620 = arith.constant 96 : index
        %get3A_621 = tpu.vector_load %arg10[%get3A_619, %get3A_620] {strides = array<i32>} : memref<80x128xf32, #tpu.memory_space<vmem>>, vector<1x16xf32>,
        %get3A_622 = vector.shape_cast %get3A_621 : vector<1x16xf32> to vector<16xf32>
        %mul3A_623 = arith.constant 11.3137083 : f32
        %mul3A_624 = vector.broadcast %mul3A_623 : f32 to vector<16xf32>
        %mul3A_625 = arith.mulf %get3A_622, %mul3A_624 : vector<16xf32>
        %swap3A_626 = arith.index_cast %add3A_618 : i32 to index
        %swap3A_627 = arith.constant 96 : index
        %swap3A_628 = tpu.vector_load %arg10[%swap3A_626, %swap3A_627] {strides = array<i32>} : memref<80x128xf32, #tpu.memory_space<vmem>>, vector<1x16xf32>,
        %swap3A_629 = vector.shape_cast %swap3A_628 : vector<1x16xf32> to vector<16xf32>
        %swap3A_630 = vector.shape_cast %mul3A_625 : vector<16xf32> to vector<1x16xf32>
        tpu.vector_store %arg10[%swap3A_626, %swap3A_627], %swap3A_630 {strides = array<i32>} : memref<80x128xf32, #tpu.memory_space<vmem>>, vector<1x16xf32>,
        %mul3A_631 = arith.constant 2 : i32
        %mul3A_632 = arith.muli %scan3A_392, %mul3A_631 : i32
        %add3A_633 = arith.constant 1 : i32
        %add3A_634 = arith.addi %mul3A_632, %add3A_633 : i32
        %get3A_635 = arith.index_cast %add3A_634 : i32 to index
        %get3A_636 = arith.constant 112 : index
        %get3A_637 = tpu.vector_load %arg10[%get3A_635, %get3A_636] {strides = array<i32>} : memref<80x128xf32, #tpu.memory_space<vmem>>, vector<1x16xf32>,
        %get3A_638 = vector.shape_cast %get3A_637 : vector<1x16xf32> to vector<16xf32>
        %mul3A_639 = arith.constant 11.3137083 : f32
        %mul3A_640 = vector.broadcast %mul3A_639 : f32 to vector<16xf32>
        %mul3A_641 = arith.mulf %get3A_638, %mul3A_640 : vector<16xf32>
        %swap3A_642 = arith.index_cast %add3A_634 : i32 to index
        %swap3A_643 = arith.constant 112 : index
        %swap3A_644 = tpu.vector_load %arg10[%swap3A_642, %swap3A_643] {strides = array<i32>} : memref<80x128xf32, #tpu.memory_space<vmem>>, vector<1x16xf32>,
        %swap3A_645 = vector.shape_cast %swap3A_644 : vector<1x16xf32> to vector<16xf32>
        %swap3A_646 = vector.shape_cast %mul3A_641 : vector<16xf32> to vector<1x16xf32>
        tpu.vector_store %arg10[%swap3A_642, %swap3A_643], %swap3A_646 {strides = array<i32>} : memref<80x128xf32, #tpu.memory_space<vmem>>, vector<1x16xf32>,
      }
      %scan3A_267 = arith.constant 40 : i32
      %mul3A_268 = arith.constant 80 : i32
      %mul3A_269 = arith.muli %add3A_239, %mul3A_268 : i32
      %add3A_270 = arith.addi %mul3A_2, %mul3A_269 : i32
      %dma_start3A_271 = arith.constant 0 : i32
      %dma_start3A_272 = tpu.memref_slice %arg4[%add3A_270, %dma_start3A_271] : memref<819200x128xf32, #tpu.memory_space<hbm>> -> memref<80x128xf32, #tpu.memory_space<hbm>>
      %dma_start3A_273 = arith.constant 0 : i32
      %dma_start3A_274 = tpu.memref_slice %arg4[%add3A_270, %dma_start3A_273] : memref<819200x128xf32, #tpu.memory_space<hbm>> -> memref<80x128xf32, #tpu.memory_space<hbm>>
      tpu.enqueue_dma source(%arg10 : memref<80x128xf32, #tpu.memory_space<vmem>>) target(%dma_start3A_274 : memref<80x128xf32, #tpu.memory_space<hbm>>) target_semaphore(%arg26 : memref<!tpu.dma_semaphore, #tpu.memory_space<semaphore_mem>>)
      %mul3A_275 = arith.constant 8 : i32
      %mul3A_276 = arith.muli %scan3A_84, %mul3A_275 : i32
      %add3A_277 = arith.constant 5 : i32
      %add3A_278 = arith.addi %mul3A_276, %add3A_277 : i32
      %add3A_279 = arith.constant 6 : i32
      %add3A_280 = arith.addi %add3A_278, %add3A_279 : i32
      %lt3A_281 = arith.constant 320 : i32
      %lt3A_282 = arith.cmpi slt, %add3A_280, %lt3A_281 : i32
      %ge3A_283 = arith.constant 2 : i32
      %ge3A_284 = arith.cmpi sge, %add3A_278, %ge3A_283 : i32
      %and3A_285 = arith.andi %lt3A_282, %ge3A_284 : i1
      %convert_element_type3A_286 = arith.extui %and3A_285 : i1 to i32
      %cond3A_287 = arith.constant 0 : i32
      %cond3A_288 = arith.cmpi ne, %convert_element_type3A_286, %cond3A_287 : i32
      scf.if %cond3A_288 {
        %add3A_392 = arith.constant 6 : i32
        %add3A_393 = arith.addi %add3A_278, %add3A_392 : i32
        %sub3A = arith.constant 8 : i32
        %sub3A_394 = arith.subi %add3A_393, %sub3A : i32
        %mul3A_395 = arith.constant 80 : i32
        %mul3A_396 = arith.muli %sub3A_394, %mul3A_395 : i32
        %add3A_397 = arith.addi %mul3A_2, %mul3A_396 : i32
        %dma_wait3A_398 = arith.constant 0 : i32
        %dma_wait3A_399 = tpu.memref_slice %arg4[%add3A_397, %dma_wait3A_398] : memref<819200x128xf32, #tpu.memory_space<hbm>> -> memref<80x128xf32, #tpu.memory_space<hbm>>
        %dma_wait3A_400 = arith.constant 0 : i32
        %dma_wait3A_401 = tpu.memref_slice %arg4[%add3A_397, %dma_wait3A_400] : memref<819200x128xf32, #tpu.memory_space<hbm>> -> memref<80x128xf32, #tpu.memory_space<hbm>>
        tpu.wait_dma2 semaphore(%arg25 : memref<!tpu.dma_semaphore, #tpu.memory_space<semaphore_mem>>) src(%arg9 : memref<80x128xf32, #tpu.memory_space<vmem>>) dst(%dma_wait3A_401 : memref<80x128xf32, #tpu.memory_space<hbm>>)
      } else {
      }
      %add3A_289 = arith.constant 6 : i32
      %add3A_290 = arith.addi %add3A_278, %add3A_289 : i32
      %lt3A_291 = arith.constant 320 : i32
      %lt3A_292 = arith.cmpi slt, %add3A_290, %lt3A_291 : i32
      %convert_element_type3A_293 = arith.extui %lt3A_292 : i1 to i32
      %cond3A_294 = arith.constant 0 : i32
      %cond3A_295 = arith.cmpi ne, %convert_element_type3A_293, %cond3A_294 : i32
      scf.if %cond3A_295 {
        %add3A_392 = arith.constant 6 : i32
        %add3A_393 = arith.addi %add3A_278, %add3A_392 : i32
        %mul3A_394 = arith.constant 80 : i32
        %mul3A_395 = arith.muli %add3A_393, %mul3A_394 : i32
        %dma_start3A_396 = tpu.memref_slice %arg5[%mul3A_395] : memref<25600xi32, #tpu.memory_space<vmem>> -> memref<80xi32, #tpu.memory_space<vmem>>
        %dma_start3A_397 = arith.constant 0 : i32
        %dma_start3A_398 = arith.constant 0 : i32
        %dma_start3A_399 = tpu.memref_slice %arg3[%dma_start3A_397, %dma_start3A_398] : memref<100000x128xf32, #tpu.memory_space<hbm>> -> memref<100000x128xf32, #tpu.memory_space<hbm>>
        tpu.enqueue_indirect_dma source(%dma_start3A_399 : memref<100000x128xf32, #tpu.memory_space<hbm>>) target(%arg9 : memref<80x128xf32, #tpu.memory_space<vmem>>) offsets(%dma_start3A_396 : memref<80xi32, #tpu.memory_space<vmem>>) semaphore(%arg17 : memref<!tpu.dma_semaphore, #tpu.memory_space<semaphore_mem>>)
      } else {
      }
      %dma_wait3A_296 = arith.constant 0 : i32
      %dma_wait3A_297 = tpu.memref_slice %arg5[%dma_wait3A_296] : memref<25600xi32, #tpu.memory_space<vmem>> -> memref<80xi32, #tpu.memory_space<vmem>>
      %dma_wait3A_298 = arith.constant 0 : i32
      %dma_wait3A_299 = arith.constant 0 : i32
      %dma_wait3A_300 = tpu.memref_slice %arg3[%dma_wait3A_298, %dma_wait3A_299] : memref<100000x128xf32, #tpu.memory_space<hbm>> -> memref<100000x128xf32, #tpu.memory_space<hbm>>
      tpu.wait_indirect_dma semaphore(%arg19 : memref<!tpu.dma_semaphore, #tpu.memory_space<semaphore_mem>>) src(%dma_wait3A_300 : memref<100000x128xf32, #tpu.memory_space<hbm>>) dst(%arg11 : memref<80x128xf32, #tpu.memory_space<vmem>>)
      %scan3A_301 = arith.constant 0 : i32
      %scan3A_302 = arith.constant 0 : i32
      %scan3A_303 = arith.constant 40 : i32
      %scan3A_304 = arith.addi %scan3A_302, %scan3A_303 : i32
      %scan3A_305 = arith.constant 1 : i32
      scf.for %scan3A_392 = %scan3A_302 to %scan3A_304 step %scan3A_305  : i32 {
        %mul3A_393 = arith.constant 2 : i32
        %mul3A_394 = arith.muli %scan3A_392, %mul3A_393 : i32
        %add3A_395 = arith.constant 0 : i32
        %add3A_396 = arith.addi %mul3A_394, %add3A_395 : i32
        %get3A = arith.index_cast %add3A_396 : i32 to index
        %get3A_397 = arith.constant 0 : index
        %get3A_398 = tpu.vector_load %arg11[%get3A, %get3A_397] {strides = array<i32>} : memref<80x128xf32, #tpu.memory_space<vmem>>, vector<1x16xf32>,
        %get3A_399 = vector.shape_cast %get3A_398 : vector<1x16xf32> to vector<16xf32>
        %mul3A_400 = arith.constant 11.3137083 : f32
        %mul3A_401 = vector.broadcast %mul3A_400 : f32 to vector<16xf32>
        %mul3A_402 = arith.mulf %get3A_399, %mul3A_401 : vector<16xf32>
        %swap3A = arith.index_cast %add3A_396 : i32 to index
        %swap3A_403 = arith.constant 0 : index
        %swap3A_404 = tpu.vector_load %arg11[%swap3A, %swap3A_403] {strides = array<i32>} : memref<80x128xf32, #tpu.memory_space<vmem>>, vector<1x16xf32>,
        %swap3A_405 = vector.shape_cast %swap3A_404 : vector<1x16xf32> to vector<16xf32>
        %swap3A_406 = vector.shape_cast %mul3A_402 : vector<16xf32> to vector<1x16xf32>
        tpu.vector_store %arg11[%swap3A, %swap3A_403], %swap3A_406 {strides = array<i32>} : memref<80x128xf32, #tpu.memory_space<vmem>>, vector<1x16xf32>,
        %mul3A_407 = arith.constant 2 : i32
        %mul3A_408 = arith.muli %scan3A_392, %mul3A_407 : i32
        %add3A_409 = arith.constant 0 : i32
        %add3A_410 = arith.addi %mul3A_408, %add3A_409 : i32
        %get3A_411 = arith.index_cast %add3A_410 : i32 to index
        %get3A_412 = arith.constant 16 : index
        %get3A_413 = tpu.vector_load %arg11[%get3A_411, %get3A_412] {strides = array<i32>} : memref<80x128xf32, #tpu.memory_space<vmem>>, vector<1x16xf32>,
        %get3A_414 = vector.shape_cast %get3A_413 : vector<1x16xf32> to vector<16xf32>
        %mul3A_415 = arith.constant 11.3137083 : f32
        %mul3A_416 = vector.broadcast %mul3A_415 : f32 to vector<16xf32>
        %mul3A_417 = arith.mulf %get3A_414, %mul3A_416 : vector<16xf32>
        %swap3A_418 = arith.index_cast %add3A_410 : i32 to index
        %swap3A_419 = arith.constant 16 : index
        %swap3A_420 = tpu.vector_load %arg11[%swap3A_418, %swap3A_419] {strides = array<i32>} : memref<80x128xf32, #tpu.memory_space<vmem>>, vector<1x16xf32>,
        %swap3A_421 = vector.shape_cast %swap3A_420 : vector<1x16xf32> to vector<16xf32>
        %swap3A_422 = vector.shape_cast %mul3A_417 : vector<16xf32> to vector<1x16xf32>
        tpu.vector_store %arg11[%swap3A_418, %swap3A_419], %swap3A_422 {strides = array<i32>} : memref<80x128xf32, #tpu.memory_space<vmem>>, vector<1x16xf32>,
        %mul3A_423 = arith.constant 2 : i32
        %mul3A_424 = arith.muli %scan3A_392, %mul3A_423 : i32
        %add3A_425 = arith.constant 0 : i32
        %add3A_426 = arith.addi %mul3A_424, %add3A_425 : i32
        %get3A_427 = arith.index_cast %add3A_426 : i32 to index
        %get3A_428 = arith.constant 32 : index
        %get3A_429 = tpu.vector_load %arg11[%get3A_427, %get3A_428] {strides = array<i32>} : memref<80x128xf32, #tpu.memory_space<vmem>>, vector<1x16xf32>,
        %get3A_430 = vector.shape_cast %get3A_429 : vector<1x16xf32> to vector<16xf32>
        %mul3A_431 = arith.constant 11.3137083 : f32
        %mul3A_432 = vector.broadcast %mul3A_431 : f32 to vector<16xf32>
        %mul3A_433 = arith.mulf %get3A_430, %mul3A_432 : vector<16xf32>
        %swap3A_434 = arith.index_cast %add3A_426 : i32 to index
        %swap3A_435 = arith.constant 32 : index
        %swap3A_436 = tpu.vector_load %arg11[%swap3A_434, %swap3A_435] {strides = array<i32>} : memref<80x128xf32, #tpu.memory_space<vmem>>, vector<1x16xf32>,
        %swap3A_437 = vector.shape_cast %swap3A_436 : vector<1x16xf32> to vector<16xf32>
        %swap3A_438 = vector.shape_cast %mul3A_433 : vector<16xf32> to vector<1x16xf32>
        tpu.vector_store %arg11[%swap3A_434, %swap3A_435], %swap3A_438 {strides = array<i32>} : memref<80x128xf32, #tpu.memory_space<vmem>>, vector<1x16xf32>,
        %mul3A_439 = arith.constant 2 : i32
        %mul3A_440 = arith.muli %scan3A_392, %mul3A_439 : i32
        %add3A_441 = arith.constant 0 : i32
        %add3A_442 = arith.addi %mul3A_440, %add3A_441 : i32
        %get3A_443 = arith.index_cast %add3A_442 : i32 to index
        %get3A_444 = arith.constant 48 : index
        %get3A_445 = tpu.vector_load %arg11[%get3A_443, %get3A_444] {strides = array<i32>} : memref<80x128xf32, #tpu.memory_space<vmem>>, vector<1x16xf32>,
        %get3A_446 = vector.shape_cast %get3A_445 : vector<1x16xf32> to vector<16xf32>
        %mul3A_447 = arith.constant 11.3137083 : f32
        %mul3A_448 = vector.broadcast %mul3A_447 : f32 to vector<16xf32>
        %mul3A_449 = arith.mulf %get3A_446, %mul3A_448 : vector<16xf32>
        %swap3A_450 = arith.index_cast %add3A_442 : i32 to index
        %swap3A_451 = arith.constant 48 : index
        %swap3A_452 = tpu.vector_load %arg11[%swap3A_450, %swap3A_451] {strides = array<i32>} : memref<80x128xf32, #tpu.memory_space<vmem>>, vector<1x16xf32>,
        %swap3A_453 = vector.shape_cast %swap3A_452 : vector<1x16xf32> to vector<16xf32>
        %swap3A_454 = vector.shape_cast %mul3A_449 : vector<16xf32> to vector<1x16xf32>
        tpu.vector_store %arg11[%swap3A_450, %swap3A_451], %swap3A_454 {strides = array<i32>} : memref<80x128xf32, #tpu.memory_space<vmem>>, vector<1x16xf32>,
        %mul3A_455 = arith.constant 2 : i32
        %mul3A_456 = arith.muli %scan3A_392, %mul3A_455 : i32
        %add3A_457 = arith.constant 0 : i32
        %add3A_458 = arith.addi %mul3A_456, %add3A_457 : i32
        %get3A_459 = arith.index_cast %add3A_458 : i32 to index
        %get3A_460 = arith.constant 64 : index
        %get3A_461 = tpu.vector_load %arg11[%get3A_459, %get3A_460] {strides = array<i32>} : memref<80x128xf32, #tpu.memory_space<vmem>>, vector<1x16xf32>,
        %get3A_462 = vector.shape_cast %get3A_461 : vector<1x16xf32> to vector<16xf32>
        %mul3A_463 = arith.constant 11.3137083 : f32
        %mul3A_464 = vector.broadcast %mul3A_463 : f32 to vector<16xf32>
        %mul3A_465 = arith.mulf %get3A_462, %mul3A_464 : vector<16xf32>
        %swap3A_466 = arith.index_cast %add3A_458 : i32 to index
        %swap3A_467 = arith.constant 64 : index
        %swap3A_468 = tpu.vector_load %arg11[%swap3A_466, %swap3A_467] {strides = array<i32>} : memref<80x128xf32, #tpu.memory_space<vmem>>, vector<1x16xf32>,
        %swap3A_469 = vector.shape_cast %swap3A_468 : vector<1x16xf32> to vector<16xf32>
        %swap3A_470 = vector.shape_cast %mul3A_465 : vector<16xf32> to vector<1x16xf32>
        tpu.vector_store %arg11[%swap3A_466, %swap3A_467], %swap3A_470 {strides = array<i32>} : memref<80x128xf32, #tpu.memory_space<vmem>>, vector<1x16xf32>,
        %mul3A_471 = arith.constant 2 : i32
        %mul3A_472 = arith.muli %scan3A_392, %mul3A_471 : i32
        %add3A_473 = arith.constant 0 : i32
        %add3A_474 = arith.addi %mul3A_472, %add3A_473 : i32
        %get3A_475 = arith.index_cast %add3A_474 : i32 to index
        %get3A_476 = arith.constant 80 : index
        %get3A_477 = tpu.vector_load %arg11[%get3A_475, %get3A_476] {strides = array<i32>} : memref<80x128xf32, #tpu.memory_space<vmem>>, vector<1x16xf32>,
        %get3A_478 = vector.shape_cast %get3A_477 : vector<1x16xf32> to vector<16xf32>
        %mul3A_479 = arith.constant 11.3137083 : f32
        %mul3A_480 = vector.broadcast %mul3A_479 : f32 to vector<16xf32>
        %mul3A_481 = arith.mulf %get3A_478, %mul3A_480 : vector<16xf32>
        %swap3A_482 = arith.index_cast %add3A_474 : i32 to index
        %swap3A_483 = arith.constant 80 : index
        %swap3A_484 = tpu.vector_load %arg11[%swap3A_482, %swap3A_483] {strides = array<i32>} : memref<80x128xf32, #tpu.memory_space<vmem>>, vector<1x16xf32>,
        %swap3A_485 = vector.shape_cast %swap3A_484 : vector<1x16xf32> to vector<16xf32>
        %swap3A_486 = vector.shape_cast %mul3A_481 : vector<16xf32> to vector<1x16xf32>
        tpu.vector_store %arg11[%swap3A_482, %swap3A_483], %swap3A_486 {strides = array<i32>} : memref<80x128xf32, #tpu.memory_space<vmem>>, vector<1x16xf32>,
        %mul3A_487 = arith.constant 2 : i32
        %mul3A_488 = arith.muli %scan3A_392, %mul3A_487 : i32
        %add3A_489 = arith.constant 0 : i32
        %add3A_490 = arith.addi %mul3A_488, %add3A_489 : i32
        %get3A_491 = arith.index_cast %add3A_490 : i32 to index
        %get3A_492 = arith.constant 96 : index
        %get3A_493 = tpu.vector_load %arg11[%get3A_491, %get3A_492] {strides = array<i32>} : memref<80x128xf32, #tpu.memory_space<vmem>>, vector<1x16xf32>,
        %get3A_494 = vector.shape_cast %get3A_493 : vector<1x16xf32> to vector<16xf32>
        %mul3A_495 = arith.constant 11.3137083 : f32
        %mul3A_496 = vector.broadcast %mul3A_495 : f32 to vector<16xf32>
        %mul3A_497 = arith.mulf %get3A_494, %mul3A_496 : vector<16xf32>
        %swap3A_498 = arith.index_cast %add3A_490 : i32 to index
        %swap3A_499 = arith.constant 96 : index
        %swap3A_500 = tpu.vector_load %arg11[%swap3A_498, %swap3A_499] {strides = array<i32>} : memref<80x128xf32, #tpu.memory_space<vmem>>, vector<1x16xf32>,
        %swap3A_501 = vector.shape_cast %swap3A_500 : vector<1x16xf32> to vector<16xf32>
        %swap3A_502 = vector.shape_cast %mul3A_497 : vector<16xf32> to vector<1x16xf32>
        tpu.vector_store %arg11[%swap3A_498, %swap3A_499], %swap3A_502 {strides = array<i32>} : memref<80x128xf32, #tpu.memory_space<vmem>>, vector<1x16xf32>,
        %mul3A_503 = arith.constant 2 : i32
        %mul3A_504 = arith.muli %scan3A_392, %mul3A_503 : i32
        %add3A_505 = arith.constant 0 : i32
        %add3A_506 = arith.addi %mul3A_504, %add3A_505 : i32
        %get3A_507 = arith.index_cast %add3A_506 : i32 to index
        %get3A_508 = arith.constant 112 : index
        %get3A_509 = tpu.vector_load %arg11[%get3A_507, %get3A_508] {strides = array<i32>} : memref<80x128xf32, #tpu.memory_space<vmem>>, vector<1x16xf32>,
        %get3A_510 = vector.shape_cast %get3A_509 : vector<1x16xf32> to vector<16xf32>
        %mul3A_511 = arith.constant 11.3137083 : f32
        %mul3A_512 = vector.broadcast %mul3A_511 : f32 to vector<16xf32>
        %mul3A_513 = arith.mulf %get3A_510, %mul3A_512 : vector<16xf32>
        %swap3A_514 = arith.index_cast %add3A_506 : i32 to index
        %swap3A_515 = arith.constant 112 : index
        %swap3A_516 = tpu.vector_load %arg11[%swap3A_514, %swap3A_515] {strides = array<i32>} : memref<80x128xf32, #tpu.memory_space<vmem>>, vector<1x16xf32>,
        %swap3A_517 = vector.shape_cast %swap3A_516 : vector<1x16xf32> to vector<16xf32>
        %swap3A_518 = vector.shape_cast %mul3A_513 : vector<16xf32> to vector<1x16xf32>
        tpu.vector_store %arg11[%swap3A_514, %swap3A_515], %swap3A_518 {strides = array<i32>} : memref<80x128xf32, #tpu.memory_space<vmem>>, vector<1x16xf32>,
        %mul3A_519 = arith.constant 2 : i32
        %mul3A_520 = arith.muli %scan3A_392, %mul3A_519 : i32
        %add3A_521 = arith.constant 1 : i32
        %add3A_522 = arith.addi %mul3A_520, %add3A_521 : i32
        %get3A_523 = arith.index_cast %add3A_522 : i32 to index
        %get3A_524 = arith.constant 0 : index
        %get3A_525 = tpu.vector_load %arg11[%get3A_523, %get3A_524] {strides = array<i32>} : memref<80x128xf32, #tpu.memory_space<vmem>>, vector<1x16xf32>,
        %get3A_526 = vector.shape_cast %get3A_525 : vector<1x16xf32> to vector<16xf32>
        %mul3A_527 = arith.constant 11.3137083 : f32
        %mul3A_528 = vector.broadcast %mul3A_527 : f32 to vector<16xf32>
        %mul3A_529 = arith.mulf %get3A_526, %mul3A_528 : vector<16xf32>
        %swap3A_530 = arith.index_cast %add3A_522 : i32 to index
        %swap3A_531 = arith.constant 0 : index
        %swap3A_532 = tpu.vector_load %arg11[%swap3A_530, %swap3A_531] {strides = array<i32>} : memref<80x128xf32, #tpu.memory_space<vmem>>, vector<1x16xf32>,
        %swap3A_533 = vector.shape_cast %swap3A_532 : vector<1x16xf32> to vector<16xf32>
        %swap3A_534 = vector.shape_cast %mul3A_529 : vector<16xf32> to vector<1x16xf32>
        tpu.vector_store %arg11[%swap3A_530, %swap3A_531], %swap3A_534 {strides = array<i32>} : memref<80x128xf32, #tpu.memory_space<vmem>>, vector<1x16xf32>,
        %mul3A_535 = arith.constant 2 : i32
        %mul3A_536 = arith.muli %scan3A_392, %mul3A_535 : i32
        %add3A_537 = arith.constant 1 : i32
        %add3A_538 = arith.addi %mul3A_536, %add3A_537 : i32
        %get3A_539 = arith.index_cast %add3A_538 : i32 to index
        %get3A_540 = arith.constant 16 : index
        %get3A_541 = tpu.vector_load %arg11[%get3A_539, %get3A_540] {strides = array<i32>} : memref<80x128xf32, #tpu.memory_space<vmem>>, vector<1x16xf32>,
        %get3A_542 = vector.shape_cast %get3A_541 : vector<1x16xf32> to vector<16xf32>
        %mul3A_543 = arith.constant 11.3137083 : f32
        %mul3A_544 = vector.broadcast %mul3A_543 : f32 to vector<16xf32>
        %mul3A_545 = arith.mulf %get3A_542, %mul3A_544 : vector<16xf32>
        %swap3A_546 = arith.index_cast %add3A_538 : i32 to index
        %swap3A_547 = arith.constant 16 : index
        %swap3A_548 = tpu.vector_load %arg11[%swap3A_546, %swap3A_547] {strides = array<i32>} : memref<80x128xf32, #tpu.memory_space<vmem>>, vector<1x16xf32>,
        %swap3A_549 = vector.shape_cast %swap3A_548 : vector<1x16xf32> to vector<16xf32>
        %swap3A_550 = vector.shape_cast %mul3A_545 : vector<16xf32> to vector<1x16xf32>
        tpu.vector_store %arg11[%swap3A_546, %swap3A_547], %swap3A_550 {strides = array<i32>} : memref<80x128xf32, #tpu.memory_space<vmem>>, vector<1x16xf32>,
        %mul3A_551 = arith.constant 2 : i32
        %mul3A_552 = arith.muli %scan3A_392, %mul3A_551 : i32
        %add3A_553 = arith.constant 1 : i32
        %add3A_554 = arith.addi %mul3A_552, %add3A_553 : i32
        %get3A_555 = arith.index_cast %add3A_554 : i32 to index
        %get3A_556 = arith.constant 32 : index
        %get3A_557 = tpu.vector_load %arg11[%get3A_555, %get3A_556] {strides = array<i32>} : memref<80x128xf32, #tpu.memory_space<vmem>>, vector<1x16xf32>,
        %get3A_558 = vector.shape_cast %get3A_557 : vector<1x16xf32> to vector<16xf32>
        %mul3A_559 = arith.constant 11.3137083 : f32
        %mul3A_560 = vector.broadcast %mul3A_559 : f32 to vector<16xf32>
        %mul3A_561 = arith.mulf %get3A_558, %mul3A_560 : vector<16xf32>
        %swap3A_562 = arith.index_cast %add3A_554 : i32 to index
        %swap3A_563 = arith.constant 32 : index
        %swap3A_564 = tpu.vector_load %arg11[%swap3A_562, %swap3A_563] {strides = array<i32>} : memref<80x128xf32, #tpu.memory_space<vmem>>, vector<1x16xf32>,
        %swap3A_565 = vector.shape_cast %swap3A_564 : vector<1x16xf32> to vector<16xf32>
        %swap3A_566 = vector.shape_cast %mul3A_561 : vector<16xf32> to vector<1x16xf32>
        tpu.vector_store %arg11[%swap3A_562, %swap3A_563], %swap3A_566 {strides = array<i32>} : memref<80x128xf32, #tpu.memory_space<vmem>>, vector<1x16xf32>,
        %mul3A_567 = arith.constant 2 : i32
        %mul3A_568 = arith.muli %scan3A_392, %mul3A_567 : i32
        %add3A_569 = arith.constant 1 : i32
        %add3A_570 = arith.addi %mul3A_568, %add3A_569 : i32
        %get3A_571 = arith.index_cast %add3A_570 : i32 to index
        %get3A_572 = arith.constant 48 : index
        %get3A_573 = tpu.vector_load %arg11[%get3A_571, %get3A_572] {strides = array<i32>} : memref<80x128xf32, #tpu.memory_space<vmem>>, vector<1x16xf32>,
        %get3A_574 = vector.shape_cast %get3A_573 : vector<1x16xf32> to vector<16xf32>
        %mul3A_575 = arith.constant 11.3137083 : f32
        %mul3A_576 = vector.broadcast %mul3A_575 : f32 to vector<16xf32>
        %mul3A_577 = arith.mulf %get3A_574, %mul3A_576 : vector<16xf32>
        %swap3A_578 = arith.index_cast %add3A_570 : i32 to index
        %swap3A_579 = arith.constant 48 : index
        %swap3A_580 = tpu.vector_load %arg11[%swap3A_578, %swap3A_579] {strides = array<i32>} : memref<80x128xf32, #tpu.memory_space<vmem>>, vector<1x16xf32>,
        %swap3A_581 = vector.shape_cast %swap3A_580 : vector<1x16xf32> to vector<16xf32>
        %swap3A_582 = vector.shape_cast %mul3A_577 : vector<16xf32> to vector<1x16xf32>
        tpu.vector_store %arg11[%swap3A_578, %swap3A_579], %swap3A_582 {strides = array<i32>} : memref<80x128xf32, #tpu.memory_space<vmem>>, vector<1x16xf32>,
        %mul3A_583 = arith.constant 2 : i32
        %mul3A_584 = arith.muli %scan3A_392, %mul3A_583 : i32
        %add3A_585 = arith.constant 1 : i32
        %add3A_586 = arith.addi %mul3A_584, %add3A_585 : i32
        %get3A_587 = arith.index_cast %add3A_586 : i32 to index
        %get3A_588 = arith.constant 64 : index
        %get3A_589 = tpu.vector_load %arg11[%get3A_587, %get3A_588] {strides = array<i32>} : memref<80x128xf32, #tpu.memory_space<vmem>>, vector<1x16xf32>,
        %get3A_590 = vector.shape_cast %get3A_589 : vector<1x16xf32> to vector<16xf32>
        %mul3A_591 = arith.constant 11.3137083 : f32
        %mul3A_592 = vector.broadcast %mul3A_591 : f32 to vector<16xf32>
        %mul3A_593 = arith.mulf %get3A_590, %mul3A_592 : vector<16xf32>
        %swap3A_594 = arith.index_cast %add3A_586 : i32 to index
        %swap3A_595 = arith.constant 64 : index
        %swap3A_596 = tpu.vector_load %arg11[%swap3A_594, %swap3A_595] {strides = array<i32>} : memref<80x128xf32, #tpu.memory_space<vmem>>, vector<1x16xf32>,
        %swap3A_597 = vector.shape_cast %swap3A_596 : vector<1x16xf32> to vector<16xf32>
        %swap3A_598 = vector.shape_cast %mul3A_593 : vector<16xf32> to vector<1x16xf32>
        tpu.vector_store %arg11[%swap3A_594, %swap3A_595], %swap3A_598 {strides = array<i32>} : memref<80x128xf32, #tpu.memory_space<vmem>>, vector<1x16xf32>,
        %mul3A_599 = arith.constant 2 : i32
        %mul3A_600 = arith.muli %scan3A_392, %mul3A_599 : i32
        %add3A_601 = arith.constant 1 : i32
        %add3A_602 = arith.addi %mul3A_600, %add3A_601 : i32
        %get3A_603 = arith.index_cast %add3A_602 : i32 to index
        %get3A_604 = arith.constant 80 : index
        %get3A_605 = tpu.vector_load %arg11[%get3A_603, %get3A_604] {strides = array<i32>} : memref<80x128xf32, #tpu.memory_space<vmem>>, vector<1x16xf32>,
        %get3A_606 = vector.shape_cast %get3A_605 : vector<1x16xf32> to vector<16xf32>
        %mul3A_607 = arith.constant 11.3137083 : f32
        %mul3A_608 = vector.broadcast %mul3A_607 : f32 to vector<16xf32>
        %mul3A_609 = arith.mulf %get3A_606, %mul3A_608 : vector<16xf32>
        %swap3A_610 = arith.index_cast %add3A_602 : i32 to index
        %swap3A_611 = arith.constant 80 : index
        %swap3A_612 = tpu.vector_load %arg11[%swap3A_610, %swap3A_611] {strides = array<i32>} : memref<80x128xf32, #tpu.memory_space<vmem>>, vector<1x16xf32>,
        %swap3A_613 = vector.shape_cast %swap3A_612 : vector<1x16xf32> to vector<16xf32>
        %swap3A_614 = vector.shape_cast %mul3A_609 : vector<16xf32> to vector<1x16xf32>
        tpu.vector_store %arg11[%swap3A_610, %swap3A_611], %swap3A_614 {strides = array<i32>} : memref<80x128xf32, #tpu.memory_space<vmem>>, vector<1x16xf32>,
        %mul3A_615 = arith.constant 2 : i32
        %mul3A_616 = arith.muli %scan3A_392, %mul3A_615 : i32
        %add3A_617 = arith.constant 1 : i32
        %add3A_618 = arith.addi %mul3A_616, %add3A_617 : i32
        %get3A_619 = arith.index_cast %add3A_618 : i32 to index
        %get3A_620 = arith.constant 96 : index
        %get3A_621 = tpu.vector_load %arg11[%get3A_619, %get3A_620] {strides = array<i32>} : memref<80x128xf32, #tpu.memory_space<vmem>>, vector<1x16xf32>,
        %get3A_622 = vector.shape_cast %get3A_621 : vector<1x16xf32> to vector<16xf32>
        %mul3A_623 = arith.constant 11.3137083 : f32
        %mul3A_624 = vector.broadcast %mul3A_623 : f32 to vector<16xf32>
        %mul3A_625 = arith.mulf %get3A_622, %mul3A_624 : vector<16xf32>
        %swap3A_626 = arith.index_cast %add3A_618 : i32 to index
        %swap3A_627 = arith.constant 96 : index
        %swap3A_628 = tpu.vector_load %arg11[%swap3A_626, %swap3A_627] {strides = array<i32>} : memref<80x128xf32, #tpu.memory_space<vmem>>, vector<1x16xf32>,
        %swap3A_629 = vector.shape_cast %swap3A_628 : vector<1x16xf32> to vector<16xf32>
        %swap3A_630 = vector.shape_cast %mul3A_625 : vector<16xf32> to vector<1x16xf32>
        tpu.vector_store %arg11[%swap3A_626, %swap3A_627], %swap3A_630 {strides = array<i32>} : memref<80x128xf32, #tpu.memory_space<vmem>>, vector<1x16xf32>,
        %mul3A_631 = arith.constant 2 : i32
        %mul3A_632 = arith.muli %scan3A_392, %mul3A_631 : i32
        %add3A_633 = arith.constant 1 : i32
        %add3A_634 = arith.addi %mul3A_632, %add3A_633 : i32
        %get3A_635 = arith.index_cast %add3A_634 : i32 to index
        %get3A_636 = arith.constant 112 : index
        %get3A_637 = tpu.vector_load %arg11[%get3A_635, %get3A_636] {strides = array<i32>} : memref<80x128xf32, #tpu.memory_space<vmem>>, vector<1x16xf32>,
        %get3A_638 = vector.shape_cast %get3A_637 : vector<1x16xf32> to vector<16xf32>
        %mul3A_639 = arith.constant 11.3137083 : f32
        %mul3A_640 = vector.broadcast %mul3A_639 : f32 to vector<16xf32>
        %mul3A_641 = arith.mulf %get3A_638, %mul3A_640 : vector<16xf32>
        %swap3A_642 = arith.index_cast %add3A_634 : i32 to index
        %swap3A_643 = arith.constant 112 : index
        %swap3A_644 = tpu.vector_load %arg11[%swap3A_642, %swap3A_643] {strides = array<i32>} : memref<80x128xf32, #tpu.memory_space<vmem>>, vector<1x16xf32>,
        %swap3A_645 = vector.shape_cast %swap3A_644 : vector<1x16xf32> to vector<16xf32>
        %swap3A_646 = vector.shape_cast %mul3A_641 : vector<16xf32> to vector<1x16xf32>
        tpu.vector_store %arg11[%swap3A_642, %swap3A_643], %swap3A_646 {strides = array<i32>} : memref<80x128xf32, #tpu.memory_space<vmem>>, vector<1x16xf32>,
      }
      %scan3A_306 = arith.constant 40 : i32
      %mul3A_307 = arith.constant 80 : i32
      %mul3A_308 = arith.muli %add3A_278, %mul3A_307 : i32
      %add3A_309 = arith.addi %mul3A_2, %mul3A_308 : i32
      %dma_start3A_310 = arith.constant 0 : i32
      %dma_start3A_311 = tpu.memref_slice %arg4[%add3A_309, %dma_start3A_310] : memref<819200x128xf32, #tpu.memory_space<hbm>> -> memref<80x128xf32, #tpu.memory_space<hbm>>
      %dma_start3A_312 = arith.constant 0 : i32
      %dma_start3A_313 = tpu.memref_slice %arg4[%add3A_309, %dma_start3A_312] : memref<819200x128xf32, #tpu.memory_space<hbm>> -> memref<80x128xf32, #tpu.memory_space<hbm>>
      tpu.enqueue_dma source(%arg11 : memref<80x128xf32, #tpu.memory_space<vmem>>) target(%dma_start3A_313 : memref<80x128xf32, #tpu.memory_space<hbm>>) target_semaphore(%arg27 : memref<!tpu.dma_semaphore, #tpu.memory_space<semaphore_mem>>)
      %mul3A_314 = arith.constant 8 : i32
      %mul3A_315 = arith.muli %scan3A_84, %mul3A_314 : i32
      %add3A_316 = arith.constant 6 : i32
      %add3A_317 = arith.addi %mul3A_315, %add3A_316 : i32
      %add3A_318 = arith.constant 6 : i32
      %add3A_319 = arith.addi %add3A_317, %add3A_318 : i32
      %lt3A_320 = arith.constant 320 : i32
      %lt3A_321 = arith.cmpi slt, %add3A_319, %lt3A_320 : i32
      %ge3A_322 = arith.constant 2 : i32
      %ge3A_323 = arith.cmpi sge, %add3A_317, %ge3A_322 : i32
      %and3A_324 = arith.andi %lt3A_321, %ge3A_323 : i1
      %convert_element_type3A_325 = arith.extui %and3A_324 : i1 to i32
      %cond3A_326 = arith.constant 0 : i32
      %cond3A_327 = arith.cmpi ne, %convert_element_type3A_325, %cond3A_326 : i32
      scf.if %cond3A_327 {
        %add3A_392 = arith.constant 6 : i32
        %add3A_393 = arith.addi %add3A_317, %add3A_392 : i32
        %sub3A = arith.constant 8 : i32
        %sub3A_394 = arith.subi %add3A_393, %sub3A : i32
        %mul3A_395 = arith.constant 80 : i32
        %mul3A_396 = arith.muli %sub3A_394, %mul3A_395 : i32
        %add3A_397 = arith.addi %mul3A_2, %mul3A_396 : i32
        %dma_wait3A_398 = arith.constant 0 : i32
        %dma_wait3A_399 = tpu.memref_slice %arg4[%add3A_397, %dma_wait3A_398] : memref<819200x128xf32, #tpu.memory_space<hbm>> -> memref<80x128xf32, #tpu.memory_space<hbm>>
        %dma_wait3A_400 = arith.constant 0 : i32
        %dma_wait3A_401 = tpu.memref_slice %arg4[%add3A_397, %dma_wait3A_400] : memref<819200x128xf32, #tpu.memory_space<hbm>> -> memref<80x128xf32, #tpu.memory_space<hbm>>
        tpu.wait_dma2 semaphore(%arg26 : memref<!tpu.dma_semaphore, #tpu.memory_space<semaphore_mem>>) src(%arg10 : memref<80x128xf32, #tpu.memory_space<vmem>>) dst(%dma_wait3A_401 : memref<80x128xf32, #tpu.memory_space<hbm>>)
      } else {
      }
      %add3A_328 = arith.constant 6 : i32
      %add3A_329 = arith.addi %add3A_317, %add3A_328 : i32
      %lt3A_330 = arith.constant 320 : i32
      %lt3A_331 = arith.cmpi slt, %add3A_329, %lt3A_330 : i32
      %convert_element_type3A_332 = arith.extui %lt3A_331 : i1 to i32
      %cond3A_333 = arith.constant 0 : i32
      %cond3A_334 = arith.cmpi ne, %convert_element_type3A_332, %cond3A_333 : i32
      scf.if %cond3A_334 {
        %add3A_392 = arith.constant 6 : i32
        %add3A_393 = arith.addi %add3A_317, %add3A_392 : i32
        %mul3A_394 = arith.constant 80 : i32
        %mul3A_395 = arith.muli %add3A_393, %mul3A_394 : i32
        %dma_start3A_396 = tpu.memref_slice %arg5[%mul3A_395] : memref<25600xi32, #tpu.memory_space<vmem>> -> memref<80xi32, #tpu.memory_space<vmem>>
        %dma_start3A_397 = arith.constant 0 : i32
        %dma_start3A_398 = arith.constant 0 : i32
        %dma_start3A_399 = tpu.memref_slice %arg3[%dma_start3A_397, %dma_start3A_398] : memref<100000x128xf32, #tpu.memory_space<hbm>> -> memref<100000x128xf32, #tpu.memory_space<hbm>>
        tpu.enqueue_indirect_dma source(%dma_start3A_399 : memref<100000x128xf32, #tpu.memory_space<hbm>>) target(%arg10 : memref<80x128xf32, #tpu.memory_space<vmem>>) offsets(%dma_start3A_396 : memref<80xi32, #tpu.memory_space<vmem>>) semaphore(%arg18 : memref<!tpu.dma_semaphore, #tpu.memory_space<semaphore_mem>>)
      } else {
      }
      %dma_wait3A_335 = arith.constant 0 : i32
      %dma_wait3A_336 = tpu.memref_slice %arg5[%dma_wait3A_335] : memref<25600xi32, #tpu.memory_space<vmem>> -> memref<80xi32, #tpu.memory_space<vmem>>
      %dma_wait3A_337 = arith.constant 0 : i32
      %dma_wait3A_338 = arith.constant 0 : i32
      %dma_wait3A_339 = tpu.memref_slice %arg3[%dma_wait3A_337, %dma_wait3A_338] : memref<100000x128xf32, #tpu.memory_space<hbm>> -> memref<100000x128xf32, #tpu.memory_space<hbm>>
      tpu.wait_indirect_dma semaphore(%arg20 : memref<!tpu.dma_semaphore, #tpu.memory_space<semaphore_mem>>) src(%dma_wait3A_339 : memref<100000x128xf32, #tpu.memory_space<hbm>>) dst(%arg12 : memref<80x128xf32, #tpu.memory_space<vmem>>)
      %scan3A_340 = arith.constant 0 : i32
      %scan3A_341 = arith.constant 0 : i32
      %scan3A_342 = arith.constant 40 : i32
      %scan3A_343 = arith.addi %scan3A_341, %scan3A_342 : i32
      %scan3A_344 = arith.constant 1 : i32
      scf.for %scan3A_392 = %scan3A_341 to %scan3A_343 step %scan3A_344  : i32 {
        %mul3A_393 = arith.constant 2 : i32
        %mul3A_394 = arith.muli %scan3A_392, %mul3A_393 : i32
        %add3A_395 = arith.constant 0 : i32
        %add3A_396 = arith.addi %mul3A_394, %add3A_395 : i32
        %get3A = arith.index_cast %add3A_396 : i32 to index
        %get3A_397 = arith.constant 0 : index
        %get3A_398 = tpu.vector_load %arg12[%get3A, %get3A_397] {strides = array<i32>} : memref<80x128xf32, #tpu.memory_space<vmem>>, vector<1x16xf32>,
        %get3A_399 = vector.shape_cast %get3A_398 : vector<1x16xf32> to vector<16xf32>
        %mul3A_400 = arith.constant 11.3137083 : f32
        %mul3A_401 = vector.broadcast %mul3A_400 : f32 to vector<16xf32>
        %mul3A_402 = arith.mulf %get3A_399, %mul3A_401 : vector<16xf32>
        %swap3A = arith.index_cast %add3A_396 : i32 to index
        %swap3A_403 = arith.constant 0 : index
        %swap3A_404 = tpu.vector_load %arg12[%swap3A, %swap3A_403] {strides = array<i32>} : memref<80x128xf32, #tpu.memory_space<vmem>>, vector<1x16xf32>,
        %swap3A_405 = vector.shape_cast %swap3A_404 : vector<1x16xf32> to vector<16xf32>
        %swap3A_406 = vector.shape_cast %mul3A_402 : vector<16xf32> to vector<1x16xf32>
        tpu.vector_store %arg12[%swap3A, %swap3A_403], %swap3A_406 {strides = array<i32>} : memref<80x128xf32, #tpu.memory_space<vmem>>, vector<1x16xf32>,
        %mul3A_407 = arith.constant 2 : i32
        %mul3A_408 = arith.muli %scan3A_392, %mul3A_407 : i32
        %add3A_409 = arith.constant 0 : i32
        %add3A_410 = arith.addi %mul3A_408, %add3A_409 : i32
        %get3A_411 = arith.index_cast %add3A_410 : i32 to index
        %get3A_412 = arith.constant 16 : index
        %get3A_413 = tpu.vector_load %arg12[%get3A_411, %get3A_412] {strides = array<i32>} : memref<80x128xf32, #tpu.memory_space<vmem>>, vector<1x16xf32>,
        %get3A_414 = vector.shape_cast %get3A_413 : vector<1x16xf32> to vector<16xf32>
        %mul3A_415 = arith.constant 11.3137083 : f32
        %mul3A_416 = vector.broadcast %mul3A_415 : f32 to vector<16xf32>
        %mul3A_417 = arith.mulf %get3A_414, %mul3A_416 : vector<16xf32>
        %swap3A_418 = arith.index_cast %add3A_410 : i32 to index
        %swap3A_419 = arith.constant 16 : index
        %swap3A_420 = tpu.vector_load %arg12[%swap3A_418, %swap3A_419] {strides = array<i32>} : memref<80x128xf32, #tpu.memory_space<vmem>>, vector<1x16xf32>,
        %swap3A_421 = vector.shape_cast %swap3A_420 : vector<1x16xf32> to vector<16xf32>
        %swap3A_422 = vector.shape_cast %mul3A_417 : vector<16xf32> to vector<1x16xf32>
        tpu.vector_store %arg12[%swap3A_418, %swap3A_419], %swap3A_422 {strides = array<i32>} : memref<80x128xf32, #tpu.memory_space<vmem>>, vector<1x16xf32>,
        %mul3A_423 = arith.constant 2 : i32
        %mul3A_424 = arith.muli %scan3A_392, %mul3A_423 : i32
        %add3A_425 = arith.constant 0 : i32
        %add3A_426 = arith.addi %mul3A_424, %add3A_425 : i32
        %get3A_427 = arith.index_cast %add3A_426 : i32 to index
        %get3A_428 = arith.constant 32 : index
        %get3A_429 = tpu.vector_load %arg12[%get3A_427, %get3A_428] {strides = array<i32>} : memref<80x128xf32, #tpu.memory_space<vmem>>, vector<1x16xf32>,
        %get3A_430 = vector.shape_cast %get3A_429 : vector<1x16xf32> to vector<16xf32>
        %mul3A_431 = arith.constant 11.3137083 : f32
        %mul3A_432 = vector.broadcast %mul3A_431 : f32 to vector<16xf32>
        %mul3A_433 = arith.mulf %get3A_430, %mul3A_432 : vector<16xf32>
        %swap3A_434 = arith.index_cast %add3A_426 : i32 to index
        %swap3A_435 = arith.constant 32 : index
        %swap3A_436 = tpu.vector_load %arg12[%swap3A_434, %swap3A_435] {strides = array<i32>} : memref<80x128xf32, #tpu.memory_space<vmem>>, vector<1x16xf32>,
        %swap3A_437 = vector.shape_cast %swap3A_436 : vector<1x16xf32> to vector<16xf32>
        %swap3A_438 = vector.shape_cast %mul3A_433 : vector<16xf32> to vector<1x16xf32>
        tpu.vector_store %arg12[%swap3A_434, %swap3A_435], %swap3A_438 {strides = array<i32>} : memref<80x128xf32, #tpu.memory_space<vmem>>, vector<1x16xf32>,
        %mul3A_439 = arith.constant 2 : i32
        %mul3A_440 = arith.muli %scan3A_392, %mul3A_439 : i32
        %add3A_441 = arith.constant 0 : i32
        %add3A_442 = arith.addi %mul3A_440, %add3A_441 : i32
        %get3A_443 = arith.index_cast %add3A_442 : i32 to index
        %get3A_444 = arith.constant 48 : index
        %get3A_445 = tpu.vector_load %arg12[%get3A_443, %get3A_444] {strides = array<i32>} : memref<80x128xf32, #tpu.memory_space<vmem>>, vector<1x16xf32>,
        %get3A_446 = vector.shape_cast %get3A_445 : vector<1x16xf32> to vector<16xf32>
        %mul3A_447 = arith.constant 11.3137083 : f32
        %mul3A_448 = vector.broadcast %mul3A_447 : f32 to vector<16xf32>
        %mul3A_449 = arith.mulf %get3A_446, %mul3A_448 : vector<16xf32>
        %swap3A_450 = arith.index_cast %add3A_442 : i32 to index
        %swap3A_451 = arith.constant 48 : index
        %swap3A_452 = tpu.vector_load %arg12[%swap3A_450, %swap3A_451] {strides = array<i32>} : memref<80x128xf32, #tpu.memory_space<vmem>>, vector<1x16xf32>,
        %swap3A_453 = vector.shape_cast %swap3A_452 : vector<1x16xf32> to vector<16xf32>
        %swap3A_454 = vector.shape_cast %mul3A_449 : vector<16xf32> to vector<1x16xf32>
        tpu.vector_store %arg12[%swap3A_450, %swap3A_451], %swap3A_454 {strides = array<i32>} : memref<80x128xf32, #tpu.memory_space<vmem>>, vector<1x16xf32>,
        %mul3A_455 = arith.constant 2 : i32
        %mul3A_456 = arith.muli %scan3A_392, %mul3A_455 : i32
        %add3A_457 = arith.constant 0 : i32
        %add3A_458 = arith.addi %mul3A_456, %add3A_457 : i32
        %get3A_459 = arith.index_cast %add3A_458 : i32 to index
        %get3A_460 = arith.constant 64 : index
        %get3A_461 = tpu.vector_load %arg12[%get3A_459, %get3A_460] {strides = array<i32>} : memref<80x128xf32, #tpu.memory_space<vmem>>, vector<1x16xf32>,
        %get3A_462 = vector.shape_cast %get3A_461 : vector<1x16xf32> to vector<16xf32>
        %mul3A_463 = arith.constant 11.3137083 : f32
        %mul3A_464 = vector.broadcast %mul3A_463 : f32 to vector<16xf32>
        %mul3A_465 = arith.mulf %get3A_462, %mul3A_464 : vector<16xf32>
        %swap3A_466 = arith.index_cast %add3A_458 : i32 to index
        %swap3A_467 = arith.constant 64 : index
        %swap3A_468 = tpu.vector_load %arg12[%swap3A_466, %swap3A_467] {strides = array<i32>} : memref<80x128xf32, #tpu.memory_space<vmem>>, vector<1x16xf32>,
        %swap3A_469 = vector.shape_cast %swap3A_468 : vector<1x16xf32> to vector<16xf32>
        %swap3A_470 = vector.shape_cast %mul3A_465 : vector<16xf32> to vector<1x16xf32>
        tpu.vector_store %arg12[%swap3A_466, %swap3A_467], %swap3A_470 {strides = array<i32>} : memref<80x128xf32, #tpu.memory_space<vmem>>, vector<1x16xf32>,
        %mul3A_471 = arith.constant 2 : i32
        %mul3A_472 = arith.muli %scan3A_392, %mul3A_471 : i32
        %add3A_473 = arith.constant 0 : i32
        %add3A_474 = arith.addi %mul3A_472, %add3A_473 : i32
        %get3A_475 = arith.index_cast %add3A_474 : i32 to index
        %get3A_476 = arith.constant 80 : index
        %get3A_477 = tpu.vector_load %arg12[%get3A_475, %get3A_476] {strides = array<i32>} : memref<80x128xf32, #tpu.memory_space<vmem>>, vector<1x16xf32>,
        %get3A_478 = vector.shape_cast %get3A_477 : vector<1x16xf32> to vector<16xf32>
        %mul3A_479 = arith.constant 11.3137083 : f32
        %mul3A_480 = vector.broadcast %mul3A_479 : f32 to vector<16xf32>
        %mul3A_481 = arith.mulf %get3A_478, %mul3A_480 : vector<16xf32>
        %swap3A_482 = arith.index_cast %add3A_474 : i32 to index
        %swap3A_483 = arith.constant 80 : index
        %swap3A_484 = tpu.vector_load %arg12[%swap3A_482, %swap3A_483] {strides = array<i32>} : memref<80x128xf32, #tpu.memory_space<vmem>>, vector<1x16xf32>,
        %swap3A_485 = vector.shape_cast %swap3A_484 : vector<1x16xf32> to vector<16xf32>
        %swap3A_486 = vector.shape_cast %mul3A_481 : vector<16xf32> to vector<1x16xf32>
        tpu.vector_store %arg12[%swap3A_482, %swap3A_483], %swap3A_486 {strides = array<i32>} : memref<80x128xf32, #tpu.memory_space<vmem>>, vector<1x16xf32>,
        %mul3A_487 = arith.constant 2 : i32
        %mul3A_488 = arith.muli %scan3A_392, %mul3A_487 : i32
        %add3A_489 = arith.constant 0 : i32
        %add3A_490 = arith.addi %mul3A_488, %add3A_489 : i32
        %get3A_491 = arith.index_cast %add3A_490 : i32 to index
        %get3A_492 = arith.constant 96 : index
        %get3A_493 = tpu.vector_load %arg12[%get3A_491, %get3A_492] {strides = array<i32>} : memref<80x128xf32, #tpu.memory_space<vmem>>, vector<1x16xf32>,
        %get3A_494 = vector.shape_cast %get3A_493 : vector<1x16xf32> to vector<16xf32>
        %mul3A_495 = arith.constant 11.3137083 : f32
        %mul3A_496 = vector.broadcast %mul3A_495 : f32 to vector<16xf32>
        %mul3A_497 = arith.mulf %get3A_494, %mul3A_496 : vector<16xf32>
        %swap3A_498 = arith.index_cast %add3A_490 : i32 to index
        %swap3A_499 = arith.constant 96 : index
        %swap3A_500 = tpu.vector_load %arg12[%swap3A_498, %swap3A_499] {strides = array<i32>} : memref<80x128xf32, #tpu.memory_space<vmem>>, vector<1x16xf32>,
        %swap3A_501 = vector.shape_cast %swap3A_500 : vector<1x16xf32> to vector<16xf32>
        %swap3A_502 = vector.shape_cast %mul3A_497 : vector<16xf32> to vector<1x16xf32>
        tpu.vector_store %arg12[%swap3A_498, %swap3A_499], %swap3A_502 {strides = array<i32>} : memref<80x128xf32, #tpu.memory_space<vmem>>, vector<1x16xf32>,
        %mul3A_503 = arith.constant 2 : i32
        %mul3A_504 = arith.muli %scan3A_392, %mul3A_503 : i32
        %add3A_505 = arith.constant 0 : i32
        %add3A_506 = arith.addi %mul3A_504, %add3A_505 : i32
        %get3A_507 = arith.index_cast %add3A_506 : i32 to index
        %get3A_508 = arith.constant 112 : index
        %get3A_509 = tpu.vector_load %arg12[%get3A_507, %get3A_508] {strides = array<i32>} : memref<80x128xf32, #tpu.memory_space<vmem>>, vector<1x16xf32>,
        %get3A_510 = vector.shape_cast %get3A_509 : vector<1x16xf32> to vector<16xf32>
        %mul3A_511 = arith.constant 11.3137083 : f32
        %mul3A_512 = vector.broadcast %mul3A_511 : f32 to vector<16xf32>
        %mul3A_513 = arith.mulf %get3A_510, %mul3A_512 : vector<16xf32>
        %swap3A_514 = arith.index_cast %add3A_506 : i32 to index
        %swap3A_515 = arith.constant 112 : index
        %swap3A_516 = tpu.vector_load %arg12[%swap3A_514, %swap3A_515] {strides = array<i32>} : memref<80x128xf32, #tpu.memory_space<vmem>>, vector<1x16xf32>,
        %swap3A_517 = vector.shape_cast %swap3A_516 : vector<1x16xf32> to vector<16xf32>
        %swap3A_518 = vector.shape_cast %mul3A_513 : vector<16xf32> to vector<1x16xf32>
        tpu.vector_store %arg12[%swap3A_514, %swap3A_515], %swap3A_518 {strides = array<i32>} : memref<80x128xf32, #tpu.memory_space<vmem>>, vector<1x16xf32>,
        %mul3A_519 = arith.constant 2 : i32
        %mul3A_520 = arith.muli %scan3A_392, %mul3A_519 : i32
        %add3A_521 = arith.constant 1 : i32
        %add3A_522 = arith.addi %mul3A_520, %add3A_521 : i32
        %get3A_523 = arith.index_cast %add3A_522 : i32 to index
        %get3A_524 = arith.constant 0 : index
        %get3A_525 = tpu.vector_load %arg12[%get3A_523, %get3A_524] {strides = array<i32>} : memref<80x128xf32, #tpu.memory_space<vmem>>, vector<1x16xf32>,
        %get3A_526 = vector.shape_cast %get3A_525 : vector<1x16xf32> to vector<16xf32>
        %mul3A_527 = arith.constant 11.3137083 : f32
        %mul3A_528 = vector.broadcast %mul3A_527 : f32 to vector<16xf32>
        %mul3A_529 = arith.mulf %get3A_526, %mul3A_528 : vector<16xf32>
        %swap3A_530 = arith.index_cast %add3A_522 : i32 to index
        %swap3A_531 = arith.constant 0 : index
        %swap3A_532 = tpu.vector_load %arg12[%swap3A_530, %swap3A_531] {strides = array<i32>} : memref<80x128xf32, #tpu.memory_space<vmem>>, vector<1x16xf32>,
        %swap3A_533 = vector.shape_cast %swap3A_532 : vector<1x16xf32> to vector<16xf32>
        %swap3A_534 = vector.shape_cast %mul3A_529 : vector<16xf32> to vector<1x16xf32>
        tpu.vector_store %arg12[%swap3A_530, %swap3A_531], %swap3A_534 {strides = array<i32>} : memref<80x128xf32, #tpu.memory_space<vmem>>, vector<1x16xf32>,
        %mul3A_535 = arith.constant 2 : i32
        %mul3A_536 = arith.muli %scan3A_392, %mul3A_535 : i32
        %add3A_537 = arith.constant 1 : i32
        %add3A_538 = arith.addi %mul3A_536, %add3A_537 : i32
        %get3A_539 = arith.index_cast %add3A_538 : i32 to index
        %get3A_540 = arith.constant 16 : index
        %get3A_541 = tpu.vector_load %arg12[%get3A_539, %get3A_540] {strides = array<i32>} : memref<80x128xf32, #tpu.memory_space<vmem>>, vector<1x16xf32>,
        %get3A_542 = vector.shape_cast %get3A_541 : vector<1x16xf32> to vector<16xf32>
        %mul3A_543 = arith.constant 11.3137083 : f32
        %mul3A_544 = vector.broadcast %mul3A_543 : f32 to vector<16xf32>
        %mul3A_545 = arith.mulf %get3A_542, %mul3A_544 : vector<16xf32>
        %swap3A_546 = arith.index_cast %add3A_538 : i32 to index
        %swap3A_547 = arith.constant 16 : index
        %swap3A_548 = tpu.vector_load %arg12[%swap3A_546, %swap3A_547] {strides = array<i32>} : memref<80x128xf32, #tpu.memory_space<vmem>>, vector<1x16xf32>,
        %swap3A_549 = vector.shape_cast %swap3A_548 : vector<1x16xf32> to vector<16xf32>
        %swap3A_550 = vector.shape_cast %mul3A_545 : vector<16xf32> to vector<1x16xf32>
        tpu.vector_store %arg12[%swap3A_546, %swap3A_547], %swap3A_550 {strides = array<i32>} : memref<80x128xf32, #tpu.memory_space<vmem>>, vector<1x16xf32>,
        %mul3A_551 = arith.constant 2 : i32
        %mul3A_552 = arith.muli %scan3A_392, %mul3A_551 : i32
        %add3A_553 = arith.constant 1 : i32
        %add3A_554 = arith.addi %mul3A_552, %add3A_553 : i32
        %get3A_555 = arith.index_cast %add3A_554 : i32 to index
        %get3A_556 = arith.constant 32 : index
        %get3A_557 = tpu.vector_load %arg12[%get3A_555, %get3A_556] {strides = array<i32>} : memref<80x128xf32, #tpu.memory_space<vmem>>, vector<1x16xf32>,
        %get3A_558 = vector.shape_cast %get3A_557 : vector<1x16xf32> to vector<16xf32>
        %mul3A_559 = arith.constant 11.3137083 : f32
        %mul3A_560 = vector.broadcast %mul3A_559 : f32 to vector<16xf32>
        %mul3A_561 = arith.mulf %get3A_558, %mul3A_560 : vector<16xf32>
        %swap3A_562 = arith.index_cast %add3A_554 : i32 to index
        %swap3A_563 = arith.constant 32 : index
        %swap3A_564 = tpu.vector_load %arg12[%swap3A_562, %swap3A_563] {strides = array<i32>} : memref<80x128xf32, #tpu.memory_space<vmem>>, vector<1x16xf32>,
        %swap3A_565 = vector.shape_cast %swap3A_564 : vector<1x16xf32> to vector<16xf32>
        %swap3A_566 = vector.shape_cast %mul3A_561 : vector<16xf32> to vector<1x16xf32>
        tpu.vector_store %arg12[%swap3A_562, %swap3A_563], %swap3A_566 {strides = array<i32>} : memref<80x128xf32, #tpu.memory_space<vmem>>, vector<1x16xf32>,
        %mul3A_567 = arith.constant 2 : i32
        %mul3A_568 = arith.muli %scan3A_392, %mul3A_567 : i32
        %add3A_569 = arith.constant 1 : i32
        %add3A_570 = arith.addi %mul3A_568, %add3A_569 : i32
        %get3A_571 = arith.index_cast %add3A_570 : i32 to index
        %get3A_572 = arith.constant 48 : index
        %get3A_573 = tpu.vector_load %arg12[%get3A_571, %get3A_572] {strides = array<i32>} : memref<80x128xf32, #tpu.memory_space<vmem>>, vector<1x16xf32>,
        %get3A_574 = vector.shape_cast %get3A_573 : vector<1x16xf32> to vector<16xf32>
        %mul3A_575 = arith.constant 11.3137083 : f32
        %mul3A_576 = vector.broadcast %mul3A_575 : f32 to vector<16xf32>
        %mul3A_577 = arith.mulf %get3A_574, %mul3A_576 : vector<16xf32>
        %swap3A_578 = arith.index_cast %add3A_570 : i32 to index
        %swap3A_579 = arith.constant 48 : index
        %swap3A_580 = tpu.vector_load %arg12[%swap3A_578, %swap3A_579] {strides = array<i32>} : memref<80x128xf32, #tpu.memory_space<vmem>>, vector<1x16xf32>,
        %swap3A_581 = vector.shape_cast %swap3A_580 : vector<1x16xf32> to vector<16xf32>
        %swap3A_582 = vector.shape_cast %mul3A_577 : vector<16xf32> to vector<1x16xf32>
        tpu.vector_store %arg12[%swap3A_578, %swap3A_579], %swap3A_582 {strides = array<i32>} : memref<80x128xf32, #tpu.memory_space<vmem>>, vector<1x16xf32>,
        %mul3A_583 = arith.constant 2 : i32
        %mul3A_584 = arith.muli %scan3A_392, %mul3A_583 : i32
        %add3A_585 = arith.constant 1 : i32
        %add3A_586 = arith.addi %mul3A_584, %add3A_585 : i32
        %get3A_587 = arith.index_cast %add3A_586 : i32 to index
        %get3A_588 = arith.constant 64 : index
        %get3A_589 = tpu.vector_load %arg12[%get3A_587, %get3A_588] {strides = array<i32>} : memref<80x128xf32, #tpu.memory_space<vmem>>, vector<1x16xf32>,
        %get3A_590 = vector.shape_cast %get3A_589 : vector<1x16xf32> to vector<16xf32>
        %mul3A_591 = arith.constant 11.3137083 : f32
        %mul3A_592 = vector.broadcast %mul3A_591 : f32 to vector<16xf32>
        %mul3A_593 = arith.mulf %get3A_590, %mul3A_592 : vector<16xf32>
        %swap3A_594 = arith.index_cast %add3A_586 : i32 to index
        %swap3A_595 = arith.constant 64 : index
        %swap3A_596 = tpu.vector_load %arg12[%swap3A_594, %swap3A_595] {strides = array<i32>} : memref<80x128xf32, #tpu.memory_space<vmem>>, vector<1x16xf32>,
        %swap3A_597 = vector.shape_cast %swap3A_596 : vector<1x16xf32> to vector<16xf32>
        %swap3A_598 = vector.shape_cast %mul3A_593 : vector<16xf32> to vector<1x16xf32>
        tpu.vector_store %arg12[%swap3A_594, %swap3A_595], %swap3A_598 {strides = array<i32>} : memref<80x128xf32, #tpu.memory_space<vmem>>, vector<1x16xf32>,
        %mul3A_599 = arith.constant 2 : i32
        %mul3A_600 = arith.muli %scan3A_392, %mul3A_599 : i32
        %add3A_601 = arith.constant 1 : i32
        %add3A_602 = arith.addi %mul3A_600, %add3A_601 : i32
        %get3A_603 = arith.index_cast %add3A_602 : i32 to index
        %get3A_604 = arith.constant 80 : index
        %get3A_605 = tpu.vector_load %arg12[%get3A_603, %get3A_604] {strides = array<i32>} : memref<80x128xf32, #tpu.memory_space<vmem>>, vector<1x16xf32>,
        %get3A_606 = vector.shape_cast %get3A_605 : vector<1x16xf32> to vector<16xf32>
        %mul3A_607 = arith.constant 11.3137083 : f32
        %mul3A_608 = vector.broadcast %mul3A_607 : f32 to vector<16xf32>
        %mul3A_609 = arith.mulf %get3A_606, %mul3A_608 : vector<16xf32>
        %swap3A_610 = arith.index_cast %add3A_602 : i32 to index
        %swap3A_611 = arith.constant 80 : index
        %swap3A_612 = tpu.vector_load %arg12[%swap3A_610, %swap3A_611] {strides = array<i32>} : memref<80x128xf32, #tpu.memory_space<vmem>>, vector<1x16xf32>,
        %swap3A_613 = vector.shape_cast %swap3A_612 : vector<1x16xf32> to vector<16xf32>
        %swap3A_614 = vector.shape_cast %mul3A_609 : vector<16xf32> to vector<1x16xf32>
        tpu.vector_store %arg12[%swap3A_610, %swap3A_611], %swap3A_614 {strides = array<i32>} : memref<80x128xf32, #tpu.memory_space<vmem>>, vector<1x16xf32>,
        %mul3A_615 = arith.constant 2 : i32
        %mul3A_616 = arith.muli %scan3A_392, %mul3A_615 : i32
        %add3A_617 = arith.constant 1 : i32
        %add3A_618 = arith.addi %mul3A_616, %add3A_617 : i32
        %get3A_619 = arith.index_cast %add3A_618 : i32 to index
        %get3A_620 = arith.constant 96 : index
        %get3A_621 = tpu.vector_load %arg12[%get3A_619, %get3A_620] {strides = array<i32>} : memref<80x128xf32, #tpu.memory_space<vmem>>, vector<1x16xf32>,
        %get3A_622 = vector.shape_cast %get3A_621 : vector<1x16xf32> to vector<16xf32>
        %mul3A_623 = arith.constant 11.3137083 : f32
        %mul3A_624 = vector.broadcast %mul3A_623 : f32 to vector<16xf32>
        %mul3A_625 = arith.mulf %get3A_622, %mul3A_624 : vector<16xf32>
        %swap3A_626 = arith.index_cast %add3A_618 : i32 to index
        %swap3A_627 = arith.constant 96 : index
        %swap3A_628 = tpu.vector_load %arg12[%swap3A_626, %swap3A_627] {strides = array<i32>} : memref<80x128xf32, #tpu.memory_space<vmem>>, vector<1x16xf32>,
        %swap3A_629 = vector.shape_cast %swap3A_628 : vector<1x16xf32> to vector<16xf32>
        %swap3A_630 = vector.shape_cast %mul3A_625 : vector<16xf32> to vector<1x16xf32>
        tpu.vector_store %arg12[%swap3A_626, %swap3A_627], %swap3A_630 {strides = array<i32>} : memref<80x128xf32, #tpu.memory_space<vmem>>, vector<1x16xf32>,
        %mul3A_631 = arith.constant 2 : i32
        %mul3A_632 = arith.muli %scan3A_392, %mul3A_631 : i32
        %add3A_633 = arith.constant 1 : i32
        %add3A_634 = arith.addi %mul3A_632, %add3A_633 : i32
        %get3A_635 = arith.index_cast %add3A_634 : i32 to index
        %get3A_636 = arith.constant 112 : index
        %get3A_637 = tpu.vector_load %arg12[%get3A_635, %get3A_636] {strides = array<i32>} : memref<80x128xf32, #tpu.memory_space<vmem>>, vector<1x16xf32>,
        %get3A_638 = vector.shape_cast %get3A_637 : vector<1x16xf32> to vector<16xf32>
        %mul3A_639 = arith.constant 11.3137083 : f32
        %mul3A_640 = vector.broadcast %mul3A_639 : f32 to vector<16xf32>
        %mul3A_641 = arith.mulf %get3A_638, %mul3A_640 : vector<16xf32>
        %swap3A_642 = arith.index_cast %add3A_634 : i32 to index
        %swap3A_643 = arith.constant 112 : index
        %swap3A_644 = tpu.vector_load %arg12[%swap3A_642, %swap3A_643] {strides = array<i32>} : memref<80x128xf32, #tpu.memory_space<vmem>>, vector<1x16xf32>,
        %swap3A_645 = vector.shape_cast %swap3A_644 : vector<1x16xf32> to vector<16xf32>
        %swap3A_646 = vector.shape_cast %mul3A_641 : vector<16xf32> to vector<1x16xf32>
        tpu.vector_store %arg12[%swap3A_642, %swap3A_643], %swap3A_646 {strides = array<i32>} : memref<80x128xf32, #tpu.memory_space<vmem>>, vector<1x16xf32>,
      }
      %scan3A_345 = arith.constant 40 : i32
      %mul3A_346 = arith.constant 80 : i32
      %mul3A_347 = arith.muli %add3A_317, %mul3A_346 : i32
      %add3A_348 = arith.addi %mul3A_2, %mul3A_347 : i32
      %dma_start3A_349 = arith.constant 0 : i32
      %dma_start3A_350 = tpu.memref_slice %arg4[%add3A_348, %dma_start3A_349] : memref<819200x128xf32, #tpu.memory_space<hbm>> -> memref<80x128xf32, #tpu.memory_space<hbm>>
      %dma_start3A_351 = arith.constant 0 : i32
      %dma_start3A_352 = tpu.memref_slice %arg4[%add3A_348, %dma_start3A_351] : memref<819200x128xf32, #tpu.memory_space<hbm>> -> memref<80x128xf32, #tpu.memory_space<hbm>>
      tpu.enqueue_dma source(%arg12 : memref<80x128xf32, #tpu.memory_space<vmem>>) target(%dma_start3A_352 : memref<80x128xf32, #tpu.memory_space<hbm>>) target_semaphore(%arg28 : memref<!tpu.dma_semaphore, #tpu.memory_space<semaphore_mem>>)
      %mul3A_353 = arith.constant 8 : i32
      %mul3A_354 = arith.muli %scan3A_84, %mul3A_353 : i32
      %add3A_355 = arith.constant 7 : i32
      %add3A_356 = arith.addi %mul3A_354, %add3A_355 : i32
      %add3A_357 = arith.constant 6 : i32
      %add3A_358 = arith.addi %add3A_356, %add3A_357 : i32
      %lt3A_359 = arith.constant 320 : i32
      %lt3A_360 = arith.cmpi slt, %add3A_358, %lt3A_359 : i32
      %ge3A_361 = arith.constant 2 : i32
      %ge3A_362 = arith.cmpi sge, %add3A_356, %ge3A_361 : i32
      %and3A_363 = arith.andi %lt3A_360, %ge3A_362 : i1
      %convert_element_type3A_364 = arith.extui %and3A_363 : i1 to i32
      %cond3A_365 = arith.constant 0 : i32
      %cond3A_366 = arith.cmpi ne, %convert_element_type3A_364, %cond3A_365 : i32
      scf.if %cond3A_366 {
        %add3A_392 = arith.constant 6 : i32
        %add3A_393 = arith.addi %add3A_356, %add3A_392 : i32
        %sub3A = arith.constant 8 : i32
        %sub3A_394 = arith.subi %add3A_393, %sub3A : i32
        %mul3A_395 = arith.constant 80 : i32
        %mul3A_396 = arith.muli %sub3A_394, %mul3A_395 : i32
        %add3A_397 = arith.addi %mul3A_2, %mul3A_396 : i32
        %dma_wait3A_398 = arith.constant 0 : i32
        %dma_wait3A_399 = tpu.memref_slice %arg4[%add3A_397, %dma_wait3A_398] : memref<819200x128xf32, #tpu.memory_space<hbm>> -> memref<80x128xf32, #tpu.memory_space<hbm>>
        %dma_wait3A_400 = arith.constant 0 : i32
        %dma_wait3A_401 = tpu.memref_slice %arg4[%add3A_397, %dma_wait3A_400] : memref<819200x128xf32, #tpu.memory_space<hbm>> -> memref<80x128xf32, #tpu.memory_space<hbm>>
        tpu.wait_dma2 semaphore(%arg27 : memref<!tpu.dma_semaphore, #tpu.memory_space<semaphore_mem>>) src(%arg11 : memref<80x128xf32, #tpu.memory_space<vmem>>) dst(%dma_wait3A_401 : memref<80x128xf32, #tpu.memory_space<hbm>>)
      } else {
      }
      %add3A_367 = arith.constant 6 : i32
      %add3A_368 = arith.addi %add3A_356, %add3A_367 : i32
      %lt3A_369 = arith.constant 320 : i32
      %lt3A_370 = arith.cmpi slt, %add3A_368, %lt3A_369 : i32
      %convert_element_type3A_371 = arith.extui %lt3A_370 : i1 to i32
      %cond3A_372 = arith.constant 0 : i32
      %cond3A_373 = arith.cmpi ne, %convert_element_type3A_371, %cond3A_372 : i32
      scf.if %cond3A_373 {
        %add3A_392 = arith.constant 6 : i32
        %add3A_393 = arith.addi %add3A_356, %add3A_392 : i32
        %mul3A_394 = arith.constant 80 : i32
        %mul3A_395 = arith.muli %add3A_393, %mul3A_394 : i32
        %dma_start3A_396 = tpu.memref_slice %arg5[%mul3A_395] : memref<25600xi32, #tpu.memory_space<vmem>> -> memref<80xi32, #tpu.memory_space<vmem>>
        %dma_start3A_397 = arith.constant 0 : i32
        %dma_start3A_398 = arith.constant 0 : i32
        %dma_start3A_399 = tpu.memref_slice %arg3[%dma_start3A_397, %dma_start3A_398] : memref<100000x128xf32, #tpu.memory_space<hbm>> -> memref<100000x128xf32, #tpu.memory_space<hbm>>
        tpu.enqueue_indirect_dma source(%dma_start3A_399 : memref<100000x128xf32, #tpu.memory_space<hbm>>) target(%arg11 : memref<80x128xf32, #tpu.memory_space<vmem>>) offsets(%dma_start3A_396 : memref<80xi32, #tpu.memory_space<vmem>>) semaphore(%arg19 : memref<!tpu.dma_semaphore, #tpu.memory_space<semaphore_mem>>)
      } else {
      }
      %dma_wait3A_374 = arith.constant 0 : i32
      %dma_wait3A_375 = tpu.memref_slice %arg5[%dma_wait3A_374] : memref<25600xi32, #tpu.memory_space<vmem>> -> memref<80xi32, #tpu.memory_space<vmem>>
      %dma_wait3A_376 = arith.constant 0 : i32
      %dma_wait3A_377 = arith.constant 0 : i32
      %dma_wait3A_378 = tpu.memref_slice %arg3[%dma_wait3A_376, %dma_wait3A_377] : memref<100000x128xf32, #tpu.memory_space<hbm>> -> memref<100000x128xf32, #tpu.memory_space<hbm>>
      tpu.wait_indirect_dma semaphore(%arg21 : memref<!tpu.dma_semaphore, #tpu.memory_space<semaphore_mem>>) src(%dma_wait3A_378 : memref<100000x128xf32, #tpu.memory_space<hbm>>) dst(%arg13 : memref<80x128xf32, #tpu.memory_space<vmem>>)
      %scan3A_379 = arith.constant 0 : i32
      %scan3A_380 = arith.constant 0 : i32
      %scan3A_381 = arith.constant 40 : i32
      %scan3A_382 = arith.addi %scan3A_380, %scan3A_381 : i32
      %scan3A_383 = arith.constant 1 : i32
      scf.for %scan3A_392 = %scan3A_380 to %scan3A_382 step %scan3A_383  : i32 {
        %mul3A_393 = arith.constant 2 : i32
        %mul3A_394 = arith.muli %scan3A_392, %mul3A_393 : i32
        %add3A_395 = arith.constant 0 : i32
        %add3A_396 = arith.addi %mul3A_394, %add3A_395 : i32
        %get3A = arith.index_cast %add3A_396 : i32 to index
        %get3A_397 = arith.constant 0 : index
        %get3A_398 = tpu.vector_load %arg13[%get3A, %get3A_397] {strides = array<i32>} : memref<80x128xf32, #tpu.memory_space<vmem>>, vector<1x16xf32>,
        %get3A_399 = vector.shape_cast %get3A_398 : vector<1x16xf32> to vector<16xf32>
        %mul3A_400 = arith.constant 11.3137083 : f32
        %mul3A_401 = vector.broadcast %mul3A_400 : f32 to vector<16xf32>
        %mul3A_402 = arith.mulf %get3A_399, %mul3A_401 : vector<16xf32>
        %swap3A = arith.index_cast %add3A_396 : i32 to index
        %swap3A_403 = arith.constant 0 : index
        %swap3A_404 = tpu.vector_load %arg13[%swap3A, %swap3A_403] {strides = array<i32>} : memref<80x128xf32, #tpu.memory_space<vmem>>, vector<1x16xf32>,
        %swap3A_405 = vector.shape_cast %swap3A_404 : vector<1x16xf32> to vector<16xf32>
        %swap3A_406 = vector.shape_cast %mul3A_402 : vector<16xf32> to vector<1x16xf32>
        tpu.vector_store %arg13[%swap3A, %swap3A_403], %swap3A_406 {strides = array<i32>} : memref<80x128xf32, #tpu.memory_space<vmem>>, vector<1x16xf32>,
        %mul3A_407 = arith.constant 2 : i32
        %mul3A_408 = arith.muli %scan3A_392, %mul3A_407 : i32
        %add3A_409 = arith.constant 0 : i32
        %add3A_410 = arith.addi %mul3A_408, %add3A_409 : i32
        %get3A_411 = arith.index_cast %add3A_410 : i32 to index
        %get3A_412 = arith.constant 16 : index
        %get3A_413 = tpu.vector_load %arg13[%get3A_411, %get3A_412] {strides = array<i32>} : memref<80x128xf32, #tpu.memory_space<vmem>>, vector<1x16xf32>,
        %get3A_414 = vector.shape_cast %get3A_413 : vector<1x16xf32> to vector<16xf32>
        %mul3A_415 = arith.constant 11.3137083 : f32
        %mul3A_416 = vector.broadcast %mul3A_415 : f32 to vector<16xf32>
        %mul3A_417 = arith.mulf %get3A_414, %mul3A_416 : vector<16xf32>
        %swap3A_418 = arith.index_cast %add3A_410 : i32 to index
        %swap3A_419 = arith.constant 16 : index
        %swap3A_420 = tpu.vector_load %arg13[%swap3A_418, %swap3A_419] {strides = array<i32>} : memref<80x128xf32, #tpu.memory_space<vmem>>, vector<1x16xf32>,
        %swap3A_421 = vector.shape_cast %swap3A_420 : vector<1x16xf32> to vector<16xf32>
        %swap3A_422 = vector.shape_cast %mul3A_417 : vector<16xf32> to vector<1x16xf32>
        tpu.vector_store %arg13[%swap3A_418, %swap3A_419], %swap3A_422 {strides = array<i32>} : memref<80x128xf32, #tpu.memory_space<vmem>>, vector<1x16xf32>,
        %mul3A_423 = arith.constant 2 : i32
        %mul3A_424 = arith.muli %scan3A_392, %mul3A_423 : i32
        %add3A_425 = arith.constant 0 : i32
        %add3A_426 = arith.addi %mul3A_424, %add3A_425 : i32
        %get3A_427 = arith.index_cast %add3A_426 : i32 to index
        %get3A_428 = arith.constant 32 : index
        %get3A_429 = tpu.vector_load %arg13[%get3A_427, %get3A_428] {strides = array<i32>} : memref<80x128xf32, #tpu.memory_space<vmem>>, vector<1x16xf32>,
        %get3A_430 = vector.shape_cast %get3A_429 : vector<1x16xf32> to vector<16xf32>
        %mul3A_431 = arith.constant 11.3137083 : f32
        %mul3A_432 = vector.broadcast %mul3A_431 : f32 to vector<16xf32>
        %mul3A_433 = arith.mulf %get3A_430, %mul3A_432 : vector<16xf32>
        %swap3A_434 = arith.index_cast %add3A_426 : i32 to index
        %swap3A_435 = arith.constant 32 : index
        %swap3A_436 = tpu.vector_load %arg13[%swap3A_434, %swap3A_435] {strides = array<i32>} : memref<80x128xf32, #tpu.memory_space<vmem>>, vector<1x16xf32>,
        %swap3A_437 = vector.shape_cast %swap3A_436 : vector<1x16xf32> to vector<16xf32>
        %swap3A_438 = vector.shape_cast %mul3A_433 : vector<16xf32> to vector<1x16xf32>
        tpu.vector_store %arg13[%swap3A_434, %swap3A_435], %swap3A_438 {strides = array<i32>} : memref<80x128xf32, #tpu.memory_space<vmem>>, vector<1x16xf32>,
        %mul3A_439 = arith.constant 2 : i32
        %mul3A_440 = arith.muli %scan3A_392, %mul3A_439 : i32
        %add3A_441 = arith.constant 0 : i32
        %add3A_442 = arith.addi %mul3A_440, %add3A_441 : i32
        %get3A_443 = arith.index_cast %add3A_442 : i32 to index
        %get3A_444 = arith.constant 48 : index
        %get3A_445 = tpu.vector_load %arg13[%get3A_443, %get3A_444] {strides = array<i32>} : memref<80x128xf32, #tpu.memory_space<vmem>>, vector<1x16xf32>,
        %get3A_446 = vector.shape_cast %get3A_445 : vector<1x16xf32> to vector<16xf32>
        %mul3A_447 = arith.constant 11.3137083 : f32
        %mul3A_448 = vector.broadcast %mul3A_447 : f32 to vector<16xf32>
        %mul3A_449 = arith.mulf %get3A_446, %mul3A_448 : vector<16xf32>
        %swap3A_450 = arith.index_cast %add3A_442 : i32 to index
        %swap3A_451 = arith.constant 48 : index
        %swap3A_452 = tpu.vector_load %arg13[%swap3A_450, %swap3A_451] {strides = array<i32>} : memref<80x128xf32, #tpu.memory_space<vmem>>, vector<1x16xf32>,
        %swap3A_453 = vector.shape_cast %swap3A_452 : vector<1x16xf32> to vector<16xf32>
        %swap3A_454 = vector.shape_cast %mul3A_449 : vector<16xf32> to vector<1x16xf32>
        tpu.vector_store %arg13[%swap3A_450, %swap3A_451], %swap3A_454 {strides = array<i32>} : memref<80x128xf32, #tpu.memory_space<vmem>>, vector<1x16xf32>,
        %mul3A_455 = arith.constant 2 : i32
        %mul3A_456 = arith.muli %scan3A_392, %mul3A_455 : i32
        %add3A_457 = arith.constant 0 : i32
        %add3A_458 = arith.addi %mul3A_456, %add3A_457 : i32
        %get3A_459 = arith.index_cast %add3A_458 : i32 to index
        %get3A_460 = arith.constant 64 : index
        %get3A_461 = tpu.vector_load %arg13[%get3A_459, %get3A_460] {strides = array<i32>} : memref<80x128xf32, #tpu.memory_space<vmem>>, vector<1x16xf32>,
        %get3A_462 = vector.shape_cast %get3A_461 : vector<1x16xf32> to vector<16xf32>
        %mul3A_463 = arith.constant 11.3137083 : f32
        %mul3A_464 = vector.broadcast %mul3A_463 : f32 to vector<16xf32>
        %mul3A_465 = arith.mulf %get3A_462, %mul3A_464 : vector<16xf32>
        %swap3A_466 = arith.index_cast %add3A_458 : i32 to index
        %swap3A_467 = arith.constant 64 : index
        %swap3A_468 = tpu.vector_load %arg13[%swap3A_466, %swap3A_467] {strides = array<i32>} : memref<80x128xf32, #tpu.memory_space<vmem>>, vector<1x16xf32>,
        %swap3A_469 = vector.shape_cast %swap3A_468 : vector<1x16xf32> to vector<16xf32>
        %swap3A_470 = vector.shape_cast %mul3A_465 : vector<16xf32> to vector<1x16xf32>
        tpu.vector_store %arg13[%swap3A_466, %swap3A_467], %swap3A_470 {strides = array<i32>} : memref<80x128xf32, #tpu.memory_space<vmem>>, vector<1x16xf32>,
        %mul3A_471 = arith.constant 2 : i32
        %mul3A_472 = arith.muli %scan3A_392, %mul3A_471 : i32
        %add3A_473 = arith.constant 0 : i32
        %add3A_474 = arith.addi %mul3A_472, %add3A_473 : i32
        %get3A_475 = arith.index_cast %add3A_474 : i32 to index
        %get3A_476 = arith.constant 80 : index
        %get3A_477 = tpu.vector_load %arg13[%get3A_475, %get3A_476] {strides = array<i32>} : memref<80x128xf32, #tpu.memory_space<vmem>>, vector<1x16xf32>,
        %get3A_478 = vector.shape_cast %get3A_477 : vector<1x16xf32> to vector<16xf32>
        %mul3A_479 = arith.constant 11.3137083 : f32
        %mul3A_480 = vector.broadcast %mul3A_479 : f32 to vector<16xf32>
        %mul3A_481 = arith.mulf %get3A_478, %mul3A_480 : vector<16xf32>
        %swap3A_482 = arith.index_cast %add3A_474 : i32 to index
        %swap3A_483 = arith.constant 80 : index
        %swap3A_484 = tpu.vector_load %arg13[%swap3A_482, %swap3A_483] {strides = array<i32>} : memref<80x128xf32, #tpu.memory_space<vmem>>, vector<1x16xf32>,
        %swap3A_485 = vector.shape_cast %swap3A_484 : vector<1x16xf32> to vector<16xf32>
        %swap3A_486 = vector.shape_cast %mul3A_481 : vector<16xf32> to vector<1x16xf32>
        tpu.vector_store %arg13[%swap3A_482, %swap3A_483], %swap3A_486 {strides = array<i32>} : memref<80x128xf32, #tpu.memory_space<vmem>>, vector<1x16xf32>,
        %mul3A_487 = arith.constant 2 : i32
        %mul3A_488 = arith.muli %scan3A_392, %mul3A_487 : i32
        %add3A_489 = arith.constant 0 : i32
        %add3A_490 = arith.addi %mul3A_488, %add3A_489 : i32
        %get3A_491 = arith.index_cast %add3A_490 : i32 to index
        %get3A_492 = arith.constant 96 : index
        %get3A_493 = tpu.vector_load %arg13[%get3A_491, %get3A_492] {strides = array<i32>} : memref<80x128xf32, #tpu.memory_space<vmem>>, vector<1x16xf32>,
        %get3A_494 = vector.shape_cast %get3A_493 : vector<1x16xf32> to vector<16xf32>
        %mul3A_495 = arith.constant 11.3137083 : f32
        %mul3A_496 = vector.broadcast %mul3A_495 : f32 to vector<16xf32>
        %mul3A_497 = arith.mulf %get3A_494, %mul3A_496 : vector<16xf32>
        %swap3A_498 = arith.index_cast %add3A_490 : i32 to index
        %swap3A_499 = arith.constant 96 : index
        %swap3A_500 = tpu.vector_load %arg13[%swap3A_498, %swap3A_499] {strides = array<i32>} : memref<80x128xf32, #tpu.memory_space<vmem>>, vector<1x16xf32>,
        %swap3A_501 = vector.shape_cast %swap3A_500 : vector<1x16xf32> to vector<16xf32>
        %swap3A_502 = vector.shape_cast %mul3A_497 : vector<16xf32> to vector<1x16xf32>
        tpu.vector_store %arg13[%swap3A_498, %swap3A_499], %swap3A_502 {strides = array<i32>} : memref<80x128xf32, #tpu.memory_space<vmem>>, vector<1x16xf32>,
        %mul3A_503 = arith.constant 2 : i32
        %mul3A_504 = arith.muli %scan3A_392, %mul3A_503 : i32
        %add3A_505 = arith.constant 0 : i32
        %add3A_506 = arith.addi %mul3A_504, %add3A_505 : i32
        %get3A_507 = arith.index_cast %add3A_506 : i32 to index
        %get3A_508 = arith.constant 112 : index
        %get3A_509 = tpu.vector_load %arg13[%get3A_507, %get3A_508] {strides = array<i32>} : memref<80x128xf32, #tpu.memory_space<vmem>>, vector<1x16xf32>,
        %get3A_510 = vector.shape_cast %get3A_509 : vector<1x16xf32> to vector<16xf32>
        %mul3A_511 = arith.constant 11.3137083 : f32
        %mul3A_512 = vector.broadcast %mul3A_511 : f32 to vector<16xf32>
        %mul3A_513 = arith.mulf %get3A_510, %mul3A_512 : vector<16xf32>
        %swap3A_514 = arith.index_cast %add3A_506 : i32 to index
        %swap3A_515 = arith.constant 112 : index
        %swap3A_516 = tpu.vector_load %arg13[%swap3A_514, %swap3A_515] {strides = array<i32>} : memref<80x128xf32, #tpu.memory_space<vmem>>, vector<1x16xf32>,
        %swap3A_517 = vector.shape_cast %swap3A_516 : vector<1x16xf32> to vector<16xf32>
        %swap3A_518 = vector.shape_cast %mul3A_513 : vector<16xf32> to vector<1x16xf32>
        tpu.vector_store %arg13[%swap3A_514, %swap3A_515], %swap3A_518 {strides = array<i32>} : memref<80x128xf32, #tpu.memory_space<vmem>>, vector<1x16xf32>,
        %mul3A_519 = arith.constant 2 : i32
        %mul3A_520 = arith.muli %scan3A_392, %mul3A_519 : i32
        %add3A_521 = arith.constant 1 : i32
        %add3A_522 = arith.addi %mul3A_520, %add3A_521 : i32
        %get3A_523 = arith.index_cast %add3A_522 : i32 to index
        %get3A_524 = arith.constant 0 : index
        %get3A_525 = tpu.vector_load %arg13[%get3A_523, %get3A_524] {strides = array<i32>} : memref<80x128xf32, #tpu.memory_space<vmem>>, vector<1x16xf32>,
        %get3A_526 = vector.shape_cast %get3A_525 : vector<1x16xf32> to vector<16xf32>
        %mul3A_527 = arith.constant 11.3137083 : f32
        %mul3A_528 = vector.broadcast %mul3A_527 : f32 to vector<16xf32>
        %mul3A_529 = arith.mulf %get3A_526, %mul3A_528 : vector<16xf32>
        %swap3A_530 = arith.index_cast %add3A_522 : i32 to index
        %swap3A_531 = arith.constant 0 : index
        %swap3A_532 = tpu.vector_load %arg13[%swap3A_530, %swap3A_531] {strides = array<i32>} : memref<80x128xf32, #tpu.memory_space<vmem>>, vector<1x16xf32>,
        %swap3A_533 = vector.shape_cast %swap3A_532 : vector<1x16xf32> to vector<16xf32>
        %swap3A_534 = vector.shape_cast %mul3A_529 : vector<16xf32> to vector<1x16xf32>
        tpu.vector_store %arg13[%swap3A_530, %swap3A_531], %swap3A_534 {strides = array<i32>} : memref<80x128xf32, #tpu.memory_space<vmem>>, vector<1x16xf32>,
        %mul3A_535 = arith.constant 2 : i32
        %mul3A_536 = arith.muli %scan3A_392, %mul3A_535 : i32
        %add3A_537 = arith.constant 1 : i32
        %add3A_538 = arith.addi %mul3A_536, %add3A_537 : i32
        %get3A_539 = arith.index_cast %add3A_538 : i32 to index
        %get3A_540 = arith.constant 16 : index
        %get3A_541 = tpu.vector_load %arg13[%get3A_539, %get3A_540] {strides = array<i32>} : memref<80x128xf32, #tpu.memory_space<vmem>>, vector<1x16xf32>,
        %get3A_542 = vector.shape_cast %get3A_541 : vector<1x16xf32> to vector<16xf32>
        %mul3A_543 = arith.constant 11.3137083 : f32
        %mul3A_544 = vector.broadcast %mul3A_543 : f32 to vector<16xf32>
        %mul3A_545 = arith.mulf %get3A_542, %mul3A_544 : vector<16xf32>
        %swap3A_546 = arith.index_cast %add3A_538 : i32 to index
        %swap3A_547 = arith.constant 16 : index
        %swap3A_548 = tpu.vector_load %arg13[%swap3A_546, %swap3A_547] {strides = array<i32>} : memref<80x128xf32, #tpu.memory_space<vmem>>, vector<1x16xf32>,
        %swap3A_549 = vector.shape_cast %swap3A_548 : vector<1x16xf32> to vector<16xf32>
        %swap3A_550 = vector.shape_cast %mul3A_545 : vector<16xf32> to vector<1x16xf32>
        tpu.vector_store %arg13[%swap3A_546, %swap3A_547], %swap3A_550 {strides = array<i32>} : memref<80x128xf32, #tpu.memory_space<vmem>>, vector<1x16xf32>,
        %mul3A_551 = arith.constant 2 : i32
        %mul3A_552 = arith.muli %scan3A_392, %mul3A_551 : i32
        %add3A_553 = arith.constant 1 : i32
        %add3A_554 = arith.addi %mul3A_552, %add3A_553 : i32
        %get3A_555 = arith.index_cast %add3A_554 : i32 to index
        %get3A_556 = arith.constant 32 : index
        %get3A_557 = tpu.vector_load %arg13[%get3A_555, %get3A_556] {strides = array<i32>} : memref<80x128xf32, #tpu.memory_space<vmem>>, vector<1x16xf32>,
        %get3A_558 = vector.shape_cast %get3A_557 : vector<1x16xf32> to vector<16xf32>
        %mul3A_559 = arith.constant 11.3137083 : f32
        %mul3A_560 = vector.broadcast %mul3A_559 : f32 to vector<16xf32>
        %mul3A_561 = arith.mulf %get3A_558, %mul3A_560 : vector<16xf32>
        %swap3A_562 = arith.index_cast %add3A_554 : i32 to index
        %swap3A_563 = arith.constant 32 : index
        %swap3A_564 = tpu.vector_load %arg13[%swap3A_562, %swap3A_563] {strides = array<i32>} : memref<80x128xf32, #tpu.memory_space<vmem>>, vector<1x16xf32>,
        %swap3A_565 = vector.shape_cast %swap3A_564 : vector<1x16xf32> to vector<16xf32>
        %swap3A_566 = vector.shape_cast %mul3A_561 : vector<16xf32> to vector<1x16xf32>
        tpu.vector_store %arg13[%swap3A_562, %swap3A_563], %swap3A_566 {strides = array<i32>} : memref<80x128xf32, #tpu.memory_space<vmem>>, vector<1x16xf32>,
        %mul3A_567 = arith.constant 2 : i32
        %mul3A_568 = arith.muli %scan3A_392, %mul3A_567 : i32
        %add3A_569 = arith.constant 1 : i32
        %add3A_570 = arith.addi %mul3A_568, %add3A_569 : i32
        %get3A_571 = arith.index_cast %add3A_570 : i32 to index
        %get3A_572 = arith.constant 48 : index
        %get3A_573 = tpu.vector_load %arg13[%get3A_571, %get3A_572] {strides = array<i32>} : memref<80x128xf32, #tpu.memory_space<vmem>>, vector<1x16xf32>,
        %get3A_574 = vector.shape_cast %get3A_573 : vector<1x16xf32> to vector<16xf32>
        %mul3A_575 = arith.constant 11.3137083 : f32
        %mul3A_576 = vector.broadcast %mul3A_575 : f32 to vector<16xf32>
        %mul3A_577 = arith.mulf %get3A_574, %mul3A_576 : vector<16xf32>
        %swap3A_578 = arith.index_cast %add3A_570 : i32 to index
        %swap3A_579 = arith.constant 48 : index
        %swap3A_580 = tpu.vector_load %arg13[%swap3A_578, %swap3A_579] {strides = array<i32>} : memref<80x128xf32, #tpu.memory_space<vmem>>, vector<1x16xf32>,
        %swap3A_581 = vector.shape_cast %swap3A_580 : vector<1x16xf32> to vector<16xf32>
        %swap3A_582 = vector.shape_cast %mul3A_577 : vector<16xf32> to vector<1x16xf32>
        tpu.vector_store %arg13[%swap3A_578, %swap3A_579], %swap3A_582 {strides = array<i32>} : memref<80x128xf32, #tpu.memory_space<vmem>>, vector<1x16xf32>,
        %mul3A_583 = arith.constant 2 : i32
        %mul3A_584 = arith.muli %scan3A_392, %mul3A_583 : i32
        %add3A_585 = arith.constant 1 : i32
        %add3A_586 = arith.addi %mul3A_584, %add3A_585 : i32
        %get3A_587 = arith.index_cast %add3A_586 : i32 to index
        %get3A_588 = arith.constant 64 : index
        %get3A_589 = tpu.vector_load %arg13[%get3A_587, %get3A_588] {strides = array<i32>} : memref<80x128xf32, #tpu.memory_space<vmem>>, vector<1x16xf32>,
        %get3A_590 = vector.shape_cast %get3A_589 : vector<1x16xf32> to vector<16xf32>
        %mul3A_591 = arith.constant 11.3137083 : f32
        %mul3A_592 = vector.broadcast %mul3A_591 : f32 to vector<16xf32>
        %mul3A_593 = arith.mulf %get3A_590, %mul3A_592 : vector<16xf32>
        %swap3A_594 = arith.index_cast %add3A_586 : i32 to index
        %swap3A_595 = arith.constant 64 : index
        %swap3A_596 = tpu.vector_load %arg13[%swap3A_594, %swap3A_595] {strides = array<i32>} : memref<80x128xf32, #tpu.memory_space<vmem>>, vector<1x16xf32>,
        %swap3A_597 = vector.shape_cast %swap3A_596 : vector<1x16xf32> to vector<16xf32>
        %swap3A_598 = vector.shape_cast %mul3A_593 : vector<16xf32> to vector<1x16xf32>
        tpu.vector_store %arg13[%swap3A_594, %swap3A_595], %swap3A_598 {strides = array<i32>} : memref<80x128xf32, #tpu.memory_space<vmem>>, vector<1x16xf32>,
        %mul3A_599 = arith.constant 2 : i32
        %mul3A_600 = arith.muli %scan3A_392, %mul3A_599 : i32
        %add3A_601 = arith.constant 1 : i32
        %add3A_602 = arith.addi %mul3A_600, %add3A_601 : i32
        %get3A_603 = arith.index_cast %add3A_602 : i32 to index
        %get3A_604 = arith.constant 80 : index
        %get3A_605 = tpu.vector_load %arg13[%get3A_603, %get3A_604] {strides = array<i32>} : memref<80x128xf32, #tpu.memory_space<vmem>>, vector<1x16xf32>,
        %get3A_606 = vector.shape_cast %get3A_605 : vector<1x16xf32> to vector<16xf32>
        %mul3A_607 = arith.constant 11.3137083 : f32
        %mul3A_608 = vector.broadcast %mul3A_607 : f32 to vector<16xf32>
        %mul3A_609 = arith.mulf %get3A_606, %mul3A_608 : vector<16xf32>
        %swap3A_610 = arith.index_cast %add3A_602 : i32 to index
        %swap3A_611 = arith.constant 80 : index
        %swap3A_612 = tpu.vector_load %arg13[%swap3A_610, %swap3A_611] {strides = array<i32>} : memref<80x128xf32, #tpu.memory_space<vmem>>, vector<1x16xf32>,
        %swap3A_613 = vector.shape_cast %swap3A_612 : vector<1x16xf32> to vector<16xf32>
        %swap3A_614 = vector.shape_cast %mul3A_609 : vector<16xf32> to vector<1x16xf32>
        tpu.vector_store %arg13[%swap3A_610, %swap3A_611], %swap3A_614 {strides = array<i32>} : memref<80x128xf32, #tpu.memory_space<vmem>>, vector<1x16xf32>,
        %mul3A_615 = arith.constant 2 : i32
        %mul3A_616 = arith.muli %scan3A_392, %mul3A_615 : i32
        %add3A_617 = arith.constant 1 : i32
        %add3A_618 = arith.addi %mul3A_616, %add3A_617 : i32
        %get3A_619 = arith.index_cast %add3A_618 : i32 to index
        %get3A_620 = arith.constant 96 : index
        %get3A_621 = tpu.vector_load %arg13[%get3A_619, %get3A_620] {strides = array<i32>} : memref<80x128xf32, #tpu.memory_space<vmem>>, vector<1x16xf32>,
        %get3A_622 = vector.shape_cast %get3A_621 : vector<1x16xf32> to vector<16xf32>
        %mul3A_623 = arith.constant 11.3137083 : f32
        %mul3A_624 = vector.broadcast %mul3A_623 : f32 to vector<16xf32>
        %mul3A_625 = arith.mulf %get3A_622, %mul3A_624 : vector<16xf32>
        %swap3A_626 = arith.index_cast %add3A_618 : i32 to index
        %swap3A_627 = arith.constant 96 : index
        %swap3A_628 = tpu.vector_load %arg13[%swap3A_626, %swap3A_627] {strides = array<i32>} : memref<80x128xf32, #tpu.memory_space<vmem>>, vector<1x16xf32>,
        %swap3A_629 = vector.shape_cast %swap3A_628 : vector<1x16xf32> to vector<16xf32>
        %swap3A_630 = vector.shape_cast %mul3A_625 : vector<16xf32> to vector<1x16xf32>
        tpu.vector_store %arg13[%swap3A_626, %swap3A_627], %swap3A_630 {strides = array<i32>} : memref<80x128xf32, #tpu.memory_space<vmem>>, vector<1x16xf32>,
        %mul3A_631 = arith.constant 2 : i32
        %mul3A_632 = arith.muli %scan3A_392, %mul3A_631 : i32
        %add3A_633 = arith.constant 1 : i32
        %add3A_634 = arith.addi %mul3A_632, %add3A_633 : i32
        %get3A_635 = arith.index_cast %add3A_634 : i32 to index
        %get3A_636 = arith.constant 112 : index
        %get3A_637 = tpu.vector_load %arg13[%get3A_635, %get3A_636] {strides = array<i32>} : memref<80x128xf32, #tpu.memory_space<vmem>>, vector<1x16xf32>,
        %get3A_638 = vector.shape_cast %get3A_637 : vector<1x16xf32> to vector<16xf32>
        %mul3A_639 = arith.constant 11.3137083 : f32
        %mul3A_640 = vector.broadcast %mul3A_639 : f32 to vector<16xf32>
        %mul3A_641 = arith.mulf %get3A_638, %mul3A_640 : vector<16xf32>
        %swap3A_642 = arith.index_cast %add3A_634 : i32 to index
        %swap3A_643 = arith.constant 112 : index
        %swap3A_644 = tpu.vector_load %arg13[%swap3A_642, %swap3A_643] {strides = array<i32>} : memref<80x128xf32, #tpu.memory_space<vmem>>, vector<1x16xf32>,
        %swap3A_645 = vector.shape_cast %swap3A_644 : vector<1x16xf32> to vector<16xf32>
        %swap3A_646 = vector.shape_cast %mul3A_641 : vector<16xf32> to vector<1x16xf32>
        tpu.vector_store %arg13[%swap3A_642, %swap3A_643], %swap3A_646 {strides = array<i32>} : memref<80x128xf32, #tpu.memory_space<vmem>>, vector<1x16xf32>,
      }
      %scan3A_384 = arith.constant 40 : i32
      %mul3A_385 = arith.constant 80 : i32
      %mul3A_386 = arith.muli %add3A_356, %mul3A_385 : i32
      %add3A_387 = arith.addi %mul3A_2, %mul3A_386 : i32
      %dma_start3A_388 = arith.constant 0 : i32
      %dma_start3A_389 = tpu.memref_slice %arg4[%add3A_387, %dma_start3A_388] : memref<819200x128xf32, #tpu.memory_space<hbm>> -> memref<80x128xf32, #tpu.memory_space<hbm>>
      %dma_start3A_390 = arith.constant 0 : i32
      %dma_start3A_391 = tpu.memref_slice %arg4[%add3A_387, %dma_start3A_390] : memref<819200x128xf32, #tpu.memory_space<hbm>> -> memref<80x128xf32, #tpu.memory_space<hbm>>
      tpu.enqueue_dma source(%arg13 : memref<80x128xf32, #tpu.memory_space<vmem>>) target(%dma_start3A_391 : memref<80x128xf32, #tpu.memory_space<hbm>>) target_semaphore(%arg29 : memref<!tpu.dma_semaphore, #tpu.memory_space<semaphore_mem>>)
    }
    %scan3A_36 = arith.constant 40 : i32
    %add3A_37 = arith.constant 24960 : i32
    %add3A_38 = arith.addi %mul3A_2, %add3A_37 : i32
    %dma_wait3A = arith.constant 0 : i32
    %dma_wait3A_39 = tpu.memref_slice %arg4[%add3A_38, %dma_wait3A] : memref<819200x128xf32, #tpu.memory_space<hbm>> -> memref<80x128xf32, #tpu.memory_space<hbm>>
    %dma_wait3A_40 = arith.constant 0 : i32
    %dma_wait3A_41 = tpu.memref_slice %arg4[%add3A_38, %dma_wait3A_40] : memref<819200x128xf32, #tpu.memory_space<hbm>> -> memref<80x128xf32, #tpu.memory_space<hbm>>
    tpu.wait_dma2 semaphore(%arg22 : memref<!tpu.dma_semaphore, #tpu.memory_space<semaphore_mem>>) src(%arg6 : memref<80x128xf32, #tpu.memory_space<vmem>>) dst(%dma_wait3A_41 : memref<80x128xf32, #tpu.memory_space<hbm>>)
    %add3A_42 = arith.constant 25040 : i32
    %add3A_43 = arith.addi %mul3A_2, %add3A_42 : i32
    %dma_wait3A_44 = arith.constant 0 : i32
    %dma_wait3A_45 = tpu.memref_slice %arg4[%add3A_43, %dma_wait3A_44] : memref<819200x128xf32, #tpu.memory_space<hbm>> -> memref<80x128xf32, #tpu.memory_space<hbm>>
    %dma_wait3A_46 = arith.constant 0 : i32
    %dma_wait3A_47 = tpu.memref_slice %arg4[%add3A_43, %dma_wait3A_46] : memref<819200x128xf32, #tpu.memory_space<hbm>> -> memref<80x128xf32, #tpu.memory_space<hbm>>
    tpu.wait_dma2 semaphore(%arg23 : memref<!tpu.dma_semaphore, #tpu.memory_space<semaphore_mem>>) src(%arg7 : memref<80x128xf32, #tpu.memory_space<vmem>>) dst(%dma_wait3A_47 : memref<80x128xf32, #tpu.memory_space<hbm>>)
    %add3A_48 = arith.constant 25120 : i32
    %add3A_49 = arith.addi %mul3A_2, %add3A_48 : i32
    %dma_wait3A_50 = arith.constant 0 : i32
    %dma_wait3A_51 = tpu.memref_slice %arg4[%add3A_49, %dma_wait3A_50] : memref<819200x128xf32, #tpu.memory_space<hbm>> -> memref<80x128xf32, #tpu.memory_space<hbm>>
    %dma_wait3A_52 = arith.constant 0 : i32
    %dma_wait3A_53 = tpu.memref_slice %arg4[%add3A_49, %dma_wait3A_52] : memref<819200x128xf32, #tpu.memory_space<hbm>> -> memref<80x128xf32, #tpu.memory_space<hbm>>
    tpu.wait_dma2 semaphore(%arg24 : memref<!tpu.dma_semaphore, #tpu.memory_space<semaphore_mem>>) src(%arg8 : memref<80x128xf32, #tpu.memory_space<vmem>>) dst(%dma_wait3A_53 : memref<80x128xf32, #tpu.memory_space<hbm>>)
    %add3A_54 = arith.constant 25200 : i32
    %add3A_55 = arith.addi %mul3A_2, %add3A_54 : i32
    %dma_wait3A_56 = arith.constant 0 : i32
    %dma_wait3A_57 = tpu.memref_slice %arg4[%add3A_55, %dma_wait3A_56] : memref<819200x128xf32, #tpu.memory_space<hbm>> -> memref<80x128xf32, #tpu.memory_space<hbm>>
    %dma_wait3A_58 = arith.constant 0 : i32
    %dma_wait3A_59 = tpu.memref_slice %arg4[%add3A_55, %dma_wait3A_58] : memref<819200x128xf32, #tpu.memory_space<hbm>> -> memref<80x128xf32, #tpu.memory_space<hbm>>
    tpu.wait_dma2 semaphore(%arg25 : memref<!tpu.dma_semaphore, #tpu.memory_space<semaphore_mem>>) src(%arg9 : memref<80x128xf32, #tpu.memory_space<vmem>>) dst(%dma_wait3A_59 : memref<80x128xf32, #tpu.memory_space<hbm>>)
    %add3A_60 = arith.constant 25280 : i32
    %add3A_61 = arith.addi %mul3A_2, %add3A_60 : i32
    %dma_wait3A_62 = arith.constant 0 : i32
    %dma_wait3A_63 = tpu.memref_slice %arg4[%add3A_61, %dma_wait3A_62] : memref<819200x128xf32, #tpu.memory_space<hbm>> -> memref<80x128xf32, #tpu.memory_space<hbm>>
    %dma_wait3A_64 = arith.constant 0 : i32
    %dma_wait3A_65 = tpu.memref_slice %arg4[%add3A_61, %dma_wait3A_64] : memref<819200x128xf32, #tpu.memory_space<hbm>> -> memref<80x128xf32, #tpu.memory_space<hbm>>
    tpu.wait_dma2 semaphore(%arg26 : memref<!tpu.dma_semaphore, #tpu.memory_space<semaphore_mem>>) src(%arg10 : memref<80x128xf32, #tpu.memory_space<vmem>>) dst(%dma_wait3A_65 : memref<80x128xf32, #tpu.memory_space<hbm>>)
    %add3A_66 = arith.constant 25360 : i32
    %add3A_67 = arith.addi %mul3A_2, %add3A_66 : i32
    %dma_wait3A_68 = arith.constant 0 : i32
    %dma_wait3A_69 = tpu.memref_slice %arg4[%add3A_67, %dma_wait3A_68] : memref<819200x128xf32, #tpu.memory_space<hbm>> -> memref<80x128xf32, #tpu.memory_space<hbm>>
    %dma_wait3A_70 = arith.constant 0 : i32
    %dma_wait3A_71 = tpu.memref_slice %arg4[%add3A_67, %dma_wait3A_70] : memref<819200x128xf32, #tpu.memory_space<hbm>> -> memref<80x128xf32, #tpu.memory_space<hbm>>
    tpu.wait_dma2 semaphore(%arg27 : memref<!tpu.dma_semaphore, #tpu.memory_space<semaphore_mem>>) src(%arg11 : memref<80x128xf32, #tpu.memory_space<vmem>>) dst(%dma_wait3A_71 : memref<80x128xf32, #tpu.memory_space<hbm>>)
    %add3A_72 = arith.constant 25440 : i32
    %add3A_73 = arith.addi %mul3A_2, %add3A_72 : i32
    %dma_wait3A_74 = arith.constant 0 : i32
    %dma_wait3A_75 = tpu.memref_slice %arg4[%add3A_73, %dma_wait3A_74] : memref<819200x128xf32, #tpu.memory_space<hbm>> -> memref<80x128xf32, #tpu.memory_space<hbm>>
    %dma_wait3A_76 = arith.constant 0 : i32
    %dma_wait3A_77 = tpu.memref_slice %arg4[%add3A_73, %dma_wait3A_76] : memref<819200x128xf32, #tpu.memory_space<hbm>> -> memref<80x128xf32, #tpu.memory_space<hbm>>
    tpu.wait_dma2 semaphore(%arg28 : memref<!tpu.dma_semaphore, #tpu.memory_space<semaphore_mem>>) src(%arg12 : memref<80x128xf32, #tpu.memory_space<vmem>>) dst(%dma_wait3A_77 : memref<80x128xf32, #tpu.memory_space<hbm>>)
    %add3A_78 = arith.constant 25520 : i32
    %add3A_79 = arith.addi %mul3A_2, %add3A_78 : i32
    %dma_wait3A_80 = arith.constant 0 : i32
    %dma_wait3A_81 = tpu.memref_slice %arg4[%add3A_79, %dma_wait3A_80] : memref<819200x128xf32, #tpu.memory_space<hbm>> -> memref<80x128xf32, #tpu.memory_space<hbm>>
    %dma_wait3A_82 = arith.constant 0 : i32
    %dma_wait3A_83 = tpu.memref_slice %arg4[%add3A_79, %dma_wait3A_82] : memref<819200x128xf32, #tpu.memory_space<hbm>> -> memref<80x128xf32, #tpu.memory_space<hbm>>
    tpu.wait_dma2 semaphore(%arg29 : memref<!tpu.dma_semaphore, #tpu.memory_space<semaphore_mem>>) src(%arg13 : memref<80x128xf32, #tpu.memory_space<vmem>>) dst(%dma_wait3A_83 : memref<80x128xf32, #tpu.memory_space<hbm>>)
    return
  }
}

</mosaic_0001>

<sc_bundles>
// kernel: kernel.3.cloned.1.call-start
scs
__scs_entry_jumppad:
0x0: {  	(pc) =	sbr.rel $0x88, $3  }
0x1: {  	(tag) =	ssettag $0x0;
	lr =	simm.s32 $0x1  }
0x2: {  	[smem:$0x3F9F] =	sst lr;
	_ =	strace $0xD0000000  }
0x3: {  	_ = 	snop  }
0x4: {  	_ = 	snop  }
0x5: {  	_ = 	snop  }
0x6: {  	_ = 	snop  }
0x7: {  	_ = 	snop  }
__scs_overlays_trampoline_lowered:
0x8: {  	[smem:$0x3FAE] =	sst s0  }
0x9: {  	[smem:$0x3FAF] =	sst s1  }
0xa: {  	[smem:$0x3FB0] =	sst s2  }
0xb: {  	[smem:$0x3FB1] =	sst s3  }
0xc: {  	[smem:$0x3FB2] =	sst s4  }
0xd: {  	[smem:$0x3FB3] =	sst s5  }
0xe: {  	[smem:$0x3FB4] =	sst s6  }
0xf: {  	[smem:$0x3FB5] =	sst s7  }
0x10: {  	[smem:$0x3FB6] =	sst s8  }
0x11: {  	[smem:$0x3FB7] =	sst s9;
	s0 =	simm.s32 @!p0 $0x0  }
0x12: {  	s1 =	sld [smem:$0x3F9D];
	s0 =	simm.s32 @p0 $0x1  }
0x13: {  	[smem:$0x3FB8] =	sst s0;
	s0 =	simm.s32 @!p1 $0x0  }
0x14: {  	s2 =	sld [smem:$0x3F9C];
	s0 =	simm.s32 @p1 $0x1  }
0x15: {  	[smem:$0x3FB9] =	sst s0;
	s0 =	simm.s32 @!p2 $0x0  }
0x16: {  	s3 =	sld [smem:$0x3FDB];
	s0 =	simm.s32 @p2 $0x1  }
0x17: {  	s4 =	simm.s32 $0x1BF5;
	[smem:$0x3FBB] =	sst s0  }
0x18: {  	s0 =	sld [smem:$0x3F9E];
	_ =	swait.ge [sflag:s4], $0x0  }
0x19: {  	s7 =	sld [smem:$0x3F9F]  }
0x1a: {  	s8 =	sadd.s32 $0xFFFFE003, lr  }
0x1b: {  	s9 =	sadd.s32 $0xFFFFFEF7, lr;
	s5 =	simm.s32 $0xFFFFFFFF;
	p2 =	slt.u32 s8, $0xFFFFF086  }
0x1c: {  	p1 =	slt.u32 s9, $0xF7A;
	s5 =	simm.s32 @!p2 $0x0  }
0x1d: {  	s5 =	simm.s32 @p1 $0x1;
	p0 =	seq.s32 s7, s2  }
0x1e: {  	s7 =	smul.u32 @!p0 $0xF7A, s2;
	p2 =	seq.s32 @!p0 s5, $0x0  }
0x1f: {  	s9 =	smul.u32 $0xF7A, s1;
	s8 =	simm.s32 @!p0 $0x1BF5;
	p2 =	por !p2, p0  }
0x20: {  	[sflag:s8] =	ssyncset.s32 @!p0 $0xFFFFF086;
	s6 =	sadd.s32 @!p0 s3, s7;
	s7 =	simm.s32 @!p0 $0x108  }
0x21: {  	s3 =	sadd.s32 s3, s9;
	s6 =	sadd.s32 @!p0 $0x88, s6;
	s7 =	simm.s32 @p2 $0x1082  }
0x22: {  	[simem:s7], [sflag:s8] =	dma.local @!p0 [hbm:s6], $0xF7A  }
0x23: {  	s9 =	sor.u32 $0xD0000000, s2;
	s6 =	simm.s32 $0x108;
	_ =	swait.ge @!p0 [sflag:s8], $0x0  }
0x24: {  	s3 =	sadd.s32 $0x88, s3;
	s6 =	simm.s32 @!p1 $0x1082;
	[sflag:s4] =	ssyncset.s32 $0xFFFFF086  }
0x25: {  	[simem:s6], [sflag:s4] =	dma.local [hbm:s3], $0xF7A  }
0x26: {  	[smem:$0x3F9F] =	sst s1;
	(tag) =	ssettag s2;
	_ =	strace s9  }
0x27: {  	s1 =	sld [smem:$0x3FAF]  }
0x28: {  	s2 =	sld [smem:$0x3FB0]  }
0x29: {  	s4 =	sld [smem:$0x3FB2]  }
0x2a: {  	p0 =	seq.s32 s5, $0x0;
	s5 =	sld [smem:$0x3FB3]  }
0x2b: {  	s6 =	sld [smem:$0x3FB4]  }
0x2c: {  	s7 =	sld [smem:$0x3FB5]  }
0x2d: {  	s3 =	simm.s32 $0x108;
	s8 =	sld [smem:$0x3FB6]  }
0x2e: {  	s3 =	simm.s32 @!p0 $0x1082;
	s9 =	sld [smem:$0x3FB7]  }
0x2f: {  	lr =	sadd.s32 s0, s3;
	s0 =	sld [smem:$0x3FAE]  }
0x30: {  	s3 =	sld [smem:$0x3FB1]  }
0x31: {  	[smem:$0x3FBA] =	sst s10  }
0x32: {  	s10 =	sld [smem:$0x3FB8];
	_ =	sdelay $0x3  }
0x33: {  	p0 =	seq.s32 s10, $0x1;
	s10 =	sld [smem:$0x3FBA];
	_ =	sdelay $0x3  }
0x34: {  	[smem:$0x3FBA] =	sst s10  }
0x35: {  	s10 =	sld [smem:$0x3FB9];
	_ =	sdelay $0x3  }
0x36: {  	p1 =	seq.s32 s10, $0x1;
	s10 =	sld [smem:$0x3FBA];
	_ =	sdelay $0x3  }
0x37: {  	[smem:$0x3FBA] =	sst s10  }
0x38: {  	s10 =	sld [smem:$0x3FBB]  }
0x39: {  	_ = 	snop;
	(pc) =	sbr.ind lr, $3  }
0x3a: {  	_ = 	snop  }
0x3b: {  	_ = 	snop  }
0x3c: {  	p2 =	seq.s32 s10, $0x1;
	s10 =	sld [smem:$0x3FBA]  }
0x3d: {  	_ =	shalt  }
0x3e: {  	_ =	shalt  }
0x3f: {  	_ =	shalt  }
0x40: {  	_ =	shalt  }
0x41: {  	_ =	shalt  }
0x42: {  	_ =	shalt  }
0x43: {  	_ =	shalt  }
0x44: {  	_ =	shalt  }
0x45: {  	_ =	shalt  }
0x46: {  	_ =	shalt  }
0x47: {  	_ =	shalt  }
0x48: {  	_ =	shalt  }
0x49: {  	_ =	shalt  }
0x4a: {  	_ =	shalt  }
0x4b: {  	_ =	shalt  }
0x4c: {  	_ =	shalt  }
0x4d: {  	_ =	shalt  }
0x4e: {  	_ =	shalt  }
0x4f: {  	_ =	shalt  }
0x50: {  	_ =	shalt  }
0x51: {  	_ =	shalt  }
0x52: {  	_ =	shalt  }
0x53: {  	_ =	shalt  }
0x54: {  	_ =	shalt  }
0x55: {  	_ =	shalt  }
0x56: {  	_ =	shalt  }
0x57: {  	_ =	shalt  }
0x58: {  	_ =	shalt  }
0x59: {  	_ =	shalt  }
0x5a: {  	_ =	shalt  }
0x5b: {  	_ =	shalt  }
0x5c: {  	_ =	shalt  }
0x5d: {  	_ =	shalt  }
0x5e: {  	_ =	shalt  }
0x5f: {  	_ =	shalt  }
0x60: {  	_ =	shalt  }
0x61: {  	_ =	shalt  }
0x62: {  	_ =	shalt  }
0x63: {  	_ =	shalt  }
0x64: {  	_ =	shalt  }
0x65: {  	_ =	shalt  }
0x66: {  	_ =	shalt  }
0x67: {  	_ =	shalt  }
0x68: {  	_ =	shalt  }
0x69: {  	_ =	shalt  }
0x6a: {  	_ =	shalt  }
0x6b: {  	_ =	shalt  }
0x6c: {  	_ =	shalt  }
0x6d: {  	_ =	shalt  }
0x6e: {  	_ =	shalt  }
0x6f: {  	_ =	shalt  }
0x70: {  	_ =	shalt  }
0x71: {  	_ =	shalt  }
0x72: {  	_ =	shalt  }
0x73: {  	_ =	shalt  }
0x74: {  	_ =	shalt  }
0x75: {  	_ =	shalt  }
0x76: {  	_ =	shalt  }
0x77: {  	_ =	shalt  }
0x78: {  	_ =	shalt  }
0x79: {  	_ =	shalt  }
0x7a: {  	_ =	shalt  }
0x7b: {  	_ =	shalt  }
0x7c: {  	_ =	shalt  }
0x7d: {  	_ =	shalt  }
0x7e: {  	_ =	shalt  }
0x7f: {  	_ =	shalt  }
0x80: {  	_ =	shalt  }
0x81: {  	_ =	shalt  }
0x82: {  	_ =	shalt  }
0x83: {  	_ =	shalt  }
0x84: {  	_ =	shalt  }
0x85: {  	_ =	shalt  }
0x86: {  	_ =	shalt  }
0x87: {  	_ =	shalt  }
.Lfunc_end0:
.L_simem_size_0:
called_computation_lowered:
.L_overlay_start_0:
0x88: {  	s2 =	sld [smem:$0x3FD9]  }
0x89: {  	s3 =	sld [smem:$0x3FFE];
	_ =	sdelay $0x1  }
0x8a: {  	s1 =	srdreg.scid  }
0x8b: {  	s0 =	sand.u32 $0x1, s1  }
0x8c: {  	s17 =	sshll.u32 s0, $0xA;
	s2 =	sadd.s32 s3, s2  }
0x8d: {  	s2 =	sadd.s32 s2, s17  }
0x8e: {  	[smem:$0x3FC6] =	sst s2  }
0x8f: {  	_ = 	snop  }
0x90: {  	s2 =	sld [smem:$0x3FC8]  }
0x91: {  	s18 =	sld [smem:$0x3FD0];
	(tm) =	ssettm $0x1  }
0x92: {  	s4 =	sld [smem:$0x3FFB];
	_ =	sdelay $0x3  }
0x93: {  	_ =	strace s4  }
0x94: {  	s4 =	sld [smem:$0x3FFC];
	_ =	sdelay $0x3  }
0x95: {  	_ =	strace s4  }
0x96: {  	s4 =	sld [smem:$0x3FFD];
	_ =	sdelay $0x3  }
0x97: {  	_ =	strace s4  }
0x98: {  	_ =	strace $0x8FFFFFFF  }
0x99: {  	s19 =	sld [smem:$0x3FDB];
	_ =	sdelay $0x1  }
0x9a: {  	s5 =	simm.s32 $_scs_section_size  }
0x9b: {  	s6 =	simm.s32 $_size__tile_overlayer_lowered;
	s7 =	simm.s32 $_tile_overlayer_lowered  }
0x9c: {  	s22 =	simm.s32 $0x1BFF;
	s21 =	sshll.u32 s7, $0x1;
	s4 =	sadd.s32 s5, s19  }
0x9d: {  	s8 =	simm.s32 $0x0;
	s20 =	sshll.u32 s6, $0x1;
	s6 =	sadd.s32 s21, s4  }
0x9e: {  	[timem:s8], [sflag:s22] =	dma.local [hbm:s6], s20  }
0x9f: {  	_ =	swait.ge [sflag:s22], s20  }
0xa0: {  	s5 =	ssub.s32 $0x0, s20;
	[sflag:s22] =	ssyncset.done $0x0  }
0xa1: {  	[sflag:s22] =	ssyncadd.s32 s5;
	_ =	sdelay $0x1  }
0xa2: {  	s23 =	simm.s32 $0x1B8B  }
0xa3: {  	_ =	swait.ge [sflag:s23], $0x1  }
0xa4: {  	[sflag:s23] =	ssyncset.done $0x0  }
0xa5: {  	s25 =	simm.s32 $0x1B8E;
	s24 =	sld [smem:$0x3FFE];
	[sflag:s23] =	ssyncadd.s32 $0xFFFFFFFF  }
0xa6: {  	s26 =	simm.s32 $execute0_lowered;
	[smem:$0x3FD2] =	sst s25  }
0xa7: {  	s6 =	sshll.u32 s26, $0x1;
	_ =	strace $0x80000046;
	[dreg:$0x1] =	wrdreg $0xFFFFFFFF  }
0xa8: {  	s28 =	simm.s32 $_size_execute0_lowered;
	s4 =	sadd.s32 s4, s6;
	[dreg:$0x0] =	wrdreg $0x0  }
0xa9: {  	s6 =	sshll.u32 s28, $0x1;
	[dreg:$0x2] =	wrdreg s4  }
0xaa: {  	[dreg:$0x3] =	wrdreg s6  }
0xab: {  	[dreg:$0x4] =	wrdreg $0xC0  }
0xac: {  	_ =	task [dreg:s8], $0x5FFFF  }
0xad: {  	[dreg:$0x1] =	wrdreg $0xFFFFFFFF  }
0xae: {  	[dreg:$0x0] =	wrdreg $0x60  }
0xaf: {  	[dreg:$0x2] =	wrdreg s24  }
0xb0: {  	[dreg:$0x3] =	wrdreg s2  }
0xb1: {  	[dreg:$0x4] =	wrdreg s18  }
0xb2: {  	[dreg:$0x5] =	wrdreg $0x9  }
0xb3: {  	_ =	task.clear_ibuf [dreg:s8], $0x6FFFF;
	_ =	strace $0x90000046  }
0xb4: {  	s29 =	simm.s32 $0x9;
	_ =	strace $0x80000048  }
0xb5: {  	_ =	swait.ge [sflag:s29], $0x1  }
0xb6: {  	[sflag:s29] =	ssyncadd.s32 $0xFFFFFFFF  }
0xb7: {  	_ =	strace $0x90000048  }
0xb8: {  	_ =	sfence  }
0xb9: {  	s30 =	sld [smem:$0x0];
	_ =	sdelay $0x2  }
0xba: {  	s31 =	sshll.u32 s1, $0xD;
	s1 =	sshrl.u32 s1, $0x2  }
0xbb: {  	s3 =	sand.u32 $0x4000, s31;
	s1 =	sadd.s32 s1, s30  }
0xbc: {  	s0 =	sor.u32 s3, s0;
	s1 =	sshll.u32 s1, $0x11  }
0xbd: {  	s0 =	sor.u32 s1, s0  }
0xbe: {  	s0 =	sadd.s32 $0x8F2B, s0  }
0xbf: {  	[sflag:s0] =	ssyncadd.remote.s32 $0x1  }
0xc0: {  	_ =	sfence.sel $0xFFFF  }
0xc1: {  	[dreg:$0x0] =	wrdreg $0xFFFFFFFF;
	(pc) =	sbr.abs _section_cstart, $3  }
0xc2: {  	[dreg:$0x1] =	wrdreg $0xFFFFFFFF  }
0xc3: {  	_ =	task.clear_ibuf [dreg:s8], $0x2FFFF;
	_ =	strace $0x9FFFFFFF  }
0xc4: {  	(tm) =	ssettm $0x7FFFFFFF  }
0xc5: {  	_ =	shalt  }
tec
execute0_lowered:
.L_overlay_start_1:
0x0: {  	(tag) =	ssettag $0x1  }
0x1: {  	s0 =	srdreg.scid;
	s2 =	stileid.u32  }
0x2: {  	s1 =	rddreg [dreg:$0x0];
	s5 =	simm.s32 $0x0;
	s14 =	simm.s32 $0x50  }
0x3: {  	s20 =	simm.s32 $0xDC00;
	s22 =	simm.s32 $0x10400;
	s24 =	simm.s32 $0x12C00  }
0x4: {  	s25 =	simm.s32 $0x15400;
	s28 =	simm.s32 $0x17C00;
	s29 =	simm.s32 $0x2  }
0x5: {  	s30 =	simm.s32 $0x3;
	s31 =	simm.s32 $0x4;
	s17 =	simm.s32 $0x7  }
0x6: {  	s19 =	simm.s32 $0x8;
	s0 =	sand.u32 $0x1, s0;
	s3 =	sshll.u32 s2, $0x1  }
0x7: {  	s13 =	simm.s32 $0x0;
	s2 =	rddreg [dreg:$0x1];
	s4 =	sor.u32 s0, s3  }
0x8: {  	[smem:$0x7FF] =	sst s5;
	s0 =	ssub.s32 $0x2, s0;
	s4 =	smul.u32 $0x6400, s4  }
0x9: {  	s3 =	rddreg [dreg:$0x2];
	_ =	strace $0x80000047;
	s26 =	sshrl.u32 s0, $0x1  }
0xa: {  	s0 =	ssub.s32 s0, s26;
	s26 =	simm.s32 $0x1;
	s6 =	sshrl.u32 s4, $0x3  }
0xb: {  	s7 =	sor.u32 $0x50, s4;
	s8 =	sor.u32 $0xA0, s4;
	s9 =	sor.u32 $0xF0, s4  }
0xc: {  	s10 =	sor.u32 $0x140, s4;
	s0 =	smax.u32 s0, $0x1;
	s1 =	sadd.s32 s6, s1  }
0xd: {  	s11 =	sor.u32 $0x190, s4;
	[dreg:$0x5] =	wrdreg s0;
	s1 =	sadd.s32 $0x400, s1  }
0xe: {  	s0 =	simm.s32 $0x6;
	[dreg:$0x4] =	wrdreg s1;
	s1 =	simm.s32 $0x5  }
.LBB2_1:
0xf: {  	[dreg:$0x6] =	wrdreg s13  }
0x10: {  	s6 =	rddreg [dreg:$0x4];
	s12 =	simm.s32 $0x11  }
0x11: {  	[tilespmem:s5], [sflag:$0x11] =	stream.linear.gather [hbm4b:s6+s5], $0x6400, $0x38;
	[tilespmem:$0x1A400] =	vst v63  }
0x12: {  	_ =	swait.ge [sflag:s12], $0x6400  }
0x13: {  	[sflag:s12] =	ssyncset.done $0x0  }
0x14: {  	s13 =	simm.s32 $0x6400;
	[sflag:s12] =	ssyncadd.s32 $0xFFFF9C00  }
0x15: {  	[tilespmem:s13], [sflag:$0x1] =	stream.indirect.gather [hbm4b:s2+s14], $0x80, s5, s14, $0xb8;
	[tilespmem:$0x1A400] =	vst v63  }
0x16: {  	s15 =	simm.s32 $0x8C00  }
0x17: {  	[tilespmem:s15], [sflag:$0x2] =	stream.indirect.gather [hbm4b:s2+s14], $0x80, s14, s14, $0xb8;
	[tilespmem:$0x1A400] =	vst v63  }
0x18: {  	s16 =	simm.s32 $0xA0;
	s12 =	simm.s32 $0xB400  }
0x19: {  	[tilespmem:s12], [sflag:$0x3] =	stream.indirect.gather [hbm4b:s2+s14], $0x80, s16, s14, $0xb8;
	[tilespmem:$0x1A400] =	vst v63  }
0x1a: {  	s18 =	simm.s32 $0xF0  }
0x1b: {  	[tilespmem:s20], [sflag:$0x4] =	stream.indirect.gather [hbm4b:s2+s14], $0x80, s18, s14, $0xb8;
	[tilespmem:$0x1A400] =	vst v63  }
0x1c: {  	s21 =	simm.s32 $0x140  }
0x1d: {  	[tilespmem:s22], [sflag:$0x5] =	stream.indirect.gather [hbm4b:s2+s14], $0x80, s21, s14, $0xb8;
	[tilespmem:$0x1A400] =	vst v63  }
0x1e: {  	s23 =	simm.s32 $0x190;
	s13 =	simm.s32 $0x0  }
0x1f: {  	[tilespmem:s24], [sflag:$0x6] =	stream.indirect.gather [hbm4b:s2+s14], $0x80, s23, s14, $0xb8;
	[tilespmem:$0x1A400] =	vst v63  }
.LBB2_2:
0x20: {  	s12 =	sshll.u32 s13, $0x3;
	p0 =	seq.s32 s13, $0x0  }
0x21: {  	s21 =	sor.u32 $0x6, s12;
	s6 =	simm.s32 @!p0 $0xF  }
0x22: {  	_ =	swait.ge @!p0 [sflag:s6], $0x2800;
	s15 =	smul.u32 $0x140, s21  }
0x23: {  	[sflag:s6] =	ssyncset.done @!p0 $0x0  }
0x24: {  	[sflag:s6] =	ssyncadd.s32 @!p0 $0xFFFFD800;
	s23 =	sshra.s32 s15, $0x2  }
0x25: {  	[tilespmem:s25], [sflag:$0x7] =	stream.indirect.gather [hbm4b:s2+s14], $0x80, s23, s14, $0xb8;
	[tilespmem:$0x1A400] =	vst v63  }
0x26: {  	_ =	swait.ge [sflag:s26], $0x2800  }
0x27: {  	[sflag:s26] =	ssyncset.done $0x0  }
0x28: {  	s23 =	simm.s32 $0x0;
	[sflag:s26] =	ssyncadd.s32 $0xFFFFD800  }
0x29: {  	v0 =	vld [tilespmem:s23+$0x6400]  }
0x2a: {  	v1 =	vld [tilespmem:s23+$0x6410]  }
0x2b: {  	v2 =	vld [tilespmem:s23+$0x6420]  }
0x2c: {  	v3 =	vld [tilespmem:s23+$0x6430]  }
0x2d: {  	v4 =	vld [tilespmem:s23+$0x6440]  }
0x2e: {  	v5 =	vld [tilespmem:s23+$0x6450];
	v0 =	vmul.f32 $1.131370830e+01, v0  }
0x2f: {  	v6 =	vld [tilespmem:s23+$0x6460];
	v1 =	vmul.f32 $1.131370830e+01, v1  }
0x30: {  	v7 =	vld [tilespmem:s23+$0x6470];
	[tilespmem:s23+$0x6400] =	vst v0;
	v0 =	vmul.f32 $1.131370830e+01, v2  }
0x31: {  	v8 =	vld [tilespmem:s23+$0x6480];
	[tilespmem:s23+$0x6410] =	vst v1;
	v1 =	vmul.f32 $1.131370830e+01, v3  }
0x32: {  	v9 =	vld [tilespmem:s23+$0x6490];
	[tilespmem:s23+$0x6420] =	vst v0;
	v0 =	vmul.f32 $1.131370830e+01, v4  }
0x33: {  	v2 =	vmul.f32 $1.131370830e+01, v5;
	[tilespmem:s23+$0x6430] =	vst v1;
	v1 =	vld [tilespmem:s23+$0x64A0]  }
0x34: {  	v3 =	vmul.f32 $1.131370830e+01, v6;
	[tilespmem:s23+$0x6440] =	vst v0;
	v0 =	vld [tilespmem:s23+$0x64B0]  }
0x35: {  	[tilespmem:s23+$0x6450] =	vst v2;
	v2 =	vld [tilespmem:s23+$0x64C0];
	v4 =	vmul.f32 $1.131370830e+01, v7  }
0x36: {  	v6 =	vmul.f32 $1.131370830e+01, v8;
	[tilespmem:s23+$0x6460] =	vst v3;
	v3 =	vld [tilespmem:s23+$0x64D0]  }
0x37: {  	s6 =	simm.s32 $0x400;
	v5 =	vmul.f32 $1.131370830e+01, v9;
	[tilespmem:s23+$0x6470] =	vst v4;
	v4 =	vld [tilespmem:s23+$0x64E0]  }
.LBB2_3:
0x38: {  	s15 =	sshra.s32 s6, $0x2;
	p1 =	sne.s32 s6, $0x9C00;
	[tilespmem:s23+$0x6480] =	vst v6;
	v1 =	vmul.f32 $1.131370830e+01, v1;
	v6 =	vld [tilespmem:s23+$0x64F0]  }
0x39: {  	v7 =	vld [tilespmem:s15+$0x6400];
	[tilespmem:s23+$0x6490] =	vst v5;
	v0 =	vmul.f32 $1.131370830e+01, v0  }
0x3a: {  	v5 =	vld [tilespmem:s15+$0x6410];
	[tilespmem:s23+$0x64A0] =	vst v1;
	v1 =	vmul.f32 $1.131370830e+01, v2  }
0x3b: {  	v2 =	vld [tilespmem:s15+$0x6420];
	[tilespmem:s23+$0x64B0] =	vst v0;
	v0 =	vmul.f32 $1.131370830e+01, v3  }
0x3c: {  	v3 =	vld [tilespmem:s15+$0x6430];
	[tilespmem:s23+$0x64C0] =	vst v1;
	v1 =	vmul.f32 $1.131370830e+01, v4  }
0x3d: {  	v4 =	vld [tilespmem:s15+$0x6440];
	[tilespmem:s23+$0x64D0] =	vst v0;
	v0 =	vmul.f32 $1.131370830e+01, v6  }
0x3e: {  	v6 =	vmul.f32 $1.131370830e+01, v7;
	v7 =	vld [tilespmem:s15+$0x6450];
	[tilespmem:s23+$0x64E0] =	vst v1  }
0x3f: {  	v1 =	vmul.f32 $1.131370830e+01, v5;
	v5 =	vld [tilespmem:s15+$0x6460];
	[tilespmem:s23+$0x64F0] =	vst v0;
	s23 =	smov.u32 s15  }
0x40: {  	[tilespmem:s23+$0x6400] =	vst v6;
	v0 =	vmul.f32 $1.131370830e+01, v2;
	v2 =	vld [tilespmem:s23+$0x6470]  }
0x41: {  	[tilespmem:s23+$0x6410] =	vst v1;
	v1 =	vmul.f32 $1.131370830e+01, v3;
	v3 =	vld [tilespmem:s23+$0x6480]  }
0x42: {  	[tilespmem:s23+$0x6420] =	vst v0;
	v0 =	vmul.f32 $1.131370830e+01, v4;
	v4 =	vld [tilespmem:s23+$0x6490]  }
.Ltmp0:
0x43: {  	[tilespmem:s23+$0x6430] =	vst v1;
	v6 =	vmul.f32 $1.131370830e+01, v7;
	v1 =	vld [tilespmem:s23+$0x64A0];
	(pc) =	sbr.rel @p1 .LBB2_3-.Ltmp0, $4  }
0x44: {  	[tilespmem:s23+$0x6440] =	vst v0;
	v5 =	vmul.f32 $1.131370830e+01, v5;
	v0 =	vld [tilespmem:s23+$0x64B0]  }
0x45: {  	[tilespmem:s23+$0x6450] =	vst v6;
	v7 =	vmul.f32 $1.131370830e+01, v2;
	v2 =	vld [tilespmem:s23+$0x64C0]  }
0x46: {  	[tilespmem:s23+$0x6460] =	vst v5;
	v6 =	vmul.f32 $1.131370830e+01, v3;
	v3 =	vld [tilespmem:s23+$0x64D0]  }
0x47: {  	s6 =	sadd.s32 $0x400, s6;
	[tilespmem:s23+$0x6470] =	vst v7;
	v5 =	vmul.f32 $1.131370830e+01, v4;
	v4 =	vld [tilespmem:s23+$0x64E0]  }
0x48: {  	[tilespmem:s23+$0x6480] =	vst v6;
	v1 =	vmul.f32 $1.131370830e+01, v1;
	v6 =	vld [tilespmem:s23+$0x64F0]  }
0x49: {  	[tilespmem:s23+$0x6490] =	vst v5;
	v0 =	vmul.f32 $1.131370830e+01, v0  }
0x4a: {  	[tilespmem:s23+$0x64A0] =	vst v1;
	v1 =	vmul.f32 $1.131370830e+01, v2  }
0x4b: {  	s6 =	smul.u32 $0x280, s13;
	[tilespmem:s23+$0x64B0] =	vst v0;
	v0 =	vmul.f32 $1.131370830e+01, v3  }
0x4c: {  	[tilespmem:s23+$0x64C0] =	vst v1;
	v1 =	vmul.f32 $1.131370830e+01, v4  }
0x4d: {  	s15 =	sadd.s32 s4, s6;
	[tilespmem:s23+$0x64D0] =	vst v0;
	v0 =	vmul.f32 $1.131370830e+01, v6  }
0x4e: {  	s16 =	simm.s32 $0x6400;
	s15 =	sshll.u32 s15, $0x4;
	[tilespmem:s23+$0x64E0] =	vst v1  }
0x4f: {  	s15 =	sadd.s32 s3, s15;
	[tilespmem:s23+$0x64F0] =	vst v0;
	s23 =	sor.u32 $0x7, s12;
	s12 =	simm.s32 @!p0 $0x10  }
0x50: {  	[hbm4b:s15+s5] =	stream.linear.scatter [tilespmem:s16], [sflag:$0x9], $0x2800, $0x38;
	[tilespmem:$0x1A400] =	vst v63  }
0x51: {  	s16 =	smul.u32 $0x140, s23;
	_ =	swait.ge @!p0 [sflag:s12], $0x2800  }
0x52: {  	[sflag:s12] =	ssyncset.done @!p0 $0x0  }
0x53: {  	s18 =	sshra.s32 s16, $0x2;
	[sflag:s12] =	ssyncadd.s32 @!p0 $0xFFFFD800  }
0x54: {  	[tilespmem:s28], [sflag:$0x8] =	stream.indirect.gather [hbm4b:s2+s14], $0x80, s18, s14, $0xb8;
	[tilespmem:$0x1A400] =	vst v63  }
0x55: {  	_ =	swait.ge [sflag:s29], $0x2800  }
0x56: {  	[sflag:s29] =	ssyncset.done $0x0  }
0x57: {  	s12 =	simm.s32 $0x0;
	[sflag:s29] =	ssyncadd.s32 $0xFFFFD800  }
0x58: {  	v0 =	vld [tilespmem:s12+$0x8C00]  }
0x59: {  	v1 =	vld [tilespmem:s12+$0x8C10]  }
0x5a: {  	v2 =	vld [tilespmem:s12+$0x8C20]  }
0x5b: {  	v3 =	vld [tilespmem:s12+$0x8C30]  }
0x5c: {  	v4 =	vld [tilespmem:s12+$0x8C40]  }
0x5d: {  	v5 =	vld [tilespmem:s12+$0x8C50];
	v0 =	vmul.f32 $1.131370830e+01, v0  }
0x5e: {  	v6 =	vld [tilespmem:s12+$0x8C60];
	v1 =	vmul.f32 $1.131370830e+01, v1  }
0x5f: {  	v7 =	vld [tilespmem:s12+$0x8C70];
	[tilespmem:s12+$0x8C00] =	vst v0;
	v0 =	vmul.f32 $1.131370830e+01, v2  }
0x60: {  	v8 =	vld [tilespmem:s12+$0x8C80];
	[tilespmem:s12+$0x8C10] =	vst v1;
	v1 =	vmul.f32 $1.131370830e+01, v3  }
0x61: {  	v9 =	vld [tilespmem:s12+$0x8C90];
	[tilespmem:s12+$0x8C20] =	vst v0;
	v0 =	vmul.f32 $1.131370830e+01, v4  }
0x62: {  	v2 =	vmul.f32 $1.131370830e+01, v5;
	[tilespmem:s12+$0x8C30] =	vst v1;
	v1 =	vld [tilespmem:s12+$0x8CA0]  }
0x63: {  	v3 =	vmul.f32 $1.131370830e+01, v6;
	[tilespmem:s12+$0x8C40] =	vst v0;
	v0 =	vld [tilespmem:s12+$0x8CB0]  }
0x64: {  	[tilespmem:s12+$0x8C50] =	vst v2;
	v2 =	vld [tilespmem:s12+$0x8CC0];
	v4 =	vmul.f32 $1.131370830e+01, v7  }
0x65: {  	v6 =	vmul.f32 $1.131370830e+01, v8;
	[tilespmem:s12+$0x8C60] =	vst v3;
	v3 =	vld [tilespmem:s12+$0x8CD0]  }
0x66: {  	s15 =	simm.s32 $0x400;
	v5 =	vmul.f32 $1.131370830e+01, v9;
	[tilespmem:s12+$0x8C70] =	vst v4;
	v4 =	vld [tilespmem:s12+$0x8CE0]  }
.LBB2_5:
0x67: {  	s16 =	sshra.s32 s15, $0x2;
	p0 =	sne.s32 s15, $0x9C00;
	[tilespmem:s12+$0x8C80] =	vst v6;
	v1 =	vmul.f32 $1.131370830e+01, v1;
	v6 =	vld [tilespmem:s12+$0x8CF0]  }
0x68: {  	v7 =	vld [tilespmem:s16+$0x8C00];
	[tilespmem:s12+$0x8C90] =	vst v5;
	v0 =	vmul.f32 $1.131370830e+01, v0  }
0x69: {  	v5 =	vld [tilespmem:s16+$0x8C10];
	[tilespmem:s12+$0x8CA0] =	vst v1;
	v1 =	vmul.f32 $1.131370830e+01, v2  }
0x6a: {  	v2 =	vld [tilespmem:s16+$0x8C20];
	[tilespmem:s12+$0x8CB0] =	vst v0;
	v0 =	vmul.f32 $1.131370830e+01, v3  }
0x6b: {  	v3 =	vld [tilespmem:s16+$0x8C30];
	[tilespmem:s12+$0x8CC0] =	vst v1;
	v1 =	vmul.f32 $1.131370830e+01, v4  }
0x6c: {  	v4 =	vld [tilespmem:s16+$0x8C40];
	[tilespmem:s12+$0x8CD0] =	vst v0;
	v0 =	vmul.f32 $1.131370830e+01, v6  }
0x6d: {  	v6 =	vmul.f32 $1.131370830e+01, v7;
	v7 =	vld [tilespmem:s16+$0x8C50];
	[tilespmem:s12+$0x8CE0] =	vst v1  }
0x6e: {  	v1 =	vmul.f32 $1.131370830e+01, v5;
	v5 =	vld [tilespmem:s16+$0x8C60];
	[tilespmem:s12+$0x8CF0] =	vst v0;
	s12 =	smov.u32 s16  }
0x6f: {  	[tilespmem:s12+$0x8C00] =	vst v6;
	v0 =	vmul.f32 $1.131370830e+01, v2;
	v2 =	vld [tilespmem:s12+$0x8C70]  }
0x70: {  	[tilespmem:s12+$0x8C10] =	vst v1;
	v1 =	vmul.f32 $1.131370830e+01, v3;
	v3 =	vld [tilespmem:s12+$0x8C80]  }
0x71: {  	[tilespmem:s12+$0x8C20] =	vst v0;
	v0 =	vmul.f32 $1.131370830e+01, v4;
	v4 =	vld [tilespmem:s12+$0x8C90]  }
.Ltmp1:
0x72: {  	[tilespmem:s12+$0x8C30] =	vst v1;
	v6 =	vmul.f32 $1.131370830e+01, v7;
	v1 =	vld [tilespmem:s12+$0x8CA0];
	(pc) =	sbr.rel @p0 .LBB2_5-.Ltmp1, $4  }
0x73: {  	[tilespmem:s12+$0x8C40] =	vst v0;
	v5 =	vmul.f32 $1.131370830e+01, v5;
	v0 =	vld [tilespmem:s12+$0x8CB0]  }
0x74: {  	[tilespmem:s12+$0x8C50] =	vst v6;
	v7 =	vmul.f32 $1.131370830e+01, v2;
	v2 =	vld [tilespmem:s12+$0x8CC0]  }
0x75: {  	[tilespmem:s12+$0x8C60] =	vst v5;
	v6 =	vmul.f32 $1.131370830e+01, v3;
	v3 =	vld [tilespmem:s12+$0x8CD0]  }
0x76: {  	s15 =	sadd.s32 $0x400, s15;
	[tilespmem:s12+$0x8C70] =	vst v7;
	v5 =	vmul.f32 $1.131370830e+01, v4;
	v4 =	vld [tilespmem:s12+$0x8CE0]  }
0x77: {  	[tilespmem:s12+$0x8C80] =	vst v6;
	v1 =	vmul.f32 $1.131370830e+01, v1;
	v6 =	vld [tilespmem:s12+$0x8CF0]  }
0x78: {  	[tilespmem:s12+$0x8C90] =	vst v5;
	v0 =	vmul.f32 $1.131370830e+01, v0  }
0x79: {  	[tilespmem:s12+$0x8CA0] =	vst v1;
	v1 =	vmul.f32 $1.131370830e+01, v2  }
0x7a: {  	[tilespmem:s12+$0x8CB0] =	vst v0;
	v0 =	vmul.f32 $1.131370830e+01, v3  }
0x7b: {  	[tilespmem:s12+$0x8CC0] =	vst v1;
	v1 =	vmul.f32 $1.131370830e+01, v4  }
0x7c: {  	s15 =	sadd.s32 s6, s7;
	[tilespmem:s12+$0x8CD0] =	vst v0;
	v0 =	vmul.f32 $1.131370830e+01, v6  }
0x7d: {  	p0 =	seq.s32 s13, $0x27;
	s15 =	sshll.u32 s15, $0x4;
	[tilespmem:s12+$0x8CE0] =	vst v1  }
0x7e: {  	s18 =	simm.s32 $0x8C00;
	s16 =	sadd.s32 s3, s15;
	[tilespmem:s12+$0x8CF0] =	vst v0;
	s12 =	simm.s32 @!p0 $0x9  }
0x7f: {  	[hbm4b:s16+s5] =	stream.linear.scatter [tilespmem:s18], [sflag:$0xA], $0x2800, $0x38;
	[tilespmem:$0x1A400] =	vst v63  }
0x80: {  	s15 =	smul.u32 @!p0 $0xA00, s13;
	_ =	swait.ge @!p0 [sflag:s12], $0x2800  }
0x81: {  	[sflag:s12] =	ssyncset.done @!p0 $0x0  }
0x82: {  	[sflag:s12] =	ssyncadd.s32 @!p0 $0xFFFFD800;
	s12 =	sshra.s32 @!p0 s15, $0x2  }
0x83: {  	s16 =	simm.s32 @!p0 $0x50;
	s18 =	simm.s32 @!p0 $0x6400;
	s15 =	sadd.s32 @!p0 $0x280, s12  }
0x84: {  	[tilespmem:s18], [sflag:$0x1] =	stream.indirect.gather @!p0 [hbm4b:s2+s16], $0x80, s15, s16, $0xb8;
	[tilespmem:$0x1A400] =	vst v63  }
0x85: {  	_ =	swait.ge [sflag:s30], $0x2800  }
0x86: {  	[sflag:s30] =	ssyncset.done $0x0  }
0x87: {  	s15 =	simm.s32 $0x0;
	[sflag:s30] =	ssyncadd.s32 $0xFFFFD800  }
0x88: {  	v0 =	vld [tilespmem:s15+$0xB400]  }
0x89: {  	v1 =	vld [tilespmem:s15+$0xB410]  }
0x8a: {  	v2 =	vld [tilespmem:s15+$0xB420]  }
0x8b: {  	v3 =	vld [tilespmem:s15+$0xB430]  }
0x8c: {  	v4 =	vld [tilespmem:s15+$0xB440]  }
0x8d: {  	v5 =	vld [tilespmem:s15+$0xB450];
	v0 =	vmul.f32 $1.131370830e+01, v0  }
0x8e: {  	v6 =	vld [tilespmem:s15+$0xB460];
	v1 =	vmul.f32 $1.131370830e+01, v1  }
0x8f: {  	v7 =	vld [tilespmem:s15+$0xB470];
	[tilespmem:s15+$0xB400] =	vst v0;
	v0 =	vmul.f32 $1.131370830e+01, v2  }
0x90: {  	v8 =	vld [tilespmem:s15+$0xB480];
	[tilespmem:s15+$0xB410] =	vst v1;
	v1 =	vmul.f32 $1.131370830e+01, v3  }
0x91: {  	v9 =	vld [tilespmem:s15+$0xB490];
	[tilespmem:s15+$0xB420] =	vst v0;
	v0 =	vmul.f32 $1.131370830e+01, v4  }
0x92: {  	v2 =	vmul.f32 $1.131370830e+01, v5;
	[tilespmem:s15+$0xB430] =	vst v1;
	v1 =	vld [tilespmem:s15+$0xB4A0]  }
0x93: {  	v3 =	vmul.f32 $1.131370830e+01, v6;
	[tilespmem:s15+$0xB440] =	vst v0;
	v0 =	vld [tilespmem:s15+$0xB4B0]  }
0x94: {  	[tilespmem:s15+$0xB450] =	vst v2;
	v2 =	vld [tilespmem:s15+$0xB4C0];
	v4 =	vmul.f32 $1.131370830e+01, v7  }
0x95: {  	v6 =	vmul.f32 $1.131370830e+01, v8;
	[tilespmem:s15+$0xB460] =	vst v3;
	v3 =	vld [tilespmem:s15+$0xB4D0]  }
0x96: {  	s16 =	simm.s32 $0x400;
	v5 =	vmul.f32 $1.131370830e+01, v9;
	[tilespmem:s15+$0xB470] =	vst v4;
	v4 =	vld [tilespmem:s15+$0xB4E0]  }
.LBB2_7:
0x97: {  	s18 =	sshra.s32 s16, $0x2;
	p1 =	sne.s32 s16, $0x9C00;
	[tilespmem:s15+$0xB480] =	vst v6;
	v1 =	vmul.f32 $1.131370830e+01, v1;
	v6 =	vld [tilespmem:s15+$0xB4F0]  }
0x98: {  	v7 =	vld [tilespmem:s18+$0xB400];
	[tilespmem:s15+$0xB490] =	vst v5;
	v0 =	vmul.f32 $1.131370830e+01, v0  }
0x99: {  	v5 =	vld [tilespmem:s18+$0xB410];
	[tilespmem:s15+$0xB4A0] =	vst v1;
	v1 =	vmul.f32 $1.131370830e+01, v2  }
0x9a: {  	v2 =	vld [tilespmem:s18+$0xB420];
	[tilespmem:s15+$0xB4B0] =	vst v0;
	v0 =	vmul.f32 $1.131370830e+01, v3  }
0x9b: {  	v3 =	vld [tilespmem:s18+$0xB430];
	[tilespmem:s15+$0xB4C0] =	vst v1;
	v1 =	vmul.f32 $1.131370830e+01, v4  }
0x9c: {  	v4 =	vld [tilespmem:s18+$0xB440];
	[tilespmem:s15+$0xB4D0] =	vst v0;
	v0 =	vmul.f32 $1.131370830e+01, v6  }
0x9d: {  	v6 =	vmul.f32 $1.131370830e+01, v7;
	v7 =	vld [tilespmem:s18+$0xB450];
	[tilespmem:s15+$0xB4E0] =	vst v1  }
0x9e: {  	v1 =	vmul.f32 $1.131370830e+01, v5;
	v5 =	vld [tilespmem:s18+$0xB460];
	[tilespmem:s15+$0xB4F0] =	vst v0;
	s15 =	smov.u32 s18  }
0x9f: {  	[tilespmem:s15+$0xB400] =	vst v6;
	v0 =	vmul.f32 $1.131370830e+01, v2;
	v2 =	vld [tilespmem:s15+$0xB470]  }
0xa0: {  	[tilespmem:s15+$0xB410] =	vst v1;
	v1 =	vmul.f32 $1.131370830e+01, v3;
	v3 =	vld [tilespmem:s15+$0xB480]  }
0xa1: {  	[tilespmem:s15+$0xB420] =	vst v0;
	v0 =	vmul.f32 $1.131370830e+01, v4;
	v4 =	vld [tilespmem:s15+$0xB490]  }
.Ltmp2:
0xa2: {  	[tilespmem:s15+$0xB430] =	vst v1;
	v6 =	vmul.f32 $1.131370830e+01, v7;
	v1 =	vld [tilespmem:s15+$0xB4A0];
	(pc) =	sbr.rel @p1 .LBB2_7-.Ltmp2, $4  }
0xa3: {  	[tilespmem:s15+$0xB440] =	vst v0;
	v5 =	vmul.f32 $1.131370830e+01, v5;
	v0 =	vld [tilespmem:s15+$0xB4B0]  }
0xa4: {  	[tilespmem:s15+$0xB450] =	vst v6;
	v7 =	vmul.f32 $1.131370830e+01, v2;
	v2 =	vld [tilespmem:s15+$0xB4C0]  }
0xa5: {  	[tilespmem:s15+$0xB460] =	vst v5;
	v6 =	vmul.f32 $1.131370830e+01, v3;
	v3 =	vld [tilespmem:s15+$0xB4D0]  }
0xa6: {  	s16 =	sadd.s32 $0x400, s16;
	[tilespmem:s15+$0xB470] =	vst v7;
	v5 =	vmul.f32 $1.131370830e+01, v4;
	v4 =	vld [tilespmem:s15+$0xB4E0]  }
0xa7: {  	[tilespmem:s15+$0xB480] =	vst v6;
	v1 =	vmul.f32 $1.131370830e+01, v1;
	v6 =	vld [tilespmem:s15+$0xB4F0]  }
0xa8: {  	[tilespmem:s15+$0xB490] =	vst v5;
	v0 =	vmul.f32 $1.131370830e+01, v0  }
0xa9: {  	[tilespmem:s15+$0xB4A0] =	vst v1;
	v1 =	vmul.f32 $1.131370830e+01, v2  }
0xaa: {  	[tilespmem:s15+$0xB4B0] =	vst v0;
	v0 =	vmul.f32 $1.131370830e+01, v3  }
0xab: {  	[tilespmem:s15+$0xB4C0] =	vst v1;
	v1 =	vmul.f32 $1.131370830e+01, v4  }
0xac: {  	s16 =	sadd.s32 s6, s8;
	[tilespmem:s15+$0xB4D0] =	vst v0;
	v0 =	vmul.f32 $1.131370830e+01, v6  }
0xad: {  	s16 =	sshll.u32 s16, $0x4;
	[tilespmem:s15+$0xB4E0] =	vst v1  }
0xae: {  	s18 =	simm.s32 $0xB400;
	s16 =	sadd.s32 s3, s16;
	[tilespmem:s15+$0xB4F0] =	vst v0;
	s15 =	simm.s32 @!p0 $0xA  }
0xaf: {  	[hbm4b:s16+s5] =	stream.linear.scatter [tilespmem:s18], [sflag:$0xB], $0x2800, $0x38;
	[tilespmem:$0x1A400] =	vst v63  }
0xb0: {  	_ =	swait.ge @!p0 [sflag:s15], $0x2800  }
0xb1: {  	s16 =	simm.s32 @!p0 $0x50;
	[sflag:s15] =	ssyncset.done @!p0 $0x0  }
0xb2: {  	s18 =	simm.s32 @!p0 $0x8C00;
	[sflag:s15] =	ssyncadd.s32 @!p0 $0xFFFFD800;
	s15 =	sadd.s32 @!p0 $0x2D0, s12  }
0xb3: {  	[tilespmem:s18], [sflag:$0x2] =	stream.indirect.gather @!p0 [hbm4b:s2+s16], $0x80, s15, s16, $0xb8;
	[tilespmem:$0x1A400] =	vst v63  }
0xb4: {  	_ =	swait.ge [sflag:s31], $0x2800  }
0xb5: {  	[sflag:s31] =	ssyncset.done $0x0  }
0xb6: {  	s15 =	simm.s32 $0x0;
	[sflag:s31] =	ssyncadd.s32 $0xFFFFD800  }
0xb7: {  	v0 =	vld [tilespmem:s15+$0xDC00]  }
0xb8: {  	v1 =	vld [tilespmem:s15+$0xDC10]  }
0xb9: {  	v2 =	vld [tilespmem:s15+$0xDC20]  }
0xba: {  	v3 =	vld [tilespmem:s15+$0xDC30]  }
0xbb: {  	v4 =	vld [tilespmem:s15+$0xDC40]  }
0xbc: {  	v5 =	vld [tilespmem:s15+$0xDC50];
	v0 =	vmul.f32 $1.131370830e+01, v0  }
0xbd: {  	v6 =	vld [tilespmem:s15+$0xDC60];
	v1 =	vmul.f32 $1.131370830e+01, v1  }
0xbe: {  	v7 =	vld [tilespmem:s15+$0xDC70];
	[tilespmem:s15+$0xDC00] =	vst v0;
	v0 =	vmul.f32 $1.131370830e+01, v2  }
0xbf: {  	v8 =	vld [tilespmem:s15+$0xDC80];
	[tilespmem:s15+$0xDC10] =	vst v1;
	v1 =	vmul.f32 $1.131370830e+01, v3  }
0xc0: {  	v9 =	vld [tilespmem:s15+$0xDC90];
	[tilespmem:s15+$0xDC20] =	vst v0;
	v0 =	vmul.f32 $1.131370830e+01, v4  }
0xc1: {  	v2 =	vmul.f32 $1.131370830e+01, v5;
	[tilespmem:s15+$0xDC30] =	vst v1;
	v1 =	vld [tilespmem:s15+$0xDCA0]  }
0xc2: {  	v3 =	vmul.f32 $1.131370830e+01, v6;
	[tilespmem:s15+$0xDC40] =	vst v0;
	v0 =	vld [tilespmem:s15+$0xDCB0]  }
0xc3: {  	[tilespmem:s15+$0xDC50] =	vst v2;
	v2 =	vld [tilespmem:s15+$0xDCC0];
	v4 =	vmul.f32 $1.131370830e+01, v7  }
0xc4: {  	v6 =	vmul.f32 $1.131370830e+01, v8;
	[tilespmem:s15+$0xDC60] =	vst v3;
	v3 =	vld [tilespmem:s15+$0xDCD0]  }
0xc5: {  	s16 =	simm.s32 $0x400;
	v5 =	vmul.f32 $1.131370830e+01, v9;
	[tilespmem:s15+$0xDC70] =	vst v4;
	v4 =	vld [tilespmem:s15+$0xDCE0]  }
.LBB2_9:
0xc6: {  	s18 =	sshra.s32 s16, $0x2;
	p1 =	sne.s32 s16, $0x9C00;
	[tilespmem:s15+$0xDC80] =	vst v6;
	v1 =	vmul.f32 $1.131370830e+01, v1;
	v6 =	vld [tilespmem:s15+$0xDCF0]  }
0xc7: {  	v7 =	vld [tilespmem:s18+$0xDC00];
	[tilespmem:s15+$0xDC90] =	vst v5;
	v0 =	vmul.f32 $1.131370830e+01, v0  }
0xc8: {  	v5 =	vld [tilespmem:s18+$0xDC10];
	[tilespmem:s15+$0xDCA0] =	vst v1;
	v1 =	vmul.f32 $1.131370830e+01, v2  }
0xc9: {  	v2 =	vld [tilespmem:s18+$0xDC20];
	[tilespmem:s15+$0xDCB0] =	vst v0;
	v0 =	vmul.f32 $1.131370830e+01, v3  }
0xca: {  	v3 =	vld [tilespmem:s18+$0xDC30];
	[tilespmem:s15+$0xDCC0] =	vst v1;
	v1 =	vmul.f32 $1.131370830e+01, v4  }
0xcb: {  	v4 =	vld [tilespmem:s18+$0xDC40];
	[tilespmem:s15+$0xDCD0] =	vst v0;
	v0 =	vmul.f32 $1.131370830e+01, v6  }
0xcc: {  	v6 =	vmul.f32 $1.131370830e+01, v7;
	v7 =	vld [tilespmem:s18+$0xDC50];
	[tilespmem:s15+$0xDCE0] =	vst v1  }
0xcd: {  	v1 =	vmul.f32 $1.131370830e+01, v5;
	v5 =	vld [tilespmem:s18+$0xDC60];
	[tilespmem:s15+$0xDCF0] =	vst v0;
	s15 =	smov.u32 s18  }
0xce: {  	[tilespmem:s15+$0xDC00] =	vst v6;
	v0 =	vmul.f32 $1.131370830e+01, v2;
	v2 =	vld [tilespmem:s15+$0xDC70]  }
0xcf: {  	[tilespmem:s15+$0xDC10] =	vst v1;
	v1 =	vmul.f32 $1.131370830e+01, v3;
	v3 =	vld [tilespmem:s15+$0xDC80]  }
0xd0: {  	[tilespmem:s15+$0xDC20] =	vst v0;
	v0 =	vmul.f32 $1.131370830e+01, v4;
	v4 =	vld [tilespmem:s15+$0xDC90]  }
.Ltmp3:
0xd1: {  	[tilespmem:s15+$0xDC30] =	vst v1;
	v6 =	vmul.f32 $1.131370830e+01, v7;
	v1 =	vld [tilespmem:s15+$0xDCA0];
	(pc) =	sbr.rel @p1 .LBB2_9-.Ltmp3, $4  }
0xd2: {  	[tilespmem:s15+$0xDC40] =	vst v0;
	v5 =	vmul.f32 $1.131370830e+01, v5;
	v0 =	vld [tilespmem:s15+$0xDCB0]  }
0xd3: {  	[tilespmem:s15+$0xDC50] =	vst v6;
	v7 =	vmul.f32 $1.131370830e+01, v2;
	v2 =	vld [tilespmem:s15+$0xDCC0]  }
0xd4: {  	[tilespmem:s15+$0xDC60] =	vst v5;
	v6 =	vmul.f32 $1.131370830e+01, v3;
	v3 =	vld [tilespmem:s15+$0xDCD0]  }
0xd5: {  	s16 =	sadd.s32 $0x400, s16;
	[tilespmem:s15+$0xDC70] =	vst v7;
	v5 =	vmul.f32 $1.131370830e+01, v4;
	v4 =	vld [tilespmem:s15+$0xDCE0]  }
0xd6: {  	[tilespmem:s15+$0xDC80] =	vst v6;
	v1 =	vmul.f32 $1.131370830e+01, v1;
	v6 =	vld [tilespmem:s15+$0xDCF0]  }
0xd7: {  	[tilespmem:s15+$0xDC90] =	vst v5;
	v0 =	vmul.f32 $1.131370830e+01, v0  }
0xd8: {  	[tilespmem:s15+$0xDCA0] =	vst v1;
	v1 =	vmul.f32 $1.131370830e+01, v2  }
0xd9: {  	[tilespmem:s15+$0xDCB0] =	vst v0;
	v0 =	vmul.f32 $1.131370830e+01, v3  }
0xda: {  	[tilespmem:s15+$0xDCC0] =	vst v1;
	v1 =	vmul.f32 $1.131370830e+01, v4  }
0xdb: {  	s16 =	sadd.s32 s6, s9;
	[tilespmem:s15+$0xDCD0] =	vst v0;
	v0 =	vmul.f32 $1.131370830e+01, v6  }
0xdc: {  	s16 =	sshll.u32 s16, $0x4;
	[tilespmem:s15+$0xDCE0] =	vst v1  }
0xdd: {  	s18 =	sadd.s32 s3, s16;
	[tilespmem:s15+$0xDCF0] =	vst v0;
	s15 =	simm.s32 @!p0 $0xB  }
0xde: {  	[hbm4b:s18+s5] =	stream.linear.scatter [tilespmem:s20], [sflag:$0xC], $0x2800, $0x38;
	[tilespmem:$0x1A400] =	vst v63  }
0xdf: {  	_ =	swait.ge @!p0 [sflag:s15], $0x2800  }
0xe0: {  	s16 =	simm.s32 @!p0 $0x50;
	[sflag:s15] =	ssyncset.done @!p0 $0x0  }
0xe1: {  	s18 =	simm.s32 @!p0 $0xB400;
	[sflag:s15] =	ssyncadd.s32 @!p0 $0xFFFFD800;
	s15 =	sadd.s32 @!p0 $0x320, s12  }
0xe2: {  	[tilespmem:s18], [sflag:$0x3] =	stream.indirect.gather @!p0 [hbm4b:s2+s16], $0x80, s15, s16, $0xb8;
	[tilespmem:$0x1A400] =	vst v63  }
0xe3: {  	_ =	swait.ge [sflag:s1], $0x2800  }
0xe4: {  	[sflag:s1] =	ssyncset.done $0x0  }
0xe5: {  	s15 =	simm.s32 $0x0;
	[sflag:s1] =	ssyncadd.s32 $0xFFFFD800  }
0xe6: {  	v0 =	vld [tilespmem:s15+$0x10400]  }
0xe7: {  	v1 =	vld [tilespmem:s15+$0x10410]  }
0xe8: {  	v2 =	vld [tilespmem:s15+$0x10420]  }
0xe9: {  	v3 =	vld [tilespmem:s15+$0x10430]  }
0xea: {  	v4 =	vld [tilespmem:s15+$0x10440]  }
0xeb: {  	v5 =	vld [tilespmem:s15+$0x10450];
	v0 =	vmul.f32 $1.131370830e+01, v0  }
0xec: {  	v6 =	vld [tilespmem:s15+$0x10460];
	v1 =	vmul.f32 $1.131370830e+01, v1  }
0xed: {  	v7 =	vld [tilespmem:s15+$0x10470];
	[tilespmem:s15+$0x10400] =	vst v0;
	v0 =	vmul.f32 $1.131370830e+01, v2  }
0xee: {  	v8 =	vld [tilespmem:s15+$0x10480];
	[tilespmem:s15+$0x10410] =	vst v1;
	v1 =	vmul.f32 $1.131370830e+01, v3  }
0xef: {  	v9 =	vld [tilespmem:s15+$0x10490];
	[tilespmem:s15+$0x10420] =	vst v0;
	v0 =	vmul.f32 $1.131370830e+01, v4  }
0xf0: {  	v2 =	vmul.f32 $1.131370830e+01, v5;
	[tilespmem:s15+$0x10430] =	vst v1;
	v1 =	vld [tilespmem:s15+$0x104A0]  }
0xf1: {  	v3 =	vmul.f32 $1.131370830e+01, v6;
	[tilespmem:s15+$0x10440] =	vst v0;
	v0 =	vld [tilespmem:s15+$0x104B0]  }
0xf2: {  	[tilespmem:s15+$0x10450] =	vst v2;
	v2 =	vld [tilespmem:s15+$0x104C0];
	v4 =	vmul.f32 $1.131370830e+01, v7  }
0xf3: {  	v6 =	vmul.f32 $1.131370830e+01, v8;
	[tilespmem:s15+$0x10460] =	vst v3;
	v3 =	vld [tilespmem:s15+$0x104D0]  }
0xf4: {  	s16 =	simm.s32 $0x400;
	v5 =	vmul.f32 $1.131370830e+01, v9;
	[tilespmem:s15+$0x10470] =	vst v4;
	v4 =	vld [tilespmem:s15+$0x104E0]  }
.LBB2_11:
0xf5: {  	s18 =	sshra.s32 s16, $0x2;
	p1 =	sne.s32 s16, $0x9C00;
	[tilespmem:s15+$0x10480] =	vst v6;
	v1 =	vmul.f32 $1.131370830e+01, v1;
	v6 =	vld [tilespmem:s15+$0x104F0]  }
0xf6: {  	v7 =	vld [tilespmem:s18+$0x10400];
	[tilespmem:s15+$0x10490] =	vst v5;
	v0 =	vmul.f32 $1.131370830e+01, v0  }
0xf7: {  	v5 =	vld [tilespmem:s18+$0x10410];
	[tilespmem:s15+$0x104A0] =	vst v1;
	v1 =	vmul.f32 $1.131370830e+01, v2  }
0xf8: {  	v2 =	vld [tilespmem:s18+$0x10420];
	[tilespmem:s15+$0x104B0] =	vst v0;
	v0 =	vmul.f32 $1.131370830e+01, v3  }
0xf9: {  	v3 =	vld [tilespmem:s18+$0x10430];
	[tilespmem:s15+$0x104C0] =	vst v1;
	v1 =	vmul.f32 $1.131370830e+01, v4  }
0xfa: {  	v4 =	vld [tilespmem:s18+$0x10440];
	[tilespmem:s15+$0x104D0] =	vst v0;
	v0 =	vmul.f32 $1.131370830e+01, v6  }
0xfb: {  	v6 =	vmul.f32 $1.131370830e+01, v7;
	v7 =	vld [tilespmem:s18+$0x10450];
	[tilespmem:s15+$0x104E0] =	vst v1  }
0xfc: {  	v1 =	vmul.f32 $1.131370830e+01, v5;
	v5 =	vld [tilespmem:s18+$0x10460];
	[tilespmem:s15+$0x104F0] =	vst v0;
	s15 =	smov.u32 s18  }
0xfd: {  	[tilespmem:s15+$0x10400] =	vst v6;
	v0 =	vmul.f32 $1.131370830e+01, v2;
	v2 =	vld [tilespmem:s15+$0x10470]  }
0xfe: {  	[tilespmem:s15+$0x10410] =	vst v1;
	v1 =	vmul.f32 $1.131370830e+01, v3;
	v3 =	vld [tilespmem:s15+$0x10480]  }
0xff: {  	[tilespmem:s15+$0x10420] =	vst v0;
	v0 =	vmul.f32 $1.131370830e+01, v4;
	v4 =	vld [tilespmem:s15+$0x10490]  }
.Ltmp4:
0x100: {  	[tilespmem:s15+$0x10430] =	vst v1;
	v6 =	vmul.f32 $1.131370830e+01, v7;
	v1 =	vld [tilespmem:s15+$0x104A0];
	(pc) =	sbr.rel @p1 .LBB2_11-.Ltmp4, $4  }
0x101: {  	[tilespmem:s15+$0x10440] =	vst v0;
	v5 =	vmul.f32 $1.131370830e+01, v5;
	v0 =	vld [tilespmem:s15+$0x104B0]  }
0x102: {  	[tilespmem:s15+$0x10450] =	vst v6;
	v7 =	vmul.f32 $1.131370830e+01, v2;
	v2 =	vld [tilespmem:s15+$0x104C0]  }
0x103: {  	[tilespmem:s15+$0x10460] =	vst v5;
	v6 =	vmul.f32 $1.131370830e+01, v3;
	v3 =	vld [tilespmem:s15+$0x104D0]  }
0x104: {  	s16 =	sadd.s32 $0x400, s16;
	[tilespmem:s15+$0x10470] =	vst v7;
	v5 =	vmul.f32 $1.131370830e+01, v4;
	v4 =	vld [tilespmem:s15+$0x104E0]  }
0x105: {  	[tilespmem:s15+$0x10480] =	vst v6;
	v1 =	vmul.f32 $1.131370830e+01, v1;
	v6 =	vld [tilespmem:s15+$0x104F0]  }
0x106: {  	[tilespmem:s15+$0x10490] =	vst v5;
	v0 =	vmul.f32 $1.131370830e+01, v0  }
0x107: {  	[tilespmem:s15+$0x104A0] =	vst v1;
	v1 =	vmul.f32 $1.131370830e+01, v2  }
0x108: {  	[tilespmem:s15+$0x104B0] =	vst v0;
	v0 =	vmul.f32 $1.131370830e+01, v3  }
0x109: {  	[tilespmem:s15+$0x104C0] =	vst v1;
	v1 =	vmul.f32 $1.131370830e+01, v4  }
0x10a: {  	s16 =	sadd.s32 s6, s10;
	[tilespmem:s15+$0x104D0] =	vst v0;
	v0 =	vmul.f32 $1.131370830e+01, v6  }
0x10b: {  	s16 =	sshll.u32 s16, $0x4;
	[tilespmem:s15+$0x104E0] =	vst v1  }
0x10c: {  	s18 =	sadd.s32 s3, s16;
	[tilespmem:s15+$0x104F0] =	vst v0;
	s15 =	simm.s32 @!p0 $0xC  }
0x10d: {  	[hbm4b:s18+s5] =	stream.linear.scatter [tilespmem:s22], [sflag:$0xD], $0x2800, $0x38;
	[tilespmem:$0x1A400] =	vst v63  }
0x10e: {  	_ =	swait.ge @!p0 [sflag:s15], $0x2800  }
0x10f: {  	s16 =	simm.s32 @!p0 $0x50;
	[sflag:s15] =	ssyncset.done @!p0 $0x0  }
0x110: {  	s18 =	simm.s32 @!p0 $0xDC00;
	[sflag:s15] =	ssyncadd.s32 @!p0 $0xFFFFD800;
	s15 =	sadd.s32 @!p0 $0x370, s12  }
0x111: {  	[tilespmem:s18], [sflag:$0x4] =	stream.indirect.gather @!p0 [hbm4b:s2+s16], $0x80, s15, s16, $0xb8;
	[tilespmem:$0x1A400] =	vst v63  }
0x112: {  	_ =	swait.ge [sflag:s0], $0x2800  }
0x113: {  	[sflag:s0] =	ssyncset.done $0x0  }
0x114: {  	s15 =	simm.s32 $0x0;
	[sflag:s0] =	ssyncadd.s32 $0xFFFFD800  }
0x115: {  	v0 =	vld [tilespmem:s15+$0x12C00]  }
0x116: {  	v1 =	vld [tilespmem:s15+$0x12C10]  }
0x117: {  	v2 =	vld [tilespmem:s15+$0x12C20]  }
0x118: {  	v3 =	vld [tilespmem:s15+$0x12C30]  }
0x119: {  	v4 =	vld [tilespmem:s15+$0x12C40]  }
0x11a: {  	v5 =	vld [tilespmem:s15+$0x12C50];
	v0 =	vmul.f32 $1.131370830e+01, v0  }
0x11b: {  	v6 =	vld [tilespmem:s15+$0x12C60];
	v1 =	vmul.f32 $1.131370830e+01, v1  }
0x11c: {  	v7 =	vld [tilespmem:s15+$0x12C70];
	[tilespmem:s15+$0x12C00] =	vst v0;
	v0 =	vmul.f32 $1.131370830e+01, v2  }
0x11d: {  	v8 =	vld [tilespmem:s15+$0x12C80];
	[tilespmem:s15+$0x12C10] =	vst v1;
	v1 =	vmul.f32 $1.131370830e+01, v3  }
0x11e: {  	v9 =	vld [tilespmem:s15+$0x12C90];
	[tilespmem:s15+$0x12C20] =	vst v0;
	v0 =	vmul.f32 $1.131370830e+01, v4  }
0x11f: {  	v2 =	vmul.f32 $1.131370830e+01, v5;
	[tilespmem:s15+$0x12C30] =	vst v1;
	v1 =	vld [tilespmem:s15+$0x12CA0]  }
0x120: {  	v3 =	vmul.f32 $1.131370830e+01, v6;
	[tilespmem:s15+$0x12C40] =	vst v0;
	v0 =	vld [tilespmem:s15+$0x12CB0]  }
0x121: {  	[tilespmem:s15+$0x12C50] =	vst v2;
	v2 =	vld [tilespmem:s15+$0x12CC0];
	v4 =	vmul.f32 $1.131370830e+01, v7  }
0x122: {  	v6 =	vmul.f32 $1.131370830e+01, v8;
	[tilespmem:s15+$0x12C60] =	vst v3;
	v3 =	vld [tilespmem:s15+$0x12CD0]  }
0x123: {  	s16 =	simm.s32 $0x400;
	v5 =	vmul.f32 $1.131370830e+01, v9;
	[tilespmem:s15+$0x12C70] =	vst v4;
	v4 =	vld [tilespmem:s15+$0x12CE0]  }
.LBB2_13:
0x124: {  	s18 =	sshra.s32 s16, $0x2;
	p1 =	sne.s32 s16, $0x9C00;
	[tilespmem:s15+$0x12C80] =	vst v6;
	v1 =	vmul.f32 $1.131370830e+01, v1;
	v6 =	vld [tilespmem:s15+$0x12CF0]  }
0x125: {  	v7 =	vld [tilespmem:s18+$0x12C00];
	[tilespmem:s15+$0x12C90] =	vst v5;
	v0 =	vmul.f32 $1.131370830e+01, v0  }
0x126: {  	v5 =	vld [tilespmem:s18+$0x12C10];
	[tilespmem:s15+$0x12CA0] =	vst v1;
	v1 =	vmul.f32 $1.131370830e+01, v2  }
0x127: {  	v2 =	vld [tilespmem:s18+$0x12C20];
	[tilespmem:s15+$0x12CB0] =	vst v0;
	v0 =	vmul.f32 $1.131370830e+01, v3  }
0x128: {  	v3 =	vld [tilespmem:s18+$0x12C30];
	[tilespmem:s15+$0x12CC0] =	vst v1;
	v1 =	vmul.f32 $1.131370830e+01, v4  }
0x129: {  	v4 =	vld [tilespmem:s18+$0x12C40];
	[tilespmem:s15+$0x12CD0] =	vst v0;
	v0 =	vmul.f32 $1.131370830e+01, v6  }
0x12a: {  	v6 =	vmul.f32 $1.131370830e+01, v7;
	v7 =	vld [tilespmem:s18+$0x12C50];
	[tilespmem:s15+$0x12CE0] =	vst v1  }
0x12b: {  	v1 =	vmul.f32 $1.131370830e+01, v5;
	v5 =	vld [tilespmem:s18+$0x12C60];
	[tilespmem:s15+$0x12CF0] =	vst v0;
	s15 =	smov.u32 s18  }
0x12c: {  	[tilespmem:s15+$0x12C00] =	vst v6;
	v0 =	vmul.f32 $1.131370830e+01, v2;
	v2 =	vld [tilespmem:s15+$0x12C70]  }
0x12d: {  	[tilespmem:s15+$0x12C10] =	vst v1;
	v1 =	vmul.f32 $1.131370830e+01, v3;
	v3 =	vld [tilespmem:s15+$0x12C80]  }
0x12e: {  	[tilespmem:s15+$0x12C20] =	vst v0;
	v0 =	vmul.f32 $1.131370830e+01, v4;
	v4 =	vld [tilespmem:s15+$0x12C90]  }
.Ltmp5:
0x12f: {  	[tilespmem:s15+$0x12C30] =	vst v1;
	v6 =	vmul.f32 $1.131370830e+01, v7;
	v1 =	vld [tilespmem:s15+$0x12CA0];
	(pc) =	sbr.rel @p1 .LBB2_13-.Ltmp5, $4  }
0x130: {  	[tilespmem:s15+$0x12C40] =	vst v0;
	v5 =	vmul.f32 $1.131370830e+01, v5;
	v0 =	vld [tilespmem:s15+$0x12CB0]  }
0x131: {  	[tilespmem:s15+$0x12C50] =	vst v6;
	v7 =	vmul.f32 $1.131370830e+01, v2;
	v2 =	vld [tilespmem:s15+$0x12CC0]  }
0x132: {  	[tilespmem:s15+$0x12C60] =	vst v5;
	v6 =	vmul.f32 $1.131370830e+01, v3;
	v3 =	vld [tilespmem:s15+$0x12CD0]  }
0x133: {  	s16 =	sadd.s32 $0x400, s16;
	[tilespmem:s15+$0x12C70] =	vst v7;
	v5 =	vmul.f32 $1.131370830e+01, v4;
	v4 =	vld [tilespmem:s15+$0x12CE0]  }
0x134: {  	[tilespmem:s15+$0x12C80] =	vst v6;
	v1 =	vmul.f32 $1.131370830e+01, v1;
	v6 =	vld [tilespmem:s15+$0x12CF0]  }
0x135: {  	[tilespmem:s15+$0x12C90] =	vst v5;
	v0 =	vmul.f32 $1.131370830e+01, v0  }
0x136: {  	[tilespmem:s15+$0x12CA0] =	vst v1;
	v1 =	vmul.f32 $1.131370830e+01, v2  }
0x137: {  	[tilespmem:s15+$0x12CB0] =	vst v0;
	v0 =	vmul.f32 $1.131370830e+01, v3  }
0x138: {  	[tilespmem:s15+$0x12CC0] =	vst v1;
	v1 =	vmul.f32 $1.131370830e+01, v4  }
0x139: {  	s6 =	sadd.s32 s6, s11;
	[tilespmem:s15+$0x12CD0] =	vst v0;
	v0 =	vmul.f32 $1.131370830e+01, v6  }
0x13a: {  	s6 =	sshll.u32 s6, $0x4;
	[tilespmem:s15+$0x12CE0] =	vst v1  }
0x13b: {  	s6 =	sadd.s32 s3, s6;
	[tilespmem:s15+$0x12CF0] =	vst v0  }
0x13c: {  	[hbm4b:s6+s5] =	stream.linear.scatter [tilespmem:s24], [sflag:$0xE], $0x2800, $0x38;
	[tilespmem:$0x1A400] =	vst v63  }
0x13d: {  	s6 =	simm.s32 @!p0 $0xD  }
0x13e: {  	_ =	swait.ge @!p0 [sflag:s6], $0x2800  }
0x13f: {  	s16 =	simm.s32 @!p0 $0x10400;
	[sflag:s6] =	ssyncset.done @!p0 $0x0  }
0x140: {  	s15 =	simm.s32 @!p0 $0x50;
	[sflag:s6] =	ssyncadd.s32 @!p0 $0xFFFFD800;
	s6 =	sadd.s32 @!p0 $0x3C0, s12  }
0x141: {  	[tilespmem:s16], [sflag:$0x5] =	stream.indirect.gather @!p0 [hbm4b:s2+s15], $0x80, s6, s15, $0xb8;
	[tilespmem:$0x1A400] =	vst v63  }
0x142: {  	_ =	swait.ge [sflag:s17], $0x2800  }
0x143: {  	[sflag:s17] =	ssyncset.done $0x0  }
0x144: {  	s6 =	simm.s32 $0x0;
	[sflag:s17] =	ssyncadd.s32 $0xFFFFD800  }
0x145: {  	v0 =	vld [tilespmem:s6+$0x15400]  }
0x146: {  	v1 =	vld [tilespmem:s6+$0x15410]  }
0x147: {  	v2 =	vld [tilespmem:s6+$0x15420]  }
0x148: {  	v3 =	vld [tilespmem:s6+$0x15430]  }
0x149: {  	v4 =	vld [tilespmem:s6+$0x15440]  }
0x14a: {  	v5 =	vld [tilespmem:s6+$0x15450];
	v0 =	vmul.f32 $1.131370830e+01, v0  }
0x14b: {  	v6 =	vld [tilespmem:s6+$0x15460];
	v1 =	vmul.f32 $1.131370830e+01, v1  }
0x14c: {  	v7 =	vld [tilespmem:s6+$0x15470];
	[tilespmem:s6+$0x15400] =	vst v0;
	v0 =	vmul.f32 $1.131370830e+01, v2  }
0x14d: {  	v8 =	vld [tilespmem:s6+$0x15480];
	[tilespmem:s6+$0x15410] =	vst v1;
	v1 =	vmul.f32 $1.131370830e+01, v3  }
0x14e: {  	v9 =	vld [tilespmem:s6+$0x15490];
	[tilespmem:s6+$0x15420] =	vst v0;
	v0 =	vmul.f32 $1.131370830e+01, v4  }
0x14f: {  	v2 =	vmul.f32 $1.131370830e+01, v5;
	[tilespmem:s6+$0x15430] =	vst v1;
	v1 =	vld [tilespmem:s6+$0x154A0]  }
0x150: {  	v3 =	vmul.f32 $1.131370830e+01, v6;
	[tilespmem:s6+$0x15440] =	vst v0;
	v0 =	vld [tilespmem:s6+$0x154B0]  }
0x151: {  	[tilespmem:s6+$0x15450] =	vst v2;
	v2 =	vld [tilespmem:s6+$0x154C0];
	v4 =	vmul.f32 $1.131370830e+01, v7  }
0x152: {  	v6 =	vmul.f32 $1.131370830e+01, v8;
	[tilespmem:s6+$0x15460] =	vst v3;
	v3 =	vld [tilespmem:s6+$0x154D0]  }
0x153: {  	s15 =	simm.s32 $0x400;
	v5 =	vmul.f32 $1.131370830e+01, v9;
	[tilespmem:s6+$0x15470] =	vst v4;
	v4 =	vld [tilespmem:s6+$0x154E0]  }
.LBB2_15:
0x154: {  	s16 =	sshra.s32 s15, $0x2;
	p1 =	sne.s32 s15, $0x9C00;
	[tilespmem:s6+$0x15480] =	vst v6;
	v1 =	vmul.f32 $1.131370830e+01, v1;
	v6 =	vld [tilespmem:s6+$0x154F0]  }
0x155: {  	v7 =	vld [tilespmem:s16+$0x15400];
	[tilespmem:s6+$0x15490] =	vst v5;
	v0 =	vmul.f32 $1.131370830e+01, v0  }
0x156: {  	v5 =	vld [tilespmem:s16+$0x15410];
	[tilespmem:s6+$0x154A0] =	vst v1;
	v1 =	vmul.f32 $1.131370830e+01, v2  }
0x157: {  	v2 =	vld [tilespmem:s16+$0x15420];
	[tilespmem:s6+$0x154B0] =	vst v0;
	v0 =	vmul.f32 $1.131370830e+01, v3  }
0x158: {  	v3 =	vld [tilespmem:s16+$0x15430];
	[tilespmem:s6+$0x154C0] =	vst v1;
	v1 =	vmul.f32 $1.131370830e+01, v4  }
0x159: {  	v4 =	vld [tilespmem:s16+$0x15440];
	[tilespmem:s6+$0x154D0] =	vst v0;
	v0 =	vmul.f32 $1.131370830e+01, v6  }
0x15a: {  	v6 =	vmul.f32 $1.131370830e+01, v7;
	v7 =	vld [tilespmem:s16+$0x15450];
	[tilespmem:s6+$0x154E0] =	vst v1  }
0x15b: {  	v1 =	vmul.f32 $1.131370830e+01, v5;
	v5 =	vld [tilespmem:s16+$0x15460];
	[tilespmem:s6+$0x154F0] =	vst v0;
	s6 =	smov.u32 s16  }
0x15c: {  	[tilespmem:s6+$0x15400] =	vst v6;
	v0 =	vmul.f32 $1.131370830e+01, v2;
	v2 =	vld [tilespmem:s6+$0x15470]  }
0x15d: {  	[tilespmem:s6+$0x15410] =	vst v1;
	v1 =	vmul.f32 $1.131370830e+01, v3;
	v3 =	vld [tilespmem:s6+$0x15480]  }
0x15e: {  	[tilespmem:s6+$0x15420] =	vst v0;
	v0 =	vmul.f32 $1.131370830e+01, v4;
	v4 =	vld [tilespmem:s6+$0x15490]  }
.Ltmp6:
0x15f: {  	[tilespmem:s6+$0x15430] =	vst v1;
	v6 =	vmul.f32 $1.131370830e+01, v7;
	v1 =	vld [tilespmem:s6+$0x154A0];
	(pc) =	sbr.rel @p1 .LBB2_15-.Ltmp6, $4  }
0x160: {  	[tilespmem:s6+$0x15440] =	vst v0;
	v5 =	vmul.f32 $1.131370830e+01, v5;
	v0 =	vld [tilespmem:s6+$0x154B0]  }
0x161: {  	[tilespmem:s6+$0x15450] =	vst v6;
	v7 =	vmul.f32 $1.131370830e+01, v2;
	v2 =	vld [tilespmem:s6+$0x154C0]  }
0x162: {  	[tilespmem:s6+$0x15460] =	vst v5;
	v6 =	vmul.f32 $1.131370830e+01, v3;
	v3 =	vld [tilespmem:s6+$0x154D0]  }
0x163: {  	s15 =	sadd.s32 $0x400, s15;
	[tilespmem:s6+$0x15470] =	vst v7;
	v5 =	vmul.f32 $1.131370830e+01, v4;
	v4 =	vld [tilespmem:s6+$0x154E0]  }
0x164: {  	[tilespmem:s6+$0x15480] =	vst v6;
	v1 =	vmul.f32 $1.131370830e+01, v1;
	v6 =	vld [tilespmem:s6+$0x154F0]  }
0x165: {  	[tilespmem:s6+$0x15490] =	vst v5;
	v0 =	vmul.f32 $1.131370830e+01, v0  }
0x166: {  	[tilespmem:s6+$0x154A0] =	vst v1;
	v1 =	vmul.f32 $1.131370830e+01, v2  }
0x167: {  	s15 =	smul.u32 $0x50, s21;
	[tilespmem:s6+$0x154B0] =	vst v0;
	v0 =	vmul.f32 $1.131370830e+01, v3  }
0x168: {  	[tilespmem:s6+$0x154C0] =	vst v1;
	v1 =	vmul.f32 $1.131370830e+01, v4  }
0x169: {  	s15 =	sadd.s32 s4, s15;
	[tilespmem:s6+$0x154D0] =	vst v0;
	v0 =	vmul.f32 $1.131370830e+01, v6  }
0x16a: {  	s15 =	sshll.u32 s15, $0x4;
	[tilespmem:s6+$0x154E0] =	vst v1  }
0x16b: {  	s21 =	sadd.s32 s3, s15;
	[tilespmem:s6+$0x154F0] =	vst v0;
	s6 =	simm.s32 @!p0 $0xE  }
0x16c: {  	[hbm4b:s21+s5] =	stream.linear.scatter [tilespmem:s25], [sflag:$0xF], $0x2800, $0x38;
	[tilespmem:$0x1A400] =	vst v63  }
0x16d: {  	_ =	swait.ge @!p0 [sflag:s6], $0x2800  }
0x16e: {  	s15 =	simm.s32 @!p0 $0x12C00;
	[sflag:s6] =	ssyncset.done @!p0 $0x0  }
0x16f: {  	[sflag:s6] =	ssyncadd.s32 @!p0 $0xFFFFD800;
	s6 =	sadd.s32 @!p0 $0x410, s12;
	s12 =	simm.s32 @!p0 $0x50  }
0x170: {  	[tilespmem:s15], [sflag:$0x6] =	stream.indirect.gather @!p0 [hbm4b:s2+s12], $0x80, s6, s12, $0xb8;
	[tilespmem:$0x1A400] =	vst v63  }
0x171: {  	_ =	swait.ge [sflag:s19], $0x2800  }
0x172: {  	[sflag:s19] =	ssyncset.done $0x0  }
0x173: {  	s6 =	simm.s32 $0x0;
	[sflag:s19] =	ssyncadd.s32 $0xFFFFD800  }
0x174: {  	v0 =	vld [tilespmem:s6+$0x17C00]  }
0x175: {  	v1 =	vld [tilespmem:s6+$0x17C10]  }
0x176: {  	v2 =	vld [tilespmem:s6+$0x17C20]  }
0x177: {  	v3 =	vld [tilespmem:s6+$0x17C30]  }
0x178: {  	v4 =	vld [tilespmem:s6+$0x17C40]  }
0x179: {  	v5 =	vld [tilespmem:s6+$0x17C50];
	v0 =	vmul.f32 $1.131370830e+01, v0  }
0x17a: {  	v6 =	vld [tilespmem:s6+$0x17C60];
	v1 =	vmul.f32 $1.131370830e+01, v1  }
0x17b: {  	v7 =	vld [tilespmem:s6+$0x17C70];
	[tilespmem:s6+$0x17C00] =	vst v0;
	v0 =	vmul.f32 $1.131370830e+01, v2  }
0x17c: {  	v8 =	vld [tilespmem:s6+$0x17C80];
	[tilespmem:s6+$0x17C10] =	vst v1;
	v1 =	vmul.f32 $1.131370830e+01, v3  }
0x17d: {  	v9 =	vld [tilespmem:s6+$0x17C90];
	[tilespmem:s6+$0x17C20] =	vst v0;
	v0 =	vmul.f32 $1.131370830e+01, v4  }
0x17e: {  	v2 =	vmul.f32 $1.131370830e+01, v5;
	[tilespmem:s6+$0x17C30] =	vst v1;
	v1 =	vld [tilespmem:s6+$0x17CA0]  }
0x17f: {  	v3 =	vmul.f32 $1.131370830e+01, v6;
	[tilespmem:s6+$0x17C40] =	vst v0;
	v0 =	vld [tilespmem:s6+$0x17CB0]  }
0x180: {  	[tilespmem:s6+$0x17C50] =	vst v2;
	v2 =	vld [tilespmem:s6+$0x17CC0];
	v4 =	vmul.f32 $1.131370830e+01, v7  }
0x181: {  	v6 =	vmul.f32 $1.131370830e+01, v8;
	[tilespmem:s6+$0x17C60] =	vst v3;
	v3 =	vld [tilespmem:s6+$0x17CD0]  }
0x182: {  	s12 =	simm.s32 $0x400;
	v5 =	vmul.f32 $1.131370830e+01, v9;
	[tilespmem:s6+$0x17C70] =	vst v4;
	v4 =	vld [tilespmem:s6+$0x17CE0]  }
.LBB2_17:
0x183: {  	s15 =	sshra.s32 s12, $0x2;
	p0 =	sne.s32 s12, $0x9C00;
	[tilespmem:s6+$0x17C80] =	vst v6;
	v1 =	vmul.f32 $1.131370830e+01, v1;
	v6 =	vld [tilespmem:s6+$0x17CF0]  }
0x184: {  	v7 =	vld [tilespmem:s15+$0x17C00];
	[tilespmem:s6+$0x17C90] =	vst v5;
	v0 =	vmul.f32 $1.131370830e+01, v0  }
0x185: {  	v5 =	vld [tilespmem:s15+$0x17C10];
	[tilespmem:s6+$0x17CA0] =	vst v1;
	v1 =	vmul.f32 $1.131370830e+01, v2  }
0x186: {  	v2 =	vld [tilespmem:s15+$0x17C20];
	[tilespmem:s6+$0x17CB0] =	vst v0;
	v0 =	vmul.f32 $1.131370830e+01, v3  }
0x187: {  	v3 =	vld [tilespmem:s15+$0x17C30];
	[tilespmem:s6+$0x17CC0] =	vst v1;
	v1 =	vmul.f32 $1.131370830e+01, v4  }
0x188: {  	v4 =	vld [tilespmem:s15+$0x17C40];
	[tilespmem:s6+$0x17CD0] =	vst v0;
	v0 =	vmul.f32 $1.131370830e+01, v6  }
0x189: {  	v6 =	vmul.f32 $1.131370830e+01, v7;
	v7 =	vld [tilespmem:s15+$0x17C50];
	[tilespmem:s6+$0x17CE0] =	vst v1  }
0x18a: {  	v1 =	vmul.f32 $1.131370830e+01, v5;
	v5 =	vld [tilespmem:s15+$0x17C60];
	[tilespmem:s6+$0x17CF0] =	vst v0;
	s6 =	smov.u32 s15  }
0x18b: {  	[tilespmem:s6+$0x17C00] =	vst v6;
	v0 =	vmul.f32 $1.131370830e+01, v2;
	v2 =	vld [tilespmem:s6+$0x17C70]  }
0x18c: {  	[tilespmem:s6+$0x17C10] =	vst v1;
	v1 =	vmul.f32 $1.131370830e+01, v3;
	v3 =	vld [tilespmem:s6+$0x17C80]  }
0x18d: {  	[tilespmem:s6+$0x17C20] =	vst v0;
	v0 =	vmul.f32 $1.131370830e+01, v4;
	v4 =	vld [tilespmem:s6+$0x17C90]  }
.Ltmp7:
0x18e: {  	[tilespmem:s6+$0x17C30] =	vst v1;
	v6 =	vmul.f32 $1.131370830e+01, v7;
	v1 =	vld [tilespmem:s6+$0x17CA0];
	(pc) =	sbr.rel @p0 .LBB2_17-.Ltmp7, $4  }
0x18f: {  	[tilespmem:s6+$0x17C40] =	vst v0;
	v5 =	vmul.f32 $1.131370830e+01, v5;
	v0 =	vld [tilespmem:s6+$0x17CB0]  }
0x190: {  	[tilespmem:s6+$0x17C50] =	vst v6;
	v7 =	vmul.f32 $1.131370830e+01, v2;
	v2 =	vld [tilespmem:s6+$0x17CC0]  }
0x191: {  	[tilespmem:s6+$0x17C60] =	vst v5;
	v6 =	vmul.f32 $1.131370830e+01, v3;
	v3 =	vld [tilespmem:s6+$0x17CD0]  }
0x192: {  	s12 =	sadd.s32 $0x400, s12;
	[tilespmem:s6+$0x17C70] =	vst v7;
	v5 =	vmul.f32 $1.131370830e+01, v4;
	v4 =	vld [tilespmem:s6+$0x17CE0]  }
0x193: {  	[tilespmem:s6+$0x17C80] =	vst v6;
	v1 =	vmul.f32 $1.131370830e+01, v1;
	v59 =	vld [tilespmem:s6+$0x17CF0]  }
0x194: {  	[tilespmem:s6+$0x17C90] =	vst v5;
	v0 =	vmul.f32 $1.131370830e+01, v0  }
0x195: {  	s13 =	sadd.s32 $0x1, s13;
	[tilespmem:s6+$0x17CA0] =	vst v1;
	v60 =	vmul.f32 $1.131370830e+01, v2  }
0x196: {  	s12 =	smul.u32 $0x50, s23;
	p0 =	sne.s32 s13, $0x28;
	[tilespmem:s6+$0x17CB0] =	vst v0;
	v61 =	vmul.f32 $1.131370830e+01, v3  }
.Ltmp8:
0x197: {  	[tilespmem:s6+$0x17CC0] =	vst v60;
	v62 =	vmul.f32 $1.131370830e+01, v4;
	(pc) =	sbr.rel @p0 .LBB2_2-.Ltmp8, $4  }
0x198: {  	s12 =	sadd.s32 s4, s12;
	[tilespmem:s6+$0x17CD0] =	vst v61;
	v63 =	vmul.f32 $1.131370830e+01, v59  }
0x199: {  	s12 =	sshll.u32 s12, $0x4;
	[tilespmem:s6+$0x17CE0] =	vst v62  }
0x19a: {  	s23 =	sadd.s32 s3, s12;
	[tilespmem:s6+$0x17CF0] =	vst v63  }
0x19b: {  	[hbm4b:s23+s5] =	stream.linear.scatter [tilespmem:s28], [sflag:$0x10], $0x2800, $0x38;
	[tilespmem:$0x1A400] =	vst v63  }
0x19c: {  	s6 =	simm.s32 $0x9  }
0x19d: {  	_ =	swait.ge [sflag:s6], $0x2800  }
0x19e: {  	[sflag:s6] =	ssyncset.done $0x0  }
0x19f: {  	s12 =	simm.s32 $0xA;
	[sflag:s6] =	ssyncadd.s32 $0xFFFFD800  }
0x1a0: {  	_ =	swait.ge [sflag:s12], $0x2800  }
0x1a1: {  	[sflag:s12] =	ssyncset.done $0x0  }
0x1a2: {  	s13 =	simm.s32 $0xB;
	[sflag:s12] =	ssyncadd.s32 $0xFFFFD800  }
0x1a3: {  	_ =	swait.ge [sflag:s13], $0x2800  }
0x1a4: {  	[sflag:s13] =	ssyncset.done $0x0  }
0x1a5: {  	s15 =	simm.s32 $0xC;
	[sflag:s13] =	ssyncadd.s32 $0xFFFFD800  }
0x1a6: {  	_ =	swait.ge [sflag:s15], $0x2800  }
0x1a7: {  	[sflag:s15] =	ssyncset.done $0x0  }
0x1a8: {  	s16 =	simm.s32 $0xD;
	[sflag:s15] =	ssyncadd.s32 $0xFFFFD800  }
0x1a9: {  	_ =	swait.ge [sflag:s16], $0x2800  }
0x1aa: {  	[sflag:s16] =	ssyncset.done $0x0  }
0x1ab: {  	s18 =	simm.s32 $0xE;
	[sflag:s16] =	ssyncadd.s32 $0xFFFFD800  }
0x1ac: {  	_ =	swait.ge [sflag:s18], $0x2800  }
0x1ad: {  	[sflag:s18] =	ssyncset.done $0x0  }
0x1ae: {  	s21 =	simm.s32 $0xF;
	[sflag:s18] =	ssyncadd.s32 $0xFFFFD800  }
0x1af: {  	_ =	swait.ge [sflag:s21], $0x2800  }
0x1b0: {  	[sflag:s21] =	ssyncset.done $0x0  }
0x1b1: {  	s12 =	simm.s32 $0x10;
	[sflag:s21] =	ssyncadd.s32 $0xFFFFD800  }
0x1b2: {  	_ =	swait.ge [sflag:s12], $0x2800  }
0x1b3: {  	s13 =	rddreg [dreg:$0x6]  }
0x1b4: {  	s23 =	rddreg [dreg:$0x5];
	s13 =	sadd.s32 $0x1, s13  }
0x1b5: {  	p0 =	sne.s32 s13, s23  }
.Ltmp9:
0x1b6: {  	_ = 	snop;
	(pc) =	sbr.rel @p0 .LBB2_1-.Ltmp9, $3  }
0x1b7: {  	_ =	sdelay $0x1  }
0x1b8: {  	[sflag:s12] =	ssyncset.done $0x0  }
0x1b9: {  	[sflag:s12] =	ssyncadd.s32 $0xFFFFD800  }
0x1ba: {  	_ =	sfence.sel $0x180000  }
0x1bb: {  	[bflag:$0x0] =	sbarrier.arrive $0xFFFF  }
0x1bc: {  	_ =	strace $0x90000047  }
0x1bd: {  	s0 =	stileid.u32;
	[bflag:$0x2] =	sbarrier.arrive $0xFFFF  }
0x1be: {  	p0 =	sne.s32 s0, $0x0;
	s0 =	rddreg [dreg:$0x3]  }
0x1bf: {  	s0 =	sadd.s32 @!p0 $0x100000, s0  }
0x1c0: {  	[sflag:s0] =	ssyncadd.tile.s32 @!p0 $0x1;
	_ =	shalt  }
.Lfunc_end2:
_tile_overlayer_lowered:
.L_overlay_start_2:
0x1c1: {  	(tag) =	ssettag $0x2  }
0x1c2: {  	s0 =	rddreg [dreg:$0x0];
	s2 =	stileid.u32  }
0x1c3: {  	s1 =	rddreg [dreg:$0x1];
	p0 =	sne.s32 s2, $0x0  }
0x1c4: {  	s3 =	rddreg [dreg:$0x2];
	[bflag:$0x3] =	sbarrier.arrive $0xFFFF;
	s2 =	simm.s32 @!p0 $0x1C11  }
0x1c5: {  	[timem:s3], [sflag:s2] =	dma.local @!p0 [hbm:s0], s1  }
0x1c6: {  	s0 =	simm.s32 @!p0 $0x11  }
0x1c7: {  	_ =	swait.ge @!p0 [sflag:s0], s1  }
0x1c8: {  	s1 =	ssub.s32 @!p0 $0x0, s1;
	[sflag:s0] =	ssyncset.done @!p0 $0x0  }
0x1c9: {  	[sflag:s0] =	ssyncadd.s32 @!p0 s1  }
0x1ca: {  	[bflag:$0x3] =	sbarrier.arrive $0xFFFF  }
0x1cb: {  	_ =	shalt  }

</sc_bundles>
